<compile_context>
chip_gen: v7x
topology: tpu7x:2x2x1
jax: 0.10.2.dev20260603
libtpu: 0.0.44.dev20260713+nightly
codegen_flags: <defaults>
</compile_context>

<pallas_src>
import functools

import jax
import jax.numpy as jnp
from jax import lax
from jax.experimental import pallas as pl
from jax.experimental.pallas import tpu as pltpu
from jax.experimental.pallas import tpu_sc as plsc

V = 1000000
BATCH = 16384
DIM = 16
NC = 2
NS = 16
NW = NC * NS
B_PER_W = BATCH // NW
G = 16
NG = B_PER_W // G

_mesh = plsc.VectorSubcoreMesh(
    core_axis_name="c", subcore_axis_name="s", num_cores=NC, num_subcores=NS)


@functools.partial(
    pl.kernel,
    mesh=_mesh,
    out_type=(
        jax.ShapeDtypeStruct((DIM, BATCH), jnp.float32),
        jax.ShapeDtypeStruct((DIM, BATCH), jnp.float32),
    ),
    scratch_types=(
        pltpu.VMEM((B_PER_W,), jnp.int32),
        pltpu.VMEM((B_PER_W,), jnp.int32),
        pltpu.VMEM((B_PER_W,), jnp.int32),
        pltpu.VMEM((G, DIM, 128), jnp.float32),
        pltpu.VMEM((G, DIM, 128), jnp.float32),
        pltpu.VMEM((G, DIM, 128), jnp.float32),
        pltpu.VMEM((DIM, B_PER_W), jnp.float32),
        pltpu.VMEM((DIM, B_PER_W), jnp.float32),
        pltpu.SemaphoreType.DMA,
    ),
    compiler_params=pltpu.CompilerParams(
        use_tc_tiling_on_sc=True, needs_layout_passes=False),
)
def _bdl_fwd(u_hbm, i_hbm, j_hbm, uwT, iwT, out_ui, out_uj,
             idx_u, idx_i, idx_j, gbu, gbi, gbj, obu, obj, sem):
    wid = lax.axis_index("s") * NC + lax.axis_index("c")
    base = wid * B_PER_W
    pltpu.sync_copy(u_hbm.at[pl.ds(base, B_PER_W)], idx_u)
    pltpu.sync_copy(i_hbm.at[pl.ds(base, B_PER_W)], idx_i)
    pltpu.sync_copy(j_hbm.at[pl.ds(base, B_PER_W)], idx_j)

    iota16 = lax.iota(jnp.int32, G)

    def group_body(g, _):
        g16 = g * G
        iv_u = idx_u[pl.ds(g16, G)]
        iv_i = idx_i[pl.ds(g16, G)]
        iv_j = idx_j[pl.ds(g16, G)]
        cv_u = (iv_u >> 7) << 7
        cv_i = (iv_i >> 7) << 7
        cv_j = (iv_j >> 7) << 7
        lv_u = iv_u - cv_u
        lv_i = iv_i - cv_i
        lv_j = iv_j - cv_j

        cps = []
        for (cv, tbl, gb) in ((cv_u, uwT, gbu),
                              (cv_i, iwT, gbi),
                              (cv_j, iwT, gbj)):
            for i in range(G):
                c = pl.multiple_of(cv[i], 128)
                cps.append(pltpu.async_copy(
                    tbl.at[:, pl.ds(c, 128)], gb.at[i], sem))
        for cp in cps:
            cp.wait()

        for f in range(DIM):
            fv = jnp.full((G,), f, jnp.int32)
            uf = plsc.load_gather(gbu, [iota16, fv, lv_u])
            vf = plsc.load_gather(gbi, [iota16, fv, lv_i])
            wf = plsc.load_gather(gbj, [iota16, fv, lv_j])
            obu[f, pl.ds(g16, G)] = uf * vf
            obj[f, pl.ds(g16, G)] = uf * wf
        return 0

    lax.fori_loop(0, NG, group_body, 0)
    pltpu.sync_copy(obu, out_ui.at[:, pl.ds(base, B_PER_W)])
    pltpu.sync_copy(obj, out_uj.at[:, pl.ds(base, B_PER_W)])


def kernel(user, item, neg_item, user_emb_w, item_emb_w):
    h_uiT, h_ujT = _bdl_fwd(user.astype(jnp.int32), item.astype(jnp.int32),
                            neg_item.astype(jnp.int32),
                            user_emb_w.T, item_emb_w.T)
    return (h_uiT.T, h_ujT.T)

# --- scband reference (transcript-rebuilt; emitter-appended) ---
"""Pipeline reference for scband-bdl-49606872269225 (READ-ONLY COPY).

The authoritative reference and input builder live on the scoring server;
editing this copy changes nothing except your own understanding.
"""

import jax, jax.numpy as jnp
import numpy as np

USER_NUM = 1000000
ITEM_NUM = 1000000
DIM = 16
BATCH = 16384

def setup_inputs(seed: int = 0):
    key = jax.random.key(seed)
    k1, k2, k3, k4, k5 = jax.random.split(key, 5)
    user = jax.random.randint(k1, (BATCH,), 0, USER_NUM)
    item = jax.random.randint(k2, (BATCH,), 0, ITEM_NUM)
    neg_item = jax.random.randint(k3, (BATCH,), 0, ITEM_NUM)
    # xavier_normal-style init for embedding tables
    std_u = (2.0 / (USER_NUM + DIM)) ** 0.5
    std_i = (2.0 / (ITEM_NUM + DIM)) ** 0.5
    user_emb_w = jax.random.normal(k4, (USER_NUM, DIM), dtype=jnp.float32) * std_u
    item_emb_w = jax.random.normal(k5, (ITEM_NUM, DIM), dtype=jnp.float32) * std_i
    return {"user": user, "item": item, "neg_item": neg_item,
            "user_emb_w": user_emb_w, "item_emb_w": item_emb_w}

def reference(user, item, neg_item, user_emb_w, item_emb_w):
    # BDL.forward_triple: gather user/item/neg-item embeddings, elementwise products
    h_u = jnp.take(user_emb_w, user, axis=0)
    h_i = jnp.take(item_emb_w, item, axis=0)
    h_j = jnp.take(item_emb_w, neg_item, axis=0)
    h_ui = h_u * h_i
    h_uj = h_u * h_j
    return (h_ui, h_uj)

if __name__ == "__main__":
    import jax
    _d = setup_inputs()
    print(jax.jit(kernel)(*tuple(_d.values())))

</pallas_src>

<mosaic_0001>
#map = affine_map<(d0, d1) -> (0)>
#map1 = affine_map<(d0, d1) -> (0, 0)>
module attributes {stable_mosaic.version = 14 : i64} {
  func.func @_bdl_fwd(%arg0: i32, %arg1: i32, %arg2: memref<16384xi32, #tpu.memory_space<hbm>>, %arg3: memref<16384xi32, #tpu.memory_space<hbm>>, %arg4: memref<16384xi32, #tpu.memory_space<hbm>>, %arg5: memref<16x1000000xf32, #tpu.memory_space<hbm>>, %arg6: memref<16x1000000xf32, #tpu.memory_space<hbm>>, %arg7: memref<16x16384xf32, #tpu.memory_space<hbm>>, %arg8: memref<16x16384xf32, #tpu.memory_space<hbm>>, %arg9: memref<512xi32, #tpu.memory_space<vmem>>, %arg10: memref<512xi32, #tpu.memory_space<vmem>>, %arg11: memref<512xi32, #tpu.memory_space<vmem>>, %arg12: memref<16x16x128xf32, #tpu.memory_space<vmem>>, %arg13: memref<16x16x128xf32, #tpu.memory_space<vmem>>, %arg14: memref<16x16x128xf32, #tpu.memory_space<vmem>>, %arg15: memref<16x512xf32, #tpu.memory_space<vmem>>, %arg16: memref<16x512xf32, #tpu.memory_space<vmem>>, %arg17: memref<!tpu.dma_semaphore, #tpu.memory_space<semaphore_mem>>) attributes {dimension_semantics = [#tpu.dimension_semantics<core_parallel>, #tpu.dimension_semantics<subcore_parallel>], iteration_bounds = array<i64: 2, 16>, scalar_prefetch = 0 : i64, scratch_operands = 9 : i64, tpu.core_type = #tpu.core_type<sc_vector_subcore>, window_params = [{transform_indices = #map}, {transform_indices = #map}, {transform_indices = #map}, {transform_indices = #map1}, {transform_indices = #map1}, {transform_indices = #map1}, {transform_indices = #map1}]} {
    %mul3A = arith.constant 2 : i32
    %mul3A_0 = arith.muli %arg1, %mul3A : i32
    %add3A = arith.addi %mul3A_0, %arg0 : i32
    %mul3A_1 = arith.constant 512 : i32
    %mul3A_2 = arith.muli %add3A, %mul3A_1 : i32
    "tpu.region"() ({
      %run_scoped3A = tpu.sem_alloc : memref<!tpu.dma_semaphore, #tpu.memory_space<semaphore_mem>>
      %dma_start3A = tpu.memref_slice %arg2[%mul3A_2] : memref<16384xi32, #tpu.memory_space<hbm>> -> memref<512xi32, #tpu.memory_space<hbm>>
      %dma_start3A_9 = tpu.memref_slice %arg2[%mul3A_2] : memref<16384xi32, #tpu.memory_space<hbm>> -> memref<512xi32, #tpu.memory_space<hbm>>
      tpu.enqueue_dma source(%dma_start3A_9 : memref<512xi32, #tpu.memory_space<hbm>>) target(%arg9 : memref<512xi32, #tpu.memory_space<vmem>>) target_semaphore(%run_scoped3A : memref<!tpu.dma_semaphore, #tpu.memory_space<semaphore_mem>>)
      %dma_wait3A = tpu.memref_slice %arg2[%mul3A_2] : memref<16384xi32, #tpu.memory_space<hbm>> -> memref<512xi32, #tpu.memory_space<hbm>>
      %dma_wait3A_10 = tpu.memref_slice %arg2[%mul3A_2] : memref<16384xi32, #tpu.memory_space<hbm>> -> memref<512xi32, #tpu.memory_space<hbm>>
      tpu.wait_dma2 semaphore(%run_scoped3A : memref<!tpu.dma_semaphore, #tpu.memory_space<semaphore_mem>>) src(%dma_wait3A_10 : memref<512xi32, #tpu.memory_space<hbm>>) dst(%arg9 : memref<512xi32, #tpu.memory_space<vmem>>)
      tpu.yield
    }) : () -> ()
    "tpu.region"() ({
      %run_scoped3A = tpu.sem_alloc : memref<!tpu.dma_semaphore, #tpu.memory_space<semaphore_mem>>
      %dma_start3A = tpu.memref_slice %arg3[%mul3A_2] : memref<16384xi32, #tpu.memory_space<hbm>> -> memref<512xi32, #tpu.memory_space<hbm>>
      %dma_start3A_9 = tpu.memref_slice %arg3[%mul3A_2] : memref<16384xi32, #tpu.memory_space<hbm>> -> memref<512xi32, #tpu.memory_space<hbm>>
      tpu.enqueue_dma source(%dma_start3A_9 : memref<512xi32, #tpu.memory_space<hbm>>) target(%arg10 : memref<512xi32, #tpu.memory_space<vmem>>) target_semaphore(%run_scoped3A : memref<!tpu.dma_semaphore, #tpu.memory_space<semaphore_mem>>)
      %dma_wait3A = tpu.memref_slice %arg3[%mul3A_2] : memref<16384xi32, #tpu.memory_space<hbm>> -> memref<512xi32, #tpu.memory_space<hbm>>
      %dma_wait3A_10 = tpu.memref_slice %arg3[%mul3A_2] : memref<16384xi32, #tpu.memory_space<hbm>> -> memref<512xi32, #tpu.memory_space<hbm>>
      tpu.wait_dma2 semaphore(%run_scoped3A : memref<!tpu.dma_semaphore, #tpu.memory_space<semaphore_mem>>) src(%dma_wait3A_10 : memref<512xi32, #tpu.memory_space<hbm>>) dst(%arg10 : memref<512xi32, #tpu.memory_space<vmem>>)
      tpu.yield
    }) : () -> ()
    "tpu.region"() ({
      %run_scoped3A = tpu.sem_alloc : memref<!tpu.dma_semaphore, #tpu.memory_space<semaphore_mem>>
      %dma_start3A = tpu.memref_slice %arg4[%mul3A_2] : memref<16384xi32, #tpu.memory_space<hbm>> -> memref<512xi32, #tpu.memory_space<hbm>>
      %dma_start3A_9 = tpu.memref_slice %arg4[%mul3A_2] : memref<16384xi32, #tpu.memory_space<hbm>> -> memref<512xi32, #tpu.memory_space<hbm>>
      tpu.enqueue_dma source(%dma_start3A_9 : memref<512xi32, #tpu.memory_space<hbm>>) target(%arg11 : memref<512xi32, #tpu.memory_space<vmem>>) target_semaphore(%run_scoped3A : memref<!tpu.dma_semaphore, #tpu.memory_space<semaphore_mem>>)
      %dma_wait3A = tpu.memref_slice %arg4[%mul3A_2] : memref<16384xi32, #tpu.memory_space<hbm>> -> memref<512xi32, #tpu.memory_space<hbm>>
      %dma_wait3A_10 = tpu.memref_slice %arg4[%mul3A_2] : memref<16384xi32, #tpu.memory_space<hbm>> -> memref<512xi32, #tpu.memory_space<hbm>>
      tpu.wait_dma2 semaphore(%run_scoped3A : memref<!tpu.dma_semaphore, #tpu.memory_space<semaphore_mem>>) src(%dma_wait3A_10 : memref<512xi32, #tpu.memory_space<hbm>>) dst(%arg11 : memref<512xi32, #tpu.memory_space<vmem>>)
      tpu.yield
    }) : () -> ()
    %iota3A = tpu.iota {dimensions = array<i32: 0>} : vector<16xi32>
    %scan3A = arith.constant 0 : i32
    %scan3A_3 = arith.constant 0 : i32
    %scan3A_4 = arith.constant 32 : i32
    %scan3A_5 = arith.addi %scan3A_3, %scan3A_4 : i32
    %scan3A_6 = arith.constant 1 : i32
    %scan3A_7 = scf.for %scan3A_9 = %scan3A_3 to %scan3A_5 step %scan3A_6 iter_args(%scan3A_10 = %scan3A) -> (i32)  : i32 {
      %mul3A_11 = arith.constant 16 : i32
      %mul3A_12 = arith.muli %scan3A_9, %mul3A_11 : i32
      %get3A = arith.index_cast %mul3A_12 : i32 to index
      %get3A_13 = tpu.vector_load %arg9[%get3A] {strides = array<i32>} : memref<512xi32, #tpu.memory_space<vmem>>, vector<16xi32>,
      %get3A_14 = arith.index_cast %mul3A_12 : i32 to index
      %get3A_15 = tpu.vector_load %arg10[%get3A_14] {strides = array<i32>} : memref<512xi32, #tpu.memory_space<vmem>>, vector<16xi32>,
      %get3A_16 = arith.index_cast %mul3A_12 : i32 to index
      %get3A_17 = tpu.vector_load %arg11[%get3A_16] {strides = array<i32>} : memref<512xi32, #tpu.memory_space<vmem>>, vector<16xi32>,
      %shift_right_arithmetic3A = arith.constant 7 : i32
      %shift_right_arithmetic3A_18 = vector.broadcast %shift_right_arithmetic3A : i32 to vector<16xi32>
      %shift_right_arithmetic3A_19 = arith.shrsi %get3A_13, %shift_right_arithmetic3A_18 : vector<16xi32>
      %shift_left3A = arith.constant 7 : i32
      %shift_left3A_20 = vector.broadcast %shift_left3A : i32 to vector<16xi32>
      %shift_left3A_21 = arith.shli %shift_right_arithmetic3A_19, %shift_left3A_20 : vector<16xi32>
      %shift_right_arithmetic3A_22 = arith.constant 7 : i32
      %shift_right_arithmetic3A_23 = vector.broadcast %shift_right_arithmetic3A_22 : i32 to vector<16xi32>
      %shift_right_arithmetic3A_24 = arith.shrsi %get3A_15, %shift_right_arithmetic3A_23 : vector<16xi32>
      %shift_left3A_25 = arith.constant 7 : i32
      %shift_left3A_26 = vector.broadcast %shift_left3A_25 : i32 to vector<16xi32>
      %shift_left3A_27 = arith.shli %shift_right_arithmetic3A_24, %shift_left3A_26 : vector<16xi32>
      %shift_right_arithmetic3A_28 = arith.constant 7 : i32
      %shift_right_arithmetic3A_29 = vector.broadcast %shift_right_arithmetic3A_28 : i32 to vector<16xi32>
      %shift_right_arithmetic3A_30 = arith.shrsi %get3A_17, %shift_right_arithmetic3A_29 : vector<16xi32>
      %shift_left3A_31 = arith.constant 7 : i32
      %shift_left3A_32 = vector.broadcast %shift_left3A_31 : i32 to vector<16xi32>
      %shift_left3A_33 = arith.shli %shift_right_arithmetic3A_30, %shift_left3A_32 : vector<16xi32>
      %sub3A = arith.subi %get3A_13, %shift_left3A_21 : vector<16xi32>
      %sub3A_34 = arith.subi %get3A_15, %shift_left3A_27 : vector<16xi32>
      %sub3A_35 = arith.subi %get3A_17, %shift_left3A_33 : vector<16xi32>
      %slice3A = vector.extract_strided_slice %shift_left3A_21 {offsets = [0], sizes = [1], strides = [1]} : vector<16xi32> to vector<1xi32>
      %squeeze3A = vector.extract %slice3A[0] : i32 from vector<1xi32>
      %multiple_of3A = tpu.assume_multiple %squeeze3A, 128 : i32
      %dma_start3A = arith.constant 0 : i32
      %dma_start3A_36 = arith.constant 0 : i32
      %dma_start3A_37 = arith.constant 0 : i32
      %dma_start3A_38 = tpu.memref_slice %arg12[%dma_start3A, %dma_start3A_36, %dma_start3A_37] : memref<16x16x128xf32, #tpu.memory_space<vmem>> -> memref<1x16x128xf32, #tpu.memory_space<vmem>>
      %dma_start3A_39 = tpu.memref_squeeze %dma_start3A_38 : memref<1x16x128xf32, #tpu.memory_space<vmem>> -> memref<16x128xf32, #tpu.memory_space<vmem>>
      %dma_start3A_40 = arith.constant 0 : i32
      %dma_start3A_41 = tpu.memref_slice %arg5[%dma_start3A_40, %multiple_of3A] : memref<16x1000000xf32, #tpu.memory_space<hbm>> -> memref<16x128xf32, #tpu.memory_space<hbm>>
      %dma_start3A_42 = arith.constant 0 : i32
      %dma_start3A_43 = arith.constant 0 : i32
      %dma_start3A_44 = tpu.memref_slice %arg12[%dma_start3A, %dma_start3A_42, %dma_start3A_43] : memref<16x16x128xf32, #tpu.memory_space<vmem>> -> memref<1x16x128xf32, #tpu.memory_space<vmem>>
      %dma_start3A_45 = tpu.memref_squeeze %dma_start3A_44 : memref<1x16x128xf32, #tpu.memory_space<vmem>> -> memref<16x128xf32, #tpu.memory_space<vmem>>
      %dma_start3A_46 = arith.constant 0 : i32
      %dma_start3A_47 = tpu.memref_slice %arg5[%dma_start3A_46, %multiple_of3A] : memref<16x1000000xf32, #tpu.memory_space<hbm>> -> memref<16x128xf32, #tpu.memory_space<hbm>>
      tpu.enqueue_dma source(%dma_start3A_47 : memref<16x128xf32, #tpu.memory_space<hbm>>) target(%dma_start3A_45 : memref<16x128xf32, #tpu.memory_space<vmem>>) target_semaphore(%arg17 : memref<!tpu.dma_semaphore, #tpu.memory_space<semaphore_mem>>)
      %slice3A_48 = vector.extract_strided_slice %shift_left3A_21 {offsets = [1], sizes = [1], strides = [1]} : vector<16xi32> to vector<1xi32>
      %squeeze3A_49 = vector.extract %slice3A_48[0] : i32 from vector<1xi32>
      %multiple_of3A_50 = tpu.assume_multiple %squeeze3A_49, 128 : i32
      %dma_start3A_51 = arith.constant 1 : i32
      %dma_start3A_52 = arith.constant 0 : i32
      %dma_start3A_53 = arith.constant 0 : i32
      %dma_start3A_54 = tpu.memref_slice %arg12[%dma_start3A_51, %dma_start3A_52, %dma_start3A_53] : memref<16x16x128xf32, #tpu.memory_space<vmem>> -> memref<1x16x128xf32, #tpu.memory_space<vmem>>
      %dma_start3A_55 = tpu.memref_squeeze %dma_start3A_54 : memref<1x16x128xf32, #tpu.memory_space<vmem>> -> memref<16x128xf32, #tpu.memory_space<vmem>>
      %dma_start3A_56 = arith.constant 0 : i32
      %dma_start3A_57 = tpu.memref_slice %arg5[%dma_start3A_56, %multiple_of3A_50] : memref<16x1000000xf32, #tpu.memory_space<hbm>> -> memref<16x128xf32, #tpu.memory_space<hbm>>
      %dma_start3A_58 = arith.constant 0 : i32
      %dma_start3A_59 = arith.constant 0 : i32
      %dma_start3A_60 = tpu.memref_slice %arg12[%dma_start3A_51, %dma_start3A_58, %dma_start3A_59] : memref<16x16x128xf32, #tpu.memory_space<vmem>> -> memref<1x16x128xf32, #tpu.memory_space<vmem>>
      %dma_start3A_61 = tpu.memref_squeeze %dma_start3A_60 : memref<1x16x128xf32, #tpu.memory_space<vmem>> -> memref<16x128xf32, #tpu.memory_space<vmem>>
      %dma_start3A_62 = arith.constant 0 : i32
      %dma_start3A_63 = tpu.memref_slice %arg5[%dma_start3A_62, %multiple_of3A_50] : memref<16x1000000xf32, #tpu.memory_space<hbm>> -> memref<16x128xf32, #tpu.memory_space<hbm>>
      tpu.enqueue_dma source(%dma_start3A_63 : memref<16x128xf32, #tpu.memory_space<hbm>>) target(%dma_start3A_61 : memref<16x128xf32, #tpu.memory_space<vmem>>) target_semaphore(%arg17 : memref<!tpu.dma_semaphore, #tpu.memory_space<semaphore_mem>>)
      %slice3A_64 = vector.extract_strided_slice %shift_left3A_21 {offsets = [2], sizes = [1], strides = [1]} : vector<16xi32> to vector<1xi32>
      %squeeze3A_65 = vector.extract %slice3A_64[0] : i32 from vector<1xi32>
      %multiple_of3A_66 = tpu.assume_multiple %squeeze3A_65, 128 : i32
      %dma_start3A_67 = arith.constant 2 : i32
      %dma_start3A_68 = arith.constant 0 : i32
      %dma_start3A_69 = arith.constant 0 : i32
      %dma_start3A_70 = tpu.memref_slice %arg12[%dma_start3A_67, %dma_start3A_68, %dma_start3A_69] : memref<16x16x128xf32, #tpu.memory_space<vmem>> -> memref<1x16x128xf32, #tpu.memory_space<vmem>>
      %dma_start3A_71 = tpu.memref_squeeze %dma_start3A_70 : memref<1x16x128xf32, #tpu.memory_space<vmem>> -> memref<16x128xf32, #tpu.memory_space<vmem>>
      %dma_start3A_72 = arith.constant 0 : i32
      %dma_start3A_73 = tpu.memref_slice %arg5[%dma_start3A_72, %multiple_of3A_66] : memref<16x1000000xf32, #tpu.memory_space<hbm>> -> memref<16x128xf32, #tpu.memory_space<hbm>>
      %dma_start3A_74 = arith.constant 0 : i32
      %dma_start3A_75 = arith.constant 0 : i32
      %dma_start3A_76 = tpu.memref_slice %arg12[%dma_start3A_67, %dma_start3A_74, %dma_start3A_75] : memref<16x16x128xf32, #tpu.memory_space<vmem>> -> memref<1x16x128xf32, #tpu.memory_space<vmem>>
      %dma_start3A_77 = tpu.memref_squeeze %dma_start3A_76 : memref<1x16x128xf32, #tpu.memory_space<vmem>> -> memref<16x128xf32, #tpu.memory_space<vmem>>
      %dma_start3A_78 = arith.constant 0 : i32
      %dma_start3A_79 = tpu.memref_slice %arg5[%dma_start3A_78, %multiple_of3A_66] : memref<16x1000000xf32, #tpu.memory_space<hbm>> -> memref<16x128xf32, #tpu.memory_space<hbm>>
      tpu.enqueue_dma source(%dma_start3A_79 : memref<16x128xf32, #tpu.memory_space<hbm>>) target(%dma_start3A_77 : memref<16x128xf32, #tpu.memory_space<vmem>>) target_semaphore(%arg17 : memref<!tpu.dma_semaphore, #tpu.memory_space<semaphore_mem>>)
      %slice3A_80 = vector.extract_strided_slice %shift_left3A_21 {offsets = [3], sizes = [1], strides = [1]} : vector<16xi32> to vector<1xi32>
      %squeeze3A_81 = vector.extract %slice3A_80[0] : i32 from vector<1xi32>
      %multiple_of3A_82 = tpu.assume_multiple %squeeze3A_81, 128 : i32
      %dma_start3A_83 = arith.constant 3 : i32
      %dma_start3A_84 = arith.constant 0 : i32
      %dma_start3A_85 = arith.constant 0 : i32
      %dma_start3A_86 = tpu.memref_slice %arg12[%dma_start3A_83, %dma_start3A_84, %dma_start3A_85] : memref<16x16x128xf32, #tpu.memory_space<vmem>> -> memref<1x16x128xf32, #tpu.memory_space<vmem>>
      %dma_start3A_87 = tpu.memref_squeeze %dma_start3A_86 : memref<1x16x128xf32, #tpu.memory_space<vmem>> -> memref<16x128xf32, #tpu.memory_space<vmem>>
      %dma_start3A_88 = arith.constant 0 : i32
      %dma_start3A_89 = tpu.memref_slice %arg5[%dma_start3A_88, %multiple_of3A_82] : memref<16x1000000xf32, #tpu.memory_space<hbm>> -> memref<16x128xf32, #tpu.memory_space<hbm>>
      %dma_start3A_90 = arith.constant 0 : i32
      %dma_start3A_91 = arith.constant 0 : i32
      %dma_start3A_92 = tpu.memref_slice %arg12[%dma_start3A_83, %dma_start3A_90, %dma_start3A_91] : memref<16x16x128xf32, #tpu.memory_space<vmem>> -> memref<1x16x128xf32, #tpu.memory_space<vmem>>
      %dma_start3A_93 = tpu.memref_squeeze %dma_start3A_92 : memref<1x16x128xf32, #tpu.memory_space<vmem>> -> memref<16x128xf32, #tpu.memory_space<vmem>>
      %dma_start3A_94 = arith.constant 0 : i32
      %dma_start3A_95 = tpu.memref_slice %arg5[%dma_start3A_94, %multiple_of3A_82] : memref<16x1000000xf32, #tpu.memory_space<hbm>> -> memref<16x128xf32, #tpu.memory_space<hbm>>
      tpu.enqueue_dma source(%dma_start3A_95 : memref<16x128xf32, #tpu.memory_space<hbm>>) target(%dma_start3A_93 : memref<16x128xf32, #tpu.memory_space<vmem>>) target_semaphore(%arg17 : memref<!tpu.dma_semaphore, #tpu.memory_space<semaphore_mem>>)
      %slice3A_96 = vector.extract_strided_slice %shift_left3A_21 {offsets = [4], sizes = [1], strides = [1]} : vector<16xi32> to vector<1xi32>
      %squeeze3A_97 = vector.extract %slice3A_96[0] : i32 from vector<1xi32>
      %multiple_of3A_98 = tpu.assume_multiple %squeeze3A_97, 128 : i32
      %dma_start3A_99 = arith.constant 4 : i32
      %dma_start3A_100 = arith.constant 0 : i32
      %dma_start3A_101 = arith.constant 0 : i32
      %dma_start3A_102 = tpu.memref_slice %arg12[%dma_start3A_99, %dma_start3A_100, %dma_start3A_101] : memref<16x16x128xf32, #tpu.memory_space<vmem>> -> memref<1x16x128xf32, #tpu.memory_space<vmem>>
      %dma_start3A_103 = tpu.memref_squeeze %dma_start3A_102 : memref<1x16x128xf32, #tpu.memory_space<vmem>> -> memref<16x128xf32, #tpu.memory_space<vmem>>
      %dma_start3A_104 = arith.constant 0 : i32
      %dma_start3A_105 = tpu.memref_slice %arg5[%dma_start3A_104, %multiple_of3A_98] : memref<16x1000000xf32, #tpu.memory_space<hbm>> -> memref<16x128xf32, #tpu.memory_space<hbm>>
      %dma_start3A_106 = arith.constant 0 : i32
      %dma_start3A_107 = arith.constant 0 : i32
      %dma_start3A_108 = tpu.memref_slice %arg12[%dma_start3A_99, %dma_start3A_106, %dma_start3A_107] : memref<16x16x128xf32, #tpu.memory_space<vmem>> -> memref<1x16x128xf32, #tpu.memory_space<vmem>>
      %dma_start3A_109 = tpu.memref_squeeze %dma_start3A_108 : memref<1x16x128xf32, #tpu.memory_space<vmem>> -> memref<16x128xf32, #tpu.memory_space<vmem>>
      %dma_start3A_110 = arith.constant 0 : i32
      %dma_start3A_111 = tpu.memref_slice %arg5[%dma_start3A_110, %multiple_of3A_98] : memref<16x1000000xf32, #tpu.memory_space<hbm>> -> memref<16x128xf32, #tpu.memory_space<hbm>>
      tpu.enqueue_dma source(%dma_start3A_111 : memref<16x128xf32, #tpu.memory_space<hbm>>) target(%dma_start3A_109 : memref<16x128xf32, #tpu.memory_space<vmem>>) target_semaphore(%arg17 : memref<!tpu.dma_semaphore, #tpu.memory_space<semaphore_mem>>)
      %slice3A_112 = vector.extract_strided_slice %shift_left3A_21 {offsets = [5], sizes = [1], strides = [1]} : vector<16xi32> to vector<1xi32>
      %squeeze3A_113 = vector.extract %slice3A_112[0] : i32 from vector<1xi32>
      %multiple_of3A_114 = tpu.assume_multiple %squeeze3A_113, 128 : i32
      %dma_start3A_115 = arith.constant 5 : i32
      %dma_start3A_116 = arith.constant 0 : i32
      %dma_start3A_117 = arith.constant 0 : i32
      %dma_start3A_118 = tpu.memref_slice %arg12[%dma_start3A_115, %dma_start3A_116, %dma_start3A_117] : memref<16x16x128xf32, #tpu.memory_space<vmem>> -> memref<1x16x128xf32, #tpu.memory_space<vmem>>
      %dma_start3A_119 = tpu.memref_squeeze %dma_start3A_118 : memref<1x16x128xf32, #tpu.memory_space<vmem>> -> memref<16x128xf32, #tpu.memory_space<vmem>>
      %dma_start3A_120 = arith.constant 0 : i32
      %dma_start3A_121 = tpu.memref_slice %arg5[%dma_start3A_120, %multiple_of3A_114] : memref<16x1000000xf32, #tpu.memory_space<hbm>> -> memref<16x128xf32, #tpu.memory_space<hbm>>
      %dma_start3A_122 = arith.constant 0 : i32
      %dma_start3A_123 = arith.constant 0 : i32
      %dma_start3A_124 = tpu.memref_slice %arg12[%dma_start3A_115, %dma_start3A_122, %dma_start3A_123] : memref<16x16x128xf32, #tpu.memory_space<vmem>> -> memref<1x16x128xf32, #tpu.memory_space<vmem>>
      %dma_start3A_125 = tpu.memref_squeeze %dma_start3A_124 : memref<1x16x128xf32, #tpu.memory_space<vmem>> -> memref<16x128xf32, #tpu.memory_space<vmem>>
      %dma_start3A_126 = arith.constant 0 : i32
      %dma_start3A_127 = tpu.memref_slice %arg5[%dma_start3A_126, %multiple_of3A_114] : memref<16x1000000xf32, #tpu.memory_space<hbm>> -> memref<16x128xf32, #tpu.memory_space<hbm>>
      tpu.enqueue_dma source(%dma_start3A_127 : memref<16x128xf32, #tpu.memory_space<hbm>>) target(%dma_start3A_125 : memref<16x128xf32, #tpu.memory_space<vmem>>) target_semaphore(%arg17 : memref<!tpu.dma_semaphore, #tpu.memory_space<semaphore_mem>>)
      %slice3A_128 = vector.extract_strided_slice %shift_left3A_21 {offsets = [6], sizes = [1], strides = [1]} : vector<16xi32> to vector<1xi32>
      %squeeze3A_129 = vector.extract %slice3A_128[0] : i32 from vector<1xi32>
      %multiple_of3A_130 = tpu.assume_multiple %squeeze3A_129, 128 : i32
      %dma_start3A_131 = arith.constant 6 : i32
      %dma_start3A_132 = arith.constant 0 : i32
      %dma_start3A_133 = arith.constant 0 : i32
      %dma_start3A_134 = tpu.memref_slice %arg12[%dma_start3A_131, %dma_start3A_132, %dma_start3A_133] : memref<16x16x128xf32, #tpu.memory_space<vmem>> -> memref<1x16x128xf32, #tpu.memory_space<vmem>>
      %dma_start3A_135 = tpu.memref_squeeze %dma_start3A_134 : memref<1x16x128xf32, #tpu.memory_space<vmem>> -> memref<16x128xf32, #tpu.memory_space<vmem>>
      %dma_start3A_136 = arith.constant 0 : i32
      %dma_start3A_137 = tpu.memref_slice %arg5[%dma_start3A_136, %multiple_of3A_130] : memref<16x1000000xf32, #tpu.memory_space<hbm>> -> memref<16x128xf32, #tpu.memory_space<hbm>>
      %dma_start3A_138 = arith.constant 0 : i32
      %dma_start3A_139 = arith.constant 0 : i32
      %dma_start3A_140 = tpu.memref_slice %arg12[%dma_start3A_131, %dma_start3A_138, %dma_start3A_139] : memref<16x16x128xf32, #tpu.memory_space<vmem>> -> memref<1x16x128xf32, #tpu.memory_space<vmem>>
      %dma_start3A_141 = tpu.memref_squeeze %dma_start3A_140 : memref<1x16x128xf32, #tpu.memory_space<vmem>> -> memref<16x128xf32, #tpu.memory_space<vmem>>
      %dma_start3A_142 = arith.constant 0 : i32
      %dma_start3A_143 = tpu.memref_slice %arg5[%dma_start3A_142, %multiple_of3A_130] : memref<16x1000000xf32, #tpu.memory_space<hbm>> -> memref<16x128xf32, #tpu.memory_space<hbm>>
      tpu.enqueue_dma source(%dma_start3A_143 : memref<16x128xf32, #tpu.memory_space<hbm>>) target(%dma_start3A_141 : memref<16x128xf32, #tpu.memory_space<vmem>>) target_semaphore(%arg17 : memref<!tpu.dma_semaphore, #tpu.memory_space<semaphore_mem>>)
      %slice3A_144 = vector.extract_strided_slice %shift_left3A_21 {offsets = [7], sizes = [1], strides = [1]} : vector<16xi32> to vector<1xi32>
      %squeeze3A_145 = vector.extract %slice3A_144[0] : i32 from vector<1xi32>
      %multiple_of3A_146 = tpu.assume_multiple %squeeze3A_145, 128 : i32
      %dma_start3A_147 = arith.constant 7 : i32
      %dma_start3A_148 = arith.constant 0 : i32
      %dma_start3A_149 = arith.constant 0 : i32
      %dma_start3A_150 = tpu.memref_slice %arg12[%dma_start3A_147, %dma_start3A_148, %dma_start3A_149] : memref<16x16x128xf32, #tpu.memory_space<vmem>> -> memref<1x16x128xf32, #tpu.memory_space<vmem>>
      %dma_start3A_151 = tpu.memref_squeeze %dma_start3A_150 : memref<1x16x128xf32, #tpu.memory_space<vmem>> -> memref<16x128xf32, #tpu.memory_space<vmem>>
      %dma_start3A_152 = arith.constant 0 : i32
      %dma_start3A_153 = tpu.memref_slice %arg5[%dma_start3A_152, %multiple_of3A_146] : memref<16x1000000xf32, #tpu.memory_space<hbm>> -> memref<16x128xf32, #tpu.memory_space<hbm>>
      %dma_start3A_154 = arith.constant 0 : i32
      %dma_start3A_155 = arith.constant 0 : i32
      %dma_start3A_156 = tpu.memref_slice %arg12[%dma_start3A_147, %dma_start3A_154, %dma_start3A_155] : memref<16x16x128xf32, #tpu.memory_space<vmem>> -> memref<1x16x128xf32, #tpu.memory_space<vmem>>
      %dma_start3A_157 = tpu.memref_squeeze %dma_start3A_156 : memref<1x16x128xf32, #tpu.memory_space<vmem>> -> memref<16x128xf32, #tpu.memory_space<vmem>>
      %dma_start3A_158 = arith.constant 0 : i32
      %dma_start3A_159 = tpu.memref_slice %arg5[%dma_start3A_158, %multiple_of3A_146] : memref<16x1000000xf32, #tpu.memory_space<hbm>> -> memref<16x128xf32, #tpu.memory_space<hbm>>
      tpu.enqueue_dma source(%dma_start3A_159 : memref<16x128xf32, #tpu.memory_space<hbm>>) target(%dma_start3A_157 : memref<16x128xf32, #tpu.memory_space<vmem>>) target_semaphore(%arg17 : memref<!tpu.dma_semaphore, #tpu.memory_space<semaphore_mem>>)
      %slice3A_160 = vector.extract_strided_slice %shift_left3A_21 {offsets = [8], sizes = [1], strides = [1]} : vector<16xi32> to vector<1xi32>
      %squeeze3A_161 = vector.extract %slice3A_160[0] : i32 from vector<1xi32>
      %multiple_of3A_162 = tpu.assume_multiple %squeeze3A_161, 128 : i32
      %dma_start3A_163 = arith.constant 8 : i32
      %dma_start3A_164 = arith.constant 0 : i32
      %dma_start3A_165 = arith.constant 0 : i32
      %dma_start3A_166 = tpu.memref_slice %arg12[%dma_start3A_163, %dma_start3A_164, %dma_start3A_165] : memref<16x16x128xf32, #tpu.memory_space<vmem>> -> memref<1x16x128xf32, #tpu.memory_space<vmem>>
      %dma_start3A_167 = tpu.memref_squeeze %dma_start3A_166 : memref<1x16x128xf32, #tpu.memory_space<vmem>> -> memref<16x128xf32, #tpu.memory_space<vmem>>
      %dma_start3A_168 = arith.constant 0 : i32
      %dma_start3A_169 = tpu.memref_slice %arg5[%dma_start3A_168, %multiple_of3A_162] : memref<16x1000000xf32, #tpu.memory_space<hbm>> -> memref<16x128xf32, #tpu.memory_space<hbm>>
      %dma_start3A_170 = arith.constant 0 : i32
      %dma_start3A_171 = arith.constant 0 : i32
      %dma_start3A_172 = tpu.memref_slice %arg12[%dma_start3A_163, %dma_start3A_170, %dma_start3A_171] : memref<16x16x128xf32, #tpu.memory_space<vmem>> -> memref<1x16x128xf32, #tpu.memory_space<vmem>>
      %dma_start3A_173 = tpu.memref_squeeze %dma_start3A_172 : memref<1x16x128xf32, #tpu.memory_space<vmem>> -> memref<16x128xf32, #tpu.memory_space<vmem>>
      %dma_start3A_174 = arith.constant 0 : i32
      %dma_start3A_175 = tpu.memref_slice %arg5[%dma_start3A_174, %multiple_of3A_162] : memref<16x1000000xf32, #tpu.memory_space<hbm>> -> memref<16x128xf32, #tpu.memory_space<hbm>>
      tpu.enqueue_dma source(%dma_start3A_175 : memref<16x128xf32, #tpu.memory_space<hbm>>) target(%dma_start3A_173 : memref<16x128xf32, #tpu.memory_space<vmem>>) target_semaphore(%arg17 : memref<!tpu.dma_semaphore, #tpu.memory_space<semaphore_mem>>)
      %slice3A_176 = vector.extract_strided_slice %shift_left3A_21 {offsets = [9], sizes = [1], strides = [1]} : vector<16xi32> to vector<1xi32>
      %squeeze3A_177 = vector.extract %slice3A_176[0] : i32 from vector<1xi32>
      %multiple_of3A_178 = tpu.assume_multiple %squeeze3A_177, 128 : i32
      %dma_start3A_179 = arith.constant 9 : i32
      %dma_start3A_180 = arith.constant 0 : i32
      %dma_start3A_181 = arith.constant 0 : i32
      %dma_start3A_182 = tpu.memref_slice %arg12[%dma_start3A_179, %dma_start3A_180, %dma_start3A_181] : memref<16x16x128xf32, #tpu.memory_space<vmem>> -> memref<1x16x128xf32, #tpu.memory_space<vmem>>
      %dma_start3A_183 = tpu.memref_squeeze %dma_start3A_182 : memref<1x16x128xf32, #tpu.memory_space<vmem>> -> memref<16x128xf32, #tpu.memory_space<vmem>>
      %dma_start3A_184 = arith.constant 0 : i32
      %dma_start3A_185 = tpu.memref_slice %arg5[%dma_start3A_184, %multiple_of3A_178] : memref<16x1000000xf32, #tpu.memory_space<hbm>> -> memref<16x128xf32, #tpu.memory_space<hbm>>
      %dma_start3A_186 = arith.constant 0 : i32
      %dma_start3A_187 = arith.constant 0 : i32
      %dma_start3A_188 = tpu.memref_slice %arg12[%dma_start3A_179, %dma_start3A_186, %dma_start3A_187] : memref<16x16x128xf32, #tpu.memory_space<vmem>> -> memref<1x16x128xf32, #tpu.memory_space<vmem>>
      %dma_start3A_189 = tpu.memref_squeeze %dma_start3A_188 : memref<1x16x128xf32, #tpu.memory_space<vmem>> -> memref<16x128xf32, #tpu.memory_space<vmem>>
      %dma_start3A_190 = arith.constant 0 : i32
      %dma_start3A_191 = tpu.memref_slice %arg5[%dma_start3A_190, %multiple_of3A_178] : memref<16x1000000xf32, #tpu.memory_space<hbm>> -> memref<16x128xf32, #tpu.memory_space<hbm>>
      tpu.enqueue_dma source(%dma_start3A_191 : memref<16x128xf32, #tpu.memory_space<hbm>>) target(%dma_start3A_189 : memref<16x128xf32, #tpu.memory_space<vmem>>) target_semaphore(%arg17 : memref<!tpu.dma_semaphore, #tpu.memory_space<semaphore_mem>>)
      %slice3A_192 = vector.extract_strided_slice %shift_left3A_21 {offsets = [10], sizes = [1], strides = [1]} : vector<16xi32> to vector<1xi32>
      %squeeze3A_193 = vector.extract %slice3A_192[0] : i32 from vector<1xi32>
      %multiple_of3A_194 = tpu.assume_multiple %squeeze3A_193, 128 : i32
      %dma_start3A_195 = arith.constant 10 : i32
      %dma_start3A_196 = arith.constant 0 : i32
      %dma_start3A_197 = arith.constant 0 : i32
      %dma_start3A_198 = tpu.memref_slice %arg12[%dma_start3A_195, %dma_start3A_196, %dma_start3A_197] : memref<16x16x128xf32, #tpu.memory_space<vmem>> -> memref<1x16x128xf32, #tpu.memory_space<vmem>>
      %dma_start3A_199 = tpu.memref_squeeze %dma_start3A_198 : memref<1x16x128xf32, #tpu.memory_space<vmem>> -> memref<16x128xf32, #tpu.memory_space<vmem>>
      %dma_start3A_200 = arith.constant 0 : i32
      %dma_start3A_201 = tpu.memref_slice %arg5[%dma_start3A_200, %multiple_of3A_194] : memref<16x1000000xf32, #tpu.memory_space<hbm>> -> memref<16x128xf32, #tpu.memory_space<hbm>>
      %dma_start3A_202 = arith.constant 0 : i32
      %dma_start3A_203 = arith.constant 0 : i32
      %dma_start3A_204 = tpu.memref_slice %arg12[%dma_start3A_195, %dma_start3A_202, %dma_start3A_203] : memref<16x16x128xf32, #tpu.memory_space<vmem>> -> memref<1x16x128xf32, #tpu.memory_space<vmem>>
      %dma_start3A_205 = tpu.memref_squeeze %dma_start3A_204 : memref<1x16x128xf32, #tpu.memory_space<vmem>> -> memref<16x128xf32, #tpu.memory_space<vmem>>
      %dma_start3A_206 = arith.constant 0 : i32
      %dma_start3A_207 = tpu.memref_slice %arg5[%dma_start3A_206, %multiple_of3A_194] : memref<16x1000000xf32, #tpu.memory_space<hbm>> -> memref<16x128xf32, #tpu.memory_space<hbm>>
      tpu.enqueue_dma source(%dma_start3A_207 : memref<16x128xf32, #tpu.memory_space<hbm>>) target(%dma_start3A_205 : memref<16x128xf32, #tpu.memory_space<vmem>>) target_semaphore(%arg17 : memref<!tpu.dma_semaphore, #tpu.memory_space<semaphore_mem>>)
      %slice3A_208 = vector.extract_strided_slice %shift_left3A_21 {offsets = [11], sizes = [1], strides = [1]} : vector<16xi32> to vector<1xi32>
      %squeeze3A_209 = vector.extract %slice3A_208[0] : i32 from vector<1xi32>
      %multiple_of3A_210 = tpu.assume_multiple %squeeze3A_209, 128 : i32
      %dma_start3A_211 = arith.constant 11 : i32
      %dma_start3A_212 = arith.constant 0 : i32
      %dma_start3A_213 = arith.constant 0 : i32
      %dma_start3A_214 = tpu.memref_slice %arg12[%dma_start3A_211, %dma_start3A_212, %dma_start3A_213] : memref<16x16x128xf32, #tpu.memory_space<vmem>> -> memref<1x16x128xf32, #tpu.memory_space<vmem>>
      %dma_start3A_215 = tpu.memref_squeeze %dma_start3A_214 : memref<1x16x128xf32, #tpu.memory_space<vmem>> -> memref<16x128xf32, #tpu.memory_space<vmem>>
      %dma_start3A_216 = arith.constant 0 : i32
      %dma_start3A_217 = tpu.memref_slice %arg5[%dma_start3A_216, %multiple_of3A_210] : memref<16x1000000xf32, #tpu.memory_space<hbm>> -> memref<16x128xf32, #tpu.memory_space<hbm>>
      %dma_start3A_218 = arith.constant 0 : i32
      %dma_start3A_219 = arith.constant 0 : i32
      %dma_start3A_220 = tpu.memref_slice %arg12[%dma_start3A_211, %dma_start3A_218, %dma_start3A_219] : memref<16x16x128xf32, #tpu.memory_space<vmem>> -> memref<1x16x128xf32, #tpu.memory_space<vmem>>
      %dma_start3A_221 = tpu.memref_squeeze %dma_start3A_220 : memref<1x16x128xf32, #tpu.memory_space<vmem>> -> memref<16x128xf32, #tpu.memory_space<vmem>>
      %dma_start3A_222 = arith.constant 0 : i32
      %dma_start3A_223 = tpu.memref_slice %arg5[%dma_start3A_222, %multiple_of3A_210] : memref<16x1000000xf32, #tpu.memory_space<hbm>> -> memref<16x128xf32, #tpu.memory_space<hbm>>
      tpu.enqueue_dma source(%dma_start3A_223 : memref<16x128xf32, #tpu.memory_space<hbm>>) target(%dma_start3A_221 : memref<16x128xf32, #tpu.memory_space<vmem>>) target_semaphore(%arg17 : memref<!tpu.dma_semaphore, #tpu.memory_space<semaphore_mem>>)
      %slice3A_224 = vector.extract_strided_slice %shift_left3A_21 {offsets = [12], sizes = [1], strides = [1]} : vector<16xi32> to vector<1xi32>
      %squeeze3A_225 = vector.extract %slice3A_224[0] : i32 from vector<1xi32>
      %multiple_of3A_226 = tpu.assume_multiple %squeeze3A_225, 128 : i32
      %dma_start3A_227 = arith.constant 12 : i32
      %dma_start3A_228 = arith.constant 0 : i32
      %dma_start3A_229 = arith.constant 0 : i32
      %dma_start3A_230 = tpu.memref_slice %arg12[%dma_start3A_227, %dma_start3A_228, %dma_start3A_229] : memref<16x16x128xf32, #tpu.memory_space<vmem>> -> memref<1x16x128xf32, #tpu.memory_space<vmem>>
      %dma_start3A_231 = tpu.memref_squeeze %dma_start3A_230 : memref<1x16x128xf32, #tpu.memory_space<vmem>> -> memref<16x128xf32, #tpu.memory_space<vmem>>
      %dma_start3A_232 = arith.constant 0 : i32
      %dma_start3A_233 = tpu.memref_slice %arg5[%dma_start3A_232, %multiple_of3A_226] : memref<16x1000000xf32, #tpu.memory_space<hbm>> -> memref<16x128xf32, #tpu.memory_space<hbm>>
      %dma_start3A_234 = arith.constant 0 : i32
      %dma_start3A_235 = arith.constant 0 : i32
      %dma_start3A_236 = tpu.memref_slice %arg12[%dma_start3A_227, %dma_start3A_234, %dma_start3A_235] : memref<16x16x128xf32, #tpu.memory_space<vmem>> -> memref<1x16x128xf32, #tpu.memory_space<vmem>>
      %dma_start3A_237 = tpu.memref_squeeze %dma_start3A_236 : memref<1x16x128xf32, #tpu.memory_space<vmem>> -> memref<16x128xf32, #tpu.memory_space<vmem>>
      %dma_start3A_238 = arith.constant 0 : i32
      %dma_start3A_239 = tpu.memref_slice %arg5[%dma_start3A_238, %multiple_of3A_226] : memref<16x1000000xf32, #tpu.memory_space<hbm>> -> memref<16x128xf32, #tpu.memory_space<hbm>>
      tpu.enqueue_dma source(%dma_start3A_239 : memref<16x128xf32, #tpu.memory_space<hbm>>) target(%dma_start3A_237 : memref<16x128xf32, #tpu.memory_space<vmem>>) target_semaphore(%arg17 : memref<!tpu.dma_semaphore, #tpu.memory_space<semaphore_mem>>)
      %slice3A_240 = vector.extract_strided_slice %shift_left3A_21 {offsets = [13], sizes = [1], strides = [1]} : vector<16xi32> to vector<1xi32>
      %squeeze3A_241 = vector.extract %slice3A_240[0] : i32 from vector<1xi32>
      %multiple_of3A_242 = tpu.assume_multiple %squeeze3A_241, 128 : i32
      %dma_start3A_243 = arith.constant 13 : i32
      %dma_start3A_244 = arith.constant 0 : i32
      %dma_start3A_245 = arith.constant 0 : i32
      %dma_start3A_246 = tpu.memref_slice %arg12[%dma_start3A_243, %dma_start3A_244, %dma_start3A_245] : memref<16x16x128xf32, #tpu.memory_space<vmem>> -> memref<1x16x128xf32, #tpu.memory_space<vmem>>
      %dma_start3A_247 = tpu.memref_squeeze %dma_start3A_246 : memref<1x16x128xf32, #tpu.memory_space<vmem>> -> memref<16x128xf32, #tpu.memory_space<vmem>>
      %dma_start3A_248 = arith.constant 0 : i32
      %dma_start3A_249 = tpu.memref_slice %arg5[%dma_start3A_248, %multiple_of3A_242] : memref<16x1000000xf32, #tpu.memory_space<hbm>> -> memref<16x128xf32, #tpu.memory_space<hbm>>
      %dma_start3A_250 = arith.constant 0 : i32
      %dma_start3A_251 = arith.constant 0 : i32
      %dma_start3A_252 = tpu.memref_slice %arg12[%dma_start3A_243, %dma_start3A_250, %dma_start3A_251] : memref<16x16x128xf32, #tpu.memory_space<vmem>> -> memref<1x16x128xf32, #tpu.memory_space<vmem>>
      %dma_start3A_253 = tpu.memref_squeeze %dma_start3A_252 : memref<1x16x128xf32, #tpu.memory_space<vmem>> -> memref<16x128xf32, #tpu.memory_space<vmem>>
      %dma_start3A_254 = arith.constant 0 : i32
      %dma_start3A_255 = tpu.memref_slice %arg5[%dma_start3A_254, %multiple_of3A_242] : memref<16x1000000xf32, #tpu.memory_space<hbm>> -> memref<16x128xf32, #tpu.memory_space<hbm>>
      tpu.enqueue_dma source(%dma_start3A_255 : memref<16x128xf32, #tpu.memory_space<hbm>>) target(%dma_start3A_253 : memref<16x128xf32, #tpu.memory_space<vmem>>) target_semaphore(%arg17 : memref<!tpu.dma_semaphore, #tpu.memory_space<semaphore_mem>>)
      %slice3A_256 = vector.extract_strided_slice %shift_left3A_21 {offsets = [14], sizes = [1], strides = [1]} : vector<16xi32> to vector<1xi32>
      %squeeze3A_257 = vector.extract %slice3A_256[0] : i32 from vector<1xi32>
      %multiple_of3A_258 = tpu.assume_multiple %squeeze3A_257, 128 : i32
      %dma_start3A_259 = arith.constant 14 : i32
      %dma_start3A_260 = arith.constant 0 : i32
      %dma_start3A_261 = arith.constant 0 : i32
      %dma_start3A_262 = tpu.memref_slice %arg12[%dma_start3A_259, %dma_start3A_260, %dma_start3A_261] : memref<16x16x128xf32, #tpu.memory_space<vmem>> -> memref<1x16x128xf32, #tpu.memory_space<vmem>>
      %dma_start3A_263 = tpu.memref_squeeze %dma_start3A_262 : memref<1x16x128xf32, #tpu.memory_space<vmem>> -> memref<16x128xf32, #tpu.memory_space<vmem>>
      %dma_start3A_264 = arith.constant 0 : i32
      %dma_start3A_265 = tpu.memref_slice %arg5[%dma_start3A_264, %multiple_of3A_258] : memref<16x1000000xf32, #tpu.memory_space<hbm>> -> memref<16x128xf32, #tpu.memory_space<hbm>>
      %dma_start3A_266 = arith.constant 0 : i32
      %dma_start3A_267 = arith.constant 0 : i32
      %dma_start3A_268 = tpu.memref_slice %arg12[%dma_start3A_259, %dma_start3A_266, %dma_start3A_267] : memref<16x16x128xf32, #tpu.memory_space<vmem>> -> memref<1x16x128xf32, #tpu.memory_space<vmem>>
      %dma_start3A_269 = tpu.memref_squeeze %dma_start3A_268 : memref<1x16x128xf32, #tpu.memory_space<vmem>> -> memref<16x128xf32, #tpu.memory_space<vmem>>
      %dma_start3A_270 = arith.constant 0 : i32
      %dma_start3A_271 = tpu.memref_slice %arg5[%dma_start3A_270, %multiple_of3A_258] : memref<16x1000000xf32, #tpu.memory_space<hbm>> -> memref<16x128xf32, #tpu.memory_space<hbm>>
      tpu.enqueue_dma source(%dma_start3A_271 : memref<16x128xf32, #tpu.memory_space<hbm>>) target(%dma_start3A_269 : memref<16x128xf32, #tpu.memory_space<vmem>>) target_semaphore(%arg17 : memref<!tpu.dma_semaphore, #tpu.memory_space<semaphore_mem>>)
      %slice3A_272 = vector.extract_strided_slice %shift_left3A_21 {offsets = [15], sizes = [1], strides = [1]} : vector<16xi32> to vector<1xi32>
      %squeeze3A_273 = vector.extract %slice3A_272[0] : i32 from vector<1xi32>
      %multiple_of3A_274 = tpu.assume_multiple %squeeze3A_273, 128 : i32
      %dma_start3A_275 = arith.constant 15 : i32
      %dma_start3A_276 = arith.constant 0 : i32
      %dma_start3A_277 = arith.constant 0 : i32
      %dma_start3A_278 = tpu.memref_slice %arg12[%dma_start3A_275, %dma_start3A_276, %dma_start3A_277] : memref<16x16x128xf32, #tpu.memory_space<vmem>> -> memref<1x16x128xf32, #tpu.memory_space<vmem>>
      %dma_start3A_279 = tpu.memref_squeeze %dma_start3A_278 : memref<1x16x128xf32, #tpu.memory_space<vmem>> -> memref<16x128xf32, #tpu.memory_space<vmem>>
      %dma_start3A_280 = arith.constant 0 : i32
      %dma_start3A_281 = tpu.memref_slice %arg5[%dma_start3A_280, %multiple_of3A_274] : memref<16x1000000xf32, #tpu.memory_space<hbm>> -> memref<16x128xf32, #tpu.memory_space<hbm>>
      %dma_start3A_282 = arith.constant 0 : i32
      %dma_start3A_283 = arith.constant 0 : i32
      %dma_start3A_284 = tpu.memref_slice %arg12[%dma_start3A_275, %dma_start3A_282, %dma_start3A_283] : memref<16x16x128xf32, #tpu.memory_space<vmem>> -> memref<1x16x128xf32, #tpu.memory_space<vmem>>
      %dma_start3A_285 = tpu.memref_squeeze %dma_start3A_284 : memref<1x16x128xf32, #tpu.memory_space<vmem>> -> memref<16x128xf32, #tpu.memory_space<vmem>>
      %dma_start3A_286 = arith.constant 0 : i32
      %dma_start3A_287 = tpu.memref_slice %arg5[%dma_start3A_286, %multiple_of3A_274] : memref<16x1000000xf32, #tpu.memory_space<hbm>> -> memref<16x128xf32, #tpu.memory_space<hbm>>
      tpu.enqueue_dma source(%dma_start3A_287 : memref<16x128xf32, #tpu.memory_space<hbm>>) target(%dma_start3A_285 : memref<16x128xf32, #tpu.memory_space<vmem>>) target_semaphore(%arg17 : memref<!tpu.dma_semaphore, #tpu.memory_space<semaphore_mem>>)
      %slice3A_288 = vector.extract_strided_slice %shift_left3A_27 {offsets = [0], sizes = [1], strides = [1]} : vector<16xi32> to vector<1xi32>
      %squeeze3A_289 = vector.extract %slice3A_288[0] : i32 from vector<1xi32>
      %multiple_of3A_290 = tpu.assume_multiple %squeeze3A_289, 128 : i32
      %dma_start3A_291 = arith.constant 0 : i32
      %dma_start3A_292 = arith.constant 0 : i32
      %dma_start3A_293 = arith.constant 0 : i32
      %dma_start3A_294 = tpu.memref_slice %arg13[%dma_start3A_291, %dma_start3A_292, %dma_start3A_293] : memref<16x16x128xf32, #tpu.memory_space<vmem>> -> memref<1x16x128xf32, #tpu.memory_space<vmem>>
      %dma_start3A_295 = tpu.memref_squeeze %dma_start3A_294 : memref<1x16x128xf32, #tpu.memory_space<vmem>> -> memref<16x128xf32, #tpu.memory_space<vmem>>
      %dma_start3A_296 = arith.constant 0 : i32
      %dma_start3A_297 = tpu.memref_slice %arg6[%dma_start3A_296, %multiple_of3A_290] : memref<16x1000000xf32, #tpu.memory_space<hbm>> -> memref<16x128xf32, #tpu.memory_space<hbm>>
      %dma_start3A_298 = arith.constant 0 : i32
      %dma_start3A_299 = arith.constant 0 : i32
      %dma_start3A_300 = tpu.memref_slice %arg13[%dma_start3A_291, %dma_start3A_298, %dma_start3A_299] : memref<16x16x128xf32, #tpu.memory_space<vmem>> -> memref<1x16x128xf32, #tpu.memory_space<vmem>>
      %dma_start3A_301 = tpu.memref_squeeze %dma_start3A_300 : memref<1x16x128xf32, #tpu.memory_space<vmem>> -> memref<16x128xf32, #tpu.memory_space<vmem>>
      %dma_start3A_302 = arith.constant 0 : i32
      %dma_start3A_303 = tpu.memref_slice %arg6[%dma_start3A_302, %multiple_of3A_290] : memref<16x1000000xf32, #tpu.memory_space<hbm>> -> memref<16x128xf32, #tpu.memory_space<hbm>>
      tpu.enqueue_dma source(%dma_start3A_303 : memref<16x128xf32, #tpu.memory_space<hbm>>) target(%dma_start3A_301 : memref<16x128xf32, #tpu.memory_space<vmem>>) target_semaphore(%arg17 : memref<!tpu.dma_semaphore, #tpu.memory_space<semaphore_mem>>)
      %slice3A_304 = vector.extract_strided_slice %shift_left3A_27 {offsets = [1], sizes = [1], strides = [1]} : vector<16xi32> to vector<1xi32>
      %squeeze3A_305 = vector.extract %slice3A_304[0] : i32 from vector<1xi32>
      %multiple_of3A_306 = tpu.assume_multiple %squeeze3A_305, 128 : i32
      %dma_start3A_307 = arith.constant 1 : i32
      %dma_start3A_308 = arith.constant 0 : i32
      %dma_start3A_309 = arith.constant 0 : i32
      %dma_start3A_310 = tpu.memref_slice %arg13[%dma_start3A_307, %dma_start3A_308, %dma_start3A_309] : memref<16x16x128xf32, #tpu.memory_space<vmem>> -> memref<1x16x128xf32, #tpu.memory_space<vmem>>
      %dma_start3A_311 = tpu.memref_squeeze %dma_start3A_310 : memref<1x16x128xf32, #tpu.memory_space<vmem>> -> memref<16x128xf32, #tpu.memory_space<vmem>>
      %dma_start3A_312 = arith.constant 0 : i32
      %dma_start3A_313 = tpu.memref_slice %arg6[%dma_start3A_312, %multiple_of3A_306] : memref<16x1000000xf32, #tpu.memory_space<hbm>> -> memref<16x128xf32, #tpu.memory_space<hbm>>
      %dma_start3A_314 = arith.constant 0 : i32
      %dma_start3A_315 = arith.constant 0 : i32
      %dma_start3A_316 = tpu.memref_slice %arg13[%dma_start3A_307, %dma_start3A_314, %dma_start3A_315] : memref<16x16x128xf32, #tpu.memory_space<vmem>> -> memref<1x16x128xf32, #tpu.memory_space<vmem>>
      %dma_start3A_317 = tpu.memref_squeeze %dma_start3A_316 : memref<1x16x128xf32, #tpu.memory_space<vmem>> -> memref<16x128xf32, #tpu.memory_space<vmem>>
      %dma_start3A_318 = arith.constant 0 : i32
      %dma_start3A_319 = tpu.memref_slice %arg6[%dma_start3A_318, %multiple_of3A_306] : memref<16x1000000xf32, #tpu.memory_space<hbm>> -> memref<16x128xf32, #tpu.memory_space<hbm>>
      tpu.enqueue_dma source(%dma_start3A_319 : memref<16x128xf32, #tpu.memory_space<hbm>>) target(%dma_start3A_317 : memref<16x128xf32, #tpu.memory_space<vmem>>) target_semaphore(%arg17 : memref<!tpu.dma_semaphore, #tpu.memory_space<semaphore_mem>>)
      %slice3A_320 = vector.extract_strided_slice %shift_left3A_27 {offsets = [2], sizes = [1], strides = [1]} : vector<16xi32> to vector<1xi32>
      %squeeze3A_321 = vector.extract %slice3A_320[0] : i32 from vector<1xi32>
      %multiple_of3A_322 = tpu.assume_multiple %squeeze3A_321, 128 : i32
      %dma_start3A_323 = arith.constant 2 : i32
      %dma_start3A_324 = arith.constant 0 : i32
      %dma_start3A_325 = arith.constant 0 : i32
      %dma_start3A_326 = tpu.memref_slice %arg13[%dma_start3A_323, %dma_start3A_324, %dma_start3A_325] : memref<16x16x128xf32, #tpu.memory_space<vmem>> -> memref<1x16x128xf32, #tpu.memory_space<vmem>>
      %dma_start3A_327 = tpu.memref_squeeze %dma_start3A_326 : memref<1x16x128xf32, #tpu.memory_space<vmem>> -> memref<16x128xf32, #tpu.memory_space<vmem>>
      %dma_start3A_328 = arith.constant 0 : i32
      %dma_start3A_329 = tpu.memref_slice %arg6[%dma_start3A_328, %multiple_of3A_322] : memref<16x1000000xf32, #tpu.memory_space<hbm>> -> memref<16x128xf32, #tpu.memory_space<hbm>>
      %dma_start3A_330 = arith.constant 0 : i32
      %dma_start3A_331 = arith.constant 0 : i32
      %dma_start3A_332 = tpu.memref_slice %arg13[%dma_start3A_323, %dma_start3A_330, %dma_start3A_331] : memref<16x16x128xf32, #tpu.memory_space<vmem>> -> memref<1x16x128xf32, #tpu.memory_space<vmem>>
      %dma_start3A_333 = tpu.memref_squeeze %dma_start3A_332 : memref<1x16x128xf32, #tpu.memory_space<vmem>> -> memref<16x128xf32, #tpu.memory_space<vmem>>
      %dma_start3A_334 = arith.constant 0 : i32
      %dma_start3A_335 = tpu.memref_slice %arg6[%dma_start3A_334, %multiple_of3A_322] : memref<16x1000000xf32, #tpu.memory_space<hbm>> -> memref<16x128xf32, #tpu.memory_space<hbm>>
      tpu.enqueue_dma source(%dma_start3A_335 : memref<16x128xf32, #tpu.memory_space<hbm>>) target(%dma_start3A_333 : memref<16x128xf32, #tpu.memory_space<vmem>>) target_semaphore(%arg17 : memref<!tpu.dma_semaphore, #tpu.memory_space<semaphore_mem>>)
      %slice3A_336 = vector.extract_strided_slice %shift_left3A_27 {offsets = [3], sizes = [1], strides = [1]} : vector<16xi32> to vector<1xi32>
      %squeeze3A_337 = vector.extract %slice3A_336[0] : i32 from vector<1xi32>
      %multiple_of3A_338 = tpu.assume_multiple %squeeze3A_337, 128 : i32
      %dma_start3A_339 = arith.constant 3 : i32
      %dma_start3A_340 = arith.constant 0 : i32
      %dma_start3A_341 = arith.constant 0 : i32
      %dma_start3A_342 = tpu.memref_slice %arg13[%dma_start3A_339, %dma_start3A_340, %dma_start3A_341] : memref<16x16x128xf32, #tpu.memory_space<vmem>> -> memref<1x16x128xf32, #tpu.memory_space<vmem>>
      %dma_start3A_343 = tpu.memref_squeeze %dma_start3A_342 : memref<1x16x128xf32, #tpu.memory_space<vmem>> -> memref<16x128xf32, #tpu.memory_space<vmem>>
      %dma_start3A_344 = arith.constant 0 : i32
      %dma_start3A_345 = tpu.memref_slice %arg6[%dma_start3A_344, %multiple_of3A_338] : memref<16x1000000xf32, #tpu.memory_space<hbm>> -> memref<16x128xf32, #tpu.memory_space<hbm>>
      %dma_start3A_346 = arith.constant 0 : i32
      %dma_start3A_347 = arith.constant 0 : i32
      %dma_start3A_348 = tpu.memref_slice %arg13[%dma_start3A_339, %dma_start3A_346, %dma_start3A_347] : memref<16x16x128xf32, #tpu.memory_space<vmem>> -> memref<1x16x128xf32, #tpu.memory_space<vmem>>
      %dma_start3A_349 = tpu.memref_squeeze %dma_start3A_348 : memref<1x16x128xf32, #tpu.memory_space<vmem>> -> memref<16x128xf32, #tpu.memory_space<vmem>>
      %dma_start3A_350 = arith.constant 0 : i32
      %dma_start3A_351 = tpu.memref_slice %arg6[%dma_start3A_350, %multiple_of3A_338] : memref<16x1000000xf32, #tpu.memory_space<hbm>> -> memref<16x128xf32, #tpu.memory_space<hbm>>
      tpu.enqueue_dma source(%dma_start3A_351 : memref<16x128xf32, #tpu.memory_space<hbm>>) target(%dma_start3A_349 : memref<16x128xf32, #tpu.memory_space<vmem>>) target_semaphore(%arg17 : memref<!tpu.dma_semaphore, #tpu.memory_space<semaphore_mem>>)
      %slice3A_352 = vector.extract_strided_slice %shift_left3A_27 {offsets = [4], sizes = [1], strides = [1]} : vector<16xi32> to vector<1xi32>
      %squeeze3A_353 = vector.extract %slice3A_352[0] : i32 from vector<1xi32>
      %multiple_of3A_354 = tpu.assume_multiple %squeeze3A_353, 128 : i32
      %dma_start3A_355 = arith.constant 4 : i32
      %dma_start3A_356 = arith.constant 0 : i32
      %dma_start3A_357 = arith.constant 0 : i32
      %dma_start3A_358 = tpu.memref_slice %arg13[%dma_start3A_355, %dma_start3A_356, %dma_start3A_357] : memref<16x16x128xf32, #tpu.memory_space<vmem>> -> memref<1x16x128xf32, #tpu.memory_space<vmem>>
      %dma_start3A_359 = tpu.memref_squeeze %dma_start3A_358 : memref<1x16x128xf32, #tpu.memory_space<vmem>> -> memref<16x128xf32, #tpu.memory_space<vmem>>
      %dma_start3A_360 = arith.constant 0 : i32
      %dma_start3A_361 = tpu.memref_slice %arg6[%dma_start3A_360, %multiple_of3A_354] : memref<16x1000000xf32, #tpu.memory_space<hbm>> -> memref<16x128xf32, #tpu.memory_space<hbm>>
      %dma_start3A_362 = arith.constant 0 : i32
      %dma_start3A_363 = arith.constant 0 : i32
      %dma_start3A_364 = tpu.memref_slice %arg13[%dma_start3A_355, %dma_start3A_362, %dma_start3A_363] : memref<16x16x128xf32, #tpu.memory_space<vmem>> -> memref<1x16x128xf32, #tpu.memory_space<vmem>>
      %dma_start3A_365 = tpu.memref_squeeze %dma_start3A_364 : memref<1x16x128xf32, #tpu.memory_space<vmem>> -> memref<16x128xf32, #tpu.memory_space<vmem>>
      %dma_start3A_366 = arith.constant 0 : i32
      %dma_start3A_367 = tpu.memref_slice %arg6[%dma_start3A_366, %multiple_of3A_354] : memref<16x1000000xf32, #tpu.memory_space<hbm>> -> memref<16x128xf32, #tpu.memory_space<hbm>>
      tpu.enqueue_dma source(%dma_start3A_367 : memref<16x128xf32, #tpu.memory_space<hbm>>) target(%dma_start3A_365 : memref<16x128xf32, #tpu.memory_space<vmem>>) target_semaphore(%arg17 : memref<!tpu.dma_semaphore, #tpu.memory_space<semaphore_mem>>)
      %slice3A_368 = vector.extract_strided_slice %shift_left3A_27 {offsets = [5], sizes = [1], strides = [1]} : vector<16xi32> to vector<1xi32>
      %squeeze3A_369 = vector.extract %slice3A_368[0] : i32 from vector<1xi32>
      %multiple_of3A_370 = tpu.assume_multiple %squeeze3A_369, 128 : i32
      %dma_start3A_371 = arith.constant 5 : i32
      %dma_start3A_372 = arith.constant 0 : i32
      %dma_start3A_373 = arith.constant 0 : i32
      %dma_start3A_374 = tpu.memref_slice %arg13[%dma_start3A_371, %dma_start3A_372, %dma_start3A_373] : memref<16x16x128xf32, #tpu.memory_space<vmem>> -> memref<1x16x128xf32, #tpu.memory_space<vmem>>
      %dma_start3A_375 = tpu.memref_squeeze %dma_start3A_374 : memref<1x16x128xf32, #tpu.memory_space<vmem>> -> memref<16x128xf32, #tpu.memory_space<vmem>>
      %dma_start3A_376 = arith.constant 0 : i32
      %dma_start3A_377 = tpu.memref_slice %arg6[%dma_start3A_376, %multiple_of3A_370] : memref<16x1000000xf32, #tpu.memory_space<hbm>> -> memref<16x128xf32, #tpu.memory_space<hbm>>
      %dma_start3A_378 = arith.constant 0 : i32
      %dma_start3A_379 = arith.constant 0 : i32
      %dma_start3A_380 = tpu.memref_slice %arg13[%dma_start3A_371, %dma_start3A_378, %dma_start3A_379] : memref<16x16x128xf32, #tpu.memory_space<vmem>> -> memref<1x16x128xf32, #tpu.memory_space<vmem>>
      %dma_start3A_381 = tpu.memref_squeeze %dma_start3A_380 : memref<1x16x128xf32, #tpu.memory_space<vmem>> -> memref<16x128xf32, #tpu.memory_space<vmem>>
      %dma_start3A_382 = arith.constant 0 : i32
      %dma_start3A_383 = tpu.memref_slice %arg6[%dma_start3A_382, %multiple_of3A_370] : memref<16x1000000xf32, #tpu.memory_space<hbm>> -> memref<16x128xf32, #tpu.memory_space<hbm>>
      tpu.enqueue_dma source(%dma_start3A_383 : memref<16x128xf32, #tpu.memory_space<hbm>>) target(%dma_start3A_381 : memref<16x128xf32, #tpu.memory_space<vmem>>) target_semaphore(%arg17 : memref<!tpu.dma_semaphore, #tpu.memory_space<semaphore_mem>>)
      %slice3A_384 = vector.extract_strided_slice %shift_left3A_27 {offsets = [6], sizes = [1], strides = [1]} : vector<16xi32> to vector<1xi32>
      %squeeze3A_385 = vector.extract %slice3A_384[0] : i32 from vector<1xi32>
      %multiple_of3A_386 = tpu.assume_multiple %squeeze3A_385, 128 : i32
      %dma_start3A_387 = arith.constant 6 : i32
      %dma_start3A_388 = arith.constant 0 : i32
      %dma_start3A_389 = arith.constant 0 : i32
      %dma_start3A_390 = tpu.memref_slice %arg13[%dma_start3A_387, %dma_start3A_388, %dma_start3A_389] : memref<16x16x128xf32, #tpu.memory_space<vmem>> -> memref<1x16x128xf32, #tpu.memory_space<vmem>>
      %dma_start3A_391 = tpu.memref_squeeze %dma_start3A_390 : memref<1x16x128xf32, #tpu.memory_space<vmem>> -> memref<16x128xf32, #tpu.memory_space<vmem>>
      %dma_start3A_392 = arith.constant 0 : i32
      %dma_start3A_393 = tpu.memref_slice %arg6[%dma_start3A_392, %multiple_of3A_386] : memref<16x1000000xf32, #tpu.memory_space<hbm>> -> memref<16x128xf32, #tpu.memory_space<hbm>>
      %dma_start3A_394 = arith.constant 0 : i32
      %dma_start3A_395 = arith.constant 0 : i32
      %dma_start3A_396 = tpu.memref_slice %arg13[%dma_start3A_387, %dma_start3A_394, %dma_start3A_395] : memref<16x16x128xf32, #tpu.memory_space<vmem>> -> memref<1x16x128xf32, #tpu.memory_space<vmem>>
      %dma_start3A_397 = tpu.memref_squeeze %dma_start3A_396 : memref<1x16x128xf32, #tpu.memory_space<vmem>> -> memref<16x128xf32, #tpu.memory_space<vmem>>
      %dma_start3A_398 = arith.constant 0 : i32
      %dma_start3A_399 = tpu.memref_slice %arg6[%dma_start3A_398, %multiple_of3A_386] : memref<16x1000000xf32, #tpu.memory_space<hbm>> -> memref<16x128xf32, #tpu.memory_space<hbm>>
      tpu.enqueue_dma source(%dma_start3A_399 : memref<16x128xf32, #tpu.memory_space<hbm>>) target(%dma_start3A_397 : memref<16x128xf32, #tpu.memory_space<vmem>>) target_semaphore(%arg17 : memref<!tpu.dma_semaphore, #tpu.memory_space<semaphore_mem>>)
      %slice3A_400 = vector.extract_strided_slice %shift_left3A_27 {offsets = [7], sizes = [1], strides = [1]} : vector<16xi32> to vector<1xi32>
      %squeeze3A_401 = vector.extract %slice3A_400[0] : i32 from vector<1xi32>
      %multiple_of3A_402 = tpu.assume_multiple %squeeze3A_401, 128 : i32
      %dma_start3A_403 = arith.constant 7 : i32
      %dma_start3A_404 = arith.constant 0 : i32
      %dma_start3A_405 = arith.constant 0 : i32
      %dma_start3A_406 = tpu.memref_slice %arg13[%dma_start3A_403, %dma_start3A_404, %dma_start3A_405] : memref<16x16x128xf32, #tpu.memory_space<vmem>> -> memref<1x16x128xf32, #tpu.memory_space<vmem>>
      %dma_start3A_407 = tpu.memref_squeeze %dma_start3A_406 : memref<1x16x128xf32, #tpu.memory_space<vmem>> -> memref<16x128xf32, #tpu.memory_space<vmem>>
      %dma_start3A_408 = arith.constant 0 : i32
      %dma_start3A_409 = tpu.memref_slice %arg6[%dma_start3A_408, %multiple_of3A_402] : memref<16x1000000xf32, #tpu.memory_space<hbm>> -> memref<16x128xf32, #tpu.memory_space<hbm>>
      %dma_start3A_410 = arith.constant 0 : i32
      %dma_start3A_411 = arith.constant 0 : i32
      %dma_start3A_412 = tpu.memref_slice %arg13[%dma_start3A_403, %dma_start3A_410, %dma_start3A_411] : memref<16x16x128xf32, #tpu.memory_space<vmem>> -> memref<1x16x128xf32, #tpu.memory_space<vmem>>
      %dma_start3A_413 = tpu.memref_squeeze %dma_start3A_412 : memref<1x16x128xf32, #tpu.memory_space<vmem>> -> memref<16x128xf32, #tpu.memory_space<vmem>>
      %dma_start3A_414 = arith.constant 0 : i32
      %dma_start3A_415 = tpu.memref_slice %arg6[%dma_start3A_414, %multiple_of3A_402] : memref<16x1000000xf32, #tpu.memory_space<hbm>> -> memref<16x128xf32, #tpu.memory_space<hbm>>
      tpu.enqueue_dma source(%dma_start3A_415 : memref<16x128xf32, #tpu.memory_space<hbm>>) target(%dma_start3A_413 : memref<16x128xf32, #tpu.memory_space<vmem>>) target_semaphore(%arg17 : memref<!tpu.dma_semaphore, #tpu.memory_space<semaphore_mem>>)
      %slice3A_416 = vector.extract_strided_slice %shift_left3A_27 {offsets = [8], sizes = [1], strides = [1]} : vector<16xi32> to vector<1xi32>
      %squeeze3A_417 = vector.extract %slice3A_416[0] : i32 from vector<1xi32>
      %multiple_of3A_418 = tpu.assume_multiple %squeeze3A_417, 128 : i32
      %dma_start3A_419 = arith.constant 8 : i32
      %dma_start3A_420 = arith.constant 0 : i32
      %dma_start3A_421 = arith.constant 0 : i32
      %dma_start3A_422 = tpu.memref_slice %arg13[%dma_start3A_419, %dma_start3A_420, %dma_start3A_421] : memref<16x16x128xf32, #tpu.memory_space<vmem>> -> memref<1x16x128xf32, #tpu.memory_space<vmem>>
      %dma_start3A_423 = tpu.memref_squeeze %dma_start3A_422 : memref<1x16x128xf32, #tpu.memory_space<vmem>> -> memref<16x128xf32, #tpu.memory_space<vmem>>
      %dma_start3A_424 = arith.constant 0 : i32
      %dma_start3A_425 = tpu.memref_slice %arg6[%dma_start3A_424, %multiple_of3A_418] : memref<16x1000000xf32, #tpu.memory_space<hbm>> -> memref<16x128xf32, #tpu.memory_space<hbm>>
      %dma_start3A_426 = arith.constant 0 : i32
      %dma_start3A_427 = arith.constant 0 : i32
      %dma_start3A_428 = tpu.memref_slice %arg13[%dma_start3A_419, %dma_start3A_426, %dma_start3A_427] : memref<16x16x128xf32, #tpu.memory_space<vmem>> -> memref<1x16x128xf32, #tpu.memory_space<vmem>>
      %dma_start3A_429 = tpu.memref_squeeze %dma_start3A_428 : memref<1x16x128xf32, #tpu.memory_space<vmem>> -> memref<16x128xf32, #tpu.memory_space<vmem>>
      %dma_start3A_430 = arith.constant 0 : i32
      %dma_start3A_431 = tpu.memref_slice %arg6[%dma_start3A_430, %multiple_of3A_418] : memref<16x1000000xf32, #tpu.memory_space<hbm>> -> memref<16x128xf32, #tpu.memory_space<hbm>>
      tpu.enqueue_dma source(%dma_start3A_431 : memref<16x128xf32, #tpu.memory_space<hbm>>) target(%dma_start3A_429 : memref<16x128xf32, #tpu.memory_space<vmem>>) target_semaphore(%arg17 : memref<!tpu.dma_semaphore, #tpu.memory_space<semaphore_mem>>)
      %slice3A_432 = vector.extract_strided_slice %shift_left3A_27 {offsets = [9], sizes = [1], strides = [1]} : vector<16xi32> to vector<1xi32>
      %squeeze3A_433 = vector.extract %slice3A_432[0] : i32 from vector<1xi32>
      %multiple_of3A_434 = tpu.assume_multiple %squeeze3A_433, 128 : i32
      %dma_start3A_435 = arith.constant 9 : i32
      %dma_start3A_436 = arith.constant 0 : i32
      %dma_start3A_437 = arith.constant 0 : i32
      %dma_start3A_438 = tpu.memref_slice %arg13[%dma_start3A_435, %dma_start3A_436, %dma_start3A_437] : memref<16x16x128xf32, #tpu.memory_space<vmem>> -> memref<1x16x128xf32, #tpu.memory_space<vmem>>
      %dma_start3A_439 = tpu.memref_squeeze %dma_start3A_438 : memref<1x16x128xf32, #tpu.memory_space<vmem>> -> memref<16x128xf32, #tpu.memory_space<vmem>>
      %dma_start3A_440 = arith.constant 0 : i32
      %dma_start3A_441 = tpu.memref_slice %arg6[%dma_start3A_440, %multiple_of3A_434] : memref<16x1000000xf32, #tpu.memory_space<hbm>> -> memref<16x128xf32, #tpu.memory_space<hbm>>
      %dma_start3A_442 = arith.constant 0 : i32
      %dma_start3A_443 = arith.constant 0 : i32
      %dma_start3A_444 = tpu.memref_slice %arg13[%dma_start3A_435, %dma_start3A_442, %dma_start3A_443] : memref<16x16x128xf32, #tpu.memory_space<vmem>> -> memref<1x16x128xf32, #tpu.memory_space<vmem>>
      %dma_start3A_445 = tpu.memref_squeeze %dma_start3A_444 : memref<1x16x128xf32, #tpu.memory_space<vmem>> -> memref<16x128xf32, #tpu.memory_space<vmem>>
      %dma_start3A_446 = arith.constant 0 : i32
      %dma_start3A_447 = tpu.memref_slice %arg6[%dma_start3A_446, %multiple_of3A_434] : memref<16x1000000xf32, #tpu.memory_space<hbm>> -> memref<16x128xf32, #tpu.memory_space<hbm>>
      tpu.enqueue_dma source(%dma_start3A_447 : memref<16x128xf32, #tpu.memory_space<hbm>>) target(%dma_start3A_445 : memref<16x128xf32, #tpu.memory_space<vmem>>) target_semaphore(%arg17 : memref<!tpu.dma_semaphore, #tpu.memory_space<semaphore_mem>>)
      %slice3A_448 = vector.extract_strided_slice %shift_left3A_27 {offsets = [10], sizes = [1], strides = [1]} : vector<16xi32> to vector<1xi32>
      %squeeze3A_449 = vector.extract %slice3A_448[0] : i32 from vector<1xi32>
      %multiple_of3A_450 = tpu.assume_multiple %squeeze3A_449, 128 : i32
      %dma_start3A_451 = arith.constant 10 : i32
      %dma_start3A_452 = arith.constant 0 : i32
      %dma_start3A_453 = arith.constant 0 : i32
      %dma_start3A_454 = tpu.memref_slice %arg13[%dma_start3A_451, %dma_start3A_452, %dma_start3A_453] : memref<16x16x128xf32, #tpu.memory_space<vmem>> -> memref<1x16x128xf32, #tpu.memory_space<vmem>>
      %dma_start3A_455 = tpu.memref_squeeze %dma_start3A_454 : memref<1x16x128xf32, #tpu.memory_space<vmem>> -> memref<16x128xf32, #tpu.memory_space<vmem>>
      %dma_start3A_456 = arith.constant 0 : i32
      %dma_start3A_457 = tpu.memref_slice %arg6[%dma_start3A_456, %multiple_of3A_450] : memref<16x1000000xf32, #tpu.memory_space<hbm>> -> memref<16x128xf32, #tpu.memory_space<hbm>>
      %dma_start3A_458 = arith.constant 0 : i32
      %dma_start3A_459 = arith.constant 0 : i32
      %dma_start3A_460 = tpu.memref_slice %arg13[%dma_start3A_451, %dma_start3A_458, %dma_start3A_459] : memref<16x16x128xf32, #tpu.memory_space<vmem>> -> memref<1x16x128xf32, #tpu.memory_space<vmem>>
      %dma_start3A_461 = tpu.memref_squeeze %dma_start3A_460 : memref<1x16x128xf32, #tpu.memory_space<vmem>> -> memref<16x128xf32, #tpu.memory_space<vmem>>
      %dma_start3A_462 = arith.constant 0 : i32
      %dma_start3A_463 = tpu.memref_slice %arg6[%dma_start3A_462, %multiple_of3A_450] : memref<16x1000000xf32, #tpu.memory_space<hbm>> -> memref<16x128xf32, #tpu.memory_space<hbm>>
      tpu.enqueue_dma source(%dma_start3A_463 : memref<16x128xf32, #tpu.memory_space<hbm>>) target(%dma_start3A_461 : memref<16x128xf32, #tpu.memory_space<vmem>>) target_semaphore(%arg17 : memref<!tpu.dma_semaphore, #tpu.memory_space<semaphore_mem>>)
      %slice3A_464 = vector.extract_strided_slice %shift_left3A_27 {offsets = [11], sizes = [1], strides = [1]} : vector<16xi32> to vector<1xi32>
      %squeeze3A_465 = vector.extract %slice3A_464[0] : i32 from vector<1xi32>
      %multiple_of3A_466 = tpu.assume_multiple %squeeze3A_465, 128 : i32
      %dma_start3A_467 = arith.constant 11 : i32
      %dma_start3A_468 = arith.constant 0 : i32
      %dma_start3A_469 = arith.constant 0 : i32
      %dma_start3A_470 = tpu.memref_slice %arg13[%dma_start3A_467, %dma_start3A_468, %dma_start3A_469] : memref<16x16x128xf32, #tpu.memory_space<vmem>> -> memref<1x16x128xf32, #tpu.memory_space<vmem>>
      %dma_start3A_471 = tpu.memref_squeeze %dma_start3A_470 : memref<1x16x128xf32, #tpu.memory_space<vmem>> -> memref<16x128xf32, #tpu.memory_space<vmem>>
      %dma_start3A_472 = arith.constant 0 : i32
      %dma_start3A_473 = tpu.memref_slice %arg6[%dma_start3A_472, %multiple_of3A_466] : memref<16x1000000xf32, #tpu.memory_space<hbm>> -> memref<16x128xf32, #tpu.memory_space<hbm>>
      %dma_start3A_474 = arith.constant 0 : i32
      %dma_start3A_475 = arith.constant 0 : i32
      %dma_start3A_476 = tpu.memref_slice %arg13[%dma_start3A_467, %dma_start3A_474, %dma_start3A_475] : memref<16x16x128xf32, #tpu.memory_space<vmem>> -> memref<1x16x128xf32, #tpu.memory_space<vmem>>
      %dma_start3A_477 = tpu.memref_squeeze %dma_start3A_476 : memref<1x16x128xf32, #tpu.memory_space<vmem>> -> memref<16x128xf32, #tpu.memory_space<vmem>>
      %dma_start3A_478 = arith.constant 0 : i32
      %dma_start3A_479 = tpu.memref_slice %arg6[%dma_start3A_478, %multiple_of3A_466] : memref<16x1000000xf32, #tpu.memory_space<hbm>> -> memref<16x128xf32, #tpu.memory_space<hbm>>
      tpu.enqueue_dma source(%dma_start3A_479 : memref<16x128xf32, #tpu.memory_space<hbm>>) target(%dma_start3A_477 : memref<16x128xf32, #tpu.memory_space<vmem>>) target_semaphore(%arg17 : memref<!tpu.dma_semaphore, #tpu.memory_space<semaphore_mem>>)
      %slice3A_480 = vector.extract_strided_slice %shift_left3A_27 {offsets = [12], sizes = [1], strides = [1]} : vector<16xi32> to vector<1xi32>
      %squeeze3A_481 = vector.extract %slice3A_480[0] : i32 from vector<1xi32>
      %multiple_of3A_482 = tpu.assume_multiple %squeeze3A_481, 128 : i32
      %dma_start3A_483 = arith.constant 12 : i32
      %dma_start3A_484 = arith.constant 0 : i32
      %dma_start3A_485 = arith.constant 0 : i32
      %dma_start3A_486 = tpu.memref_slice %arg13[%dma_start3A_483, %dma_start3A_484, %dma_start3A_485] : memref<16x16x128xf32, #tpu.memory_space<vmem>> -> memref<1x16x128xf32, #tpu.memory_space<vmem>>
      %dma_start3A_487 = tpu.memref_squeeze %dma_start3A_486 : memref<1x16x128xf32, #tpu.memory_space<vmem>> -> memref<16x128xf32, #tpu.memory_space<vmem>>
      %dma_start3A_488 = arith.constant 0 : i32
      %dma_start3A_489 = tpu.memref_slice %arg6[%dma_start3A_488, %multiple_of3A_482] : memref<16x1000000xf32, #tpu.memory_space<hbm>> -> memref<16x128xf32, #tpu.memory_space<hbm>>
      %dma_start3A_490 = arith.constant 0 : i32
      %dma_start3A_491 = arith.constant 0 : i32
      %dma_start3A_492 = tpu.memref_slice %arg13[%dma_start3A_483, %dma_start3A_490, %dma_start3A_491] : memref<16x16x128xf32, #tpu.memory_space<vmem>> -> memref<1x16x128xf32, #tpu.memory_space<vmem>>
      %dma_start3A_493 = tpu.memref_squeeze %dma_start3A_492 : memref<1x16x128xf32, #tpu.memory_space<vmem>> -> memref<16x128xf32, #tpu.memory_space<vmem>>
      %dma_start3A_494 = arith.constant 0 : i32
      %dma_start3A_495 = tpu.memref_slice %arg6[%dma_start3A_494, %multiple_of3A_482] : memref<16x1000000xf32, #tpu.memory_space<hbm>> -> memref<16x128xf32, #tpu.memory_space<hbm>>
      tpu.enqueue_dma source(%dma_start3A_495 : memref<16x128xf32, #tpu.memory_space<hbm>>) target(%dma_start3A_493 : memref<16x128xf32, #tpu.memory_space<vmem>>) target_semaphore(%arg17 : memref<!tpu.dma_semaphore, #tpu.memory_space<semaphore_mem>>)
      %slice3A_496 = vector.extract_strided_slice %shift_left3A_27 {offsets = [13], sizes = [1], strides = [1]} : vector<16xi32> to vector<1xi32>
      %squeeze3A_497 = vector.extract %slice3A_496[0] : i32 from vector<1xi32>
      %multiple_of3A_498 = tpu.assume_multiple %squeeze3A_497, 128 : i32
      %dma_start3A_499 = arith.constant 13 : i32
      %dma_start3A_500 = arith.constant 0 : i32
      %dma_start3A_501 = arith.constant 0 : i32
      %dma_start3A_502 = tpu.memref_slice %arg13[%dma_start3A_499, %dma_start3A_500, %dma_start3A_501] : memref<16x16x128xf32, #tpu.memory_space<vmem>> -> memref<1x16x128xf32, #tpu.memory_space<vmem>>
      %dma_start3A_503 = tpu.memref_squeeze %dma_start3A_502 : memref<1x16x128xf32, #tpu.memory_space<vmem>> -> memref<16x128xf32, #tpu.memory_space<vmem>>
      %dma_start3A_504 = arith.constant 0 : i32
      %dma_start3A_505 = tpu.memref_slice %arg6[%dma_start3A_504, %multiple_of3A_498] : memref<16x1000000xf32, #tpu.memory_space<hbm>> -> memref<16x128xf32, #tpu.memory_space<hbm>>
      %dma_start3A_506 = arith.constant 0 : i32
      %dma_start3A_507 = arith.constant 0 : i32
      %dma_start3A_508 = tpu.memref_slice %arg13[%dma_start3A_499, %dma_start3A_506, %dma_start3A_507] : memref<16x16x128xf32, #tpu.memory_space<vmem>> -> memref<1x16x128xf32, #tpu.memory_space<vmem>>
      %dma_start3A_509 = tpu.memref_squeeze %dma_start3A_508 : memref<1x16x128xf32, #tpu.memory_space<vmem>> -> memref<16x128xf32, #tpu.memory_space<vmem>>
      %dma_start3A_510 = arith.constant 0 : i32
      %dma_start3A_511 = tpu.memref_slice %arg6[%dma_start3A_510, %multiple_of3A_498] : memref<16x1000000xf32, #tpu.memory_space<hbm>> -> memref<16x128xf32, #tpu.memory_space<hbm>>
      tpu.enqueue_dma source(%dma_start3A_511 : memref<16x128xf32, #tpu.memory_space<hbm>>) target(%dma_start3A_509 : memref<16x128xf32, #tpu.memory_space<vmem>>) target_semaphore(%arg17 : memref<!tpu.dma_semaphore, #tpu.memory_space<semaphore_mem>>)
      %slice3A_512 = vector.extract_strided_slice %shift_left3A_27 {offsets = [14], sizes = [1], strides = [1]} : vector<16xi32> to vector<1xi32>
      %squeeze3A_513 = vector.extract %slice3A_512[0] : i32 from vector<1xi32>
      %multiple_of3A_514 = tpu.assume_multiple %squeeze3A_513, 128 : i32
      %dma_start3A_515 = arith.constant 14 : i32
      %dma_start3A_516 = arith.constant 0 : i32
      %dma_start3A_517 = arith.constant 0 : i32
      %dma_start3A_518 = tpu.memref_slice %arg13[%dma_start3A_515, %dma_start3A_516, %dma_start3A_517] : memref<16x16x128xf32, #tpu.memory_space<vmem>> -> memref<1x16x128xf32, #tpu.memory_space<vmem>>
      %dma_start3A_519 = tpu.memref_squeeze %dma_start3A_518 : memref<1x16x128xf32, #tpu.memory_space<vmem>> -> memref<16x128xf32, #tpu.memory_space<vmem>>
      %dma_start3A_520 = arith.constant 0 : i32
      %dma_start3A_521 = tpu.memref_slice %arg6[%dma_start3A_520, %multiple_of3A_514] : memref<16x1000000xf32, #tpu.memory_space<hbm>> -> memref<16x128xf32, #tpu.memory_space<hbm>>
      %dma_start3A_522 = arith.constant 0 : i32
      %dma_start3A_523 = arith.constant 0 : i32
      %dma_start3A_524 = tpu.memref_slice %arg13[%dma_start3A_515, %dma_start3A_522, %dma_start3A_523] : memref<16x16x128xf32, #tpu.memory_space<vmem>> -> memref<1x16x128xf32, #tpu.memory_space<vmem>>
      %dma_start3A_525 = tpu.memref_squeeze %dma_start3A_524 : memref<1x16x128xf32, #tpu.memory_space<vmem>> -> memref<16x128xf32, #tpu.memory_space<vmem>>
      %dma_start3A_526 = arith.constant 0 : i32
      %dma_start3A_527 = tpu.memref_slice %arg6[%dma_start3A_526, %multiple_of3A_514] : memref<16x1000000xf32, #tpu.memory_space<hbm>> -> memref<16x128xf32, #tpu.memory_space<hbm>>
      tpu.enqueue_dma source(%dma_start3A_527 : memref<16x128xf32, #tpu.memory_space<hbm>>) target(%dma_start3A_525 : memref<16x128xf32, #tpu.memory_space<vmem>>) target_semaphore(%arg17 : memref<!tpu.dma_semaphore, #tpu.memory_space<semaphore_mem>>)
      %slice3A_528 = vector.extract_strided_slice %shift_left3A_27 {offsets = [15], sizes = [1], strides = [1]} : vector<16xi32> to vector<1xi32>
      %squeeze3A_529 = vector.extract %slice3A_528[0] : i32 from vector<1xi32>
      %multiple_of3A_530 = tpu.assume_multiple %squeeze3A_529, 128 : i32
      %dma_start3A_531 = arith.constant 15 : i32
      %dma_start3A_532 = arith.constant 0 : i32
      %dma_start3A_533 = arith.constant 0 : i32
      %dma_start3A_534 = tpu.memref_slice %arg13[%dma_start3A_531, %dma_start3A_532, %dma_start3A_533] : memref<16x16x128xf32, #tpu.memory_space<vmem>> -> memref<1x16x128xf32, #tpu.memory_space<vmem>>
      %dma_start3A_535 = tpu.memref_squeeze %dma_start3A_534 : memref<1x16x128xf32, #tpu.memory_space<vmem>> -> memref<16x128xf32, #tpu.memory_space<vmem>>
      %dma_start3A_536 = arith.constant 0 : i32
      %dma_start3A_537 = tpu.memref_slice %arg6[%dma_start3A_536, %multiple_of3A_530] : memref<16x1000000xf32, #tpu.memory_space<hbm>> -> memref<16x128xf32, #tpu.memory_space<hbm>>
      %dma_start3A_538 = arith.constant 0 : i32
      %dma_start3A_539 = arith.constant 0 : i32
      %dma_start3A_540 = tpu.memref_slice %arg13[%dma_start3A_531, %dma_start3A_538, %dma_start3A_539] : memref<16x16x128xf32, #tpu.memory_space<vmem>> -> memref<1x16x128xf32, #tpu.memory_space<vmem>>
      %dma_start3A_541 = tpu.memref_squeeze %dma_start3A_540 : memref<1x16x128xf32, #tpu.memory_space<vmem>> -> memref<16x128xf32, #tpu.memory_space<vmem>>
      %dma_start3A_542 = arith.constant 0 : i32
      %dma_start3A_543 = tpu.memref_slice %arg6[%dma_start3A_542, %multiple_of3A_530] : memref<16x1000000xf32, #tpu.memory_space<hbm>> -> memref<16x128xf32, #tpu.memory_space<hbm>>
      tpu.enqueue_dma source(%dma_start3A_543 : memref<16x128xf32, #tpu.memory_space<hbm>>) target(%dma_start3A_541 : memref<16x128xf32, #tpu.memory_space<vmem>>) target_semaphore(%arg17 : memref<!tpu.dma_semaphore, #tpu.memory_space<semaphore_mem>>)
      %slice3A_544 = vector.extract_strided_slice %shift_left3A_33 {offsets = [0], sizes = [1], strides = [1]} : vector<16xi32> to vector<1xi32>
      %squeeze3A_545 = vector.extract %slice3A_544[0] : i32 from vector<1xi32>
      %multiple_of3A_546 = tpu.assume_multiple %squeeze3A_545, 128 : i32
      %dma_start3A_547 = arith.constant 0 : i32
      %dma_start3A_548 = arith.constant 0 : i32
      %dma_start3A_549 = arith.constant 0 : i32
      %dma_start3A_550 = tpu.memref_slice %arg14[%dma_start3A_547, %dma_start3A_548, %dma_start3A_549] : memref<16x16x128xf32, #tpu.memory_space<vmem>> -> memref<1x16x128xf32, #tpu.memory_space<vmem>>
      %dma_start3A_551 = tpu.memref_squeeze %dma_start3A_550 : memref<1x16x128xf32, #tpu.memory_space<vmem>> -> memref<16x128xf32, #tpu.memory_space<vmem>>
      %dma_start3A_552 = arith.constant 0 : i32
      %dma_start3A_553 = tpu.memref_slice %arg6[%dma_start3A_552, %multiple_of3A_546] : memref<16x1000000xf32, #tpu.memory_space<hbm>> -> memref<16x128xf32, #tpu.memory_space<hbm>>
      %dma_start3A_554 = arith.constant 0 : i32
      %dma_start3A_555 = arith.constant 0 : i32
      %dma_start3A_556 = tpu.memref_slice %arg14[%dma_start3A_547, %dma_start3A_554, %dma_start3A_555] : memref<16x16x128xf32, #tpu.memory_space<vmem>> -> memref<1x16x128xf32, #tpu.memory_space<vmem>>
      %dma_start3A_557 = tpu.memref_squeeze %dma_start3A_556 : memref<1x16x128xf32, #tpu.memory_space<vmem>> -> memref<16x128xf32, #tpu.memory_space<vmem>>
      %dma_start3A_558 = arith.constant 0 : i32
      %dma_start3A_559 = tpu.memref_slice %arg6[%dma_start3A_558, %multiple_of3A_546] : memref<16x1000000xf32, #tpu.memory_space<hbm>> -> memref<16x128xf32, #tpu.memory_space<hbm>>
      tpu.enqueue_dma source(%dma_start3A_559 : memref<16x128xf32, #tpu.memory_space<hbm>>) target(%dma_start3A_557 : memref<16x128xf32, #tpu.memory_space<vmem>>) target_semaphore(%arg17 : memref<!tpu.dma_semaphore, #tpu.memory_space<semaphore_mem>>)
      %slice3A_560 = vector.extract_strided_slice %shift_left3A_33 {offsets = [1], sizes = [1], strides = [1]} : vector<16xi32> to vector<1xi32>
      %squeeze3A_561 = vector.extract %slice3A_560[0] : i32 from vector<1xi32>
      %multiple_of3A_562 = tpu.assume_multiple %squeeze3A_561, 128 : i32
      %dma_start3A_563 = arith.constant 1 : i32
      %dma_start3A_564 = arith.constant 0 : i32
      %dma_start3A_565 = arith.constant 0 : i32
      %dma_start3A_566 = tpu.memref_slice %arg14[%dma_start3A_563, %dma_start3A_564, %dma_start3A_565] : memref<16x16x128xf32, #tpu.memory_space<vmem>> -> memref<1x16x128xf32, #tpu.memory_space<vmem>>
      %dma_start3A_567 = tpu.memref_squeeze %dma_start3A_566 : memref<1x16x128xf32, #tpu.memory_space<vmem>> -> memref<16x128xf32, #tpu.memory_space<vmem>>
      %dma_start3A_568 = arith.constant 0 : i32
      %dma_start3A_569 = tpu.memref_slice %arg6[%dma_start3A_568, %multiple_of3A_562] : memref<16x1000000xf32, #tpu.memory_space<hbm>> -> memref<16x128xf32, #tpu.memory_space<hbm>>
      %dma_start3A_570 = arith.constant 0 : i32
      %dma_start3A_571 = arith.constant 0 : i32
      %dma_start3A_572 = tpu.memref_slice %arg14[%dma_start3A_563, %dma_start3A_570, %dma_start3A_571] : memref<16x16x128xf32, #tpu.memory_space<vmem>> -> memref<1x16x128xf32, #tpu.memory_space<vmem>>
      %dma_start3A_573 = tpu.memref_squeeze %dma_start3A_572 : memref<1x16x128xf32, #tpu.memory_space<vmem>> -> memref<16x128xf32, #tpu.memory_space<vmem>>
      %dma_start3A_574 = arith.constant 0 : i32
      %dma_start3A_575 = tpu.memref_slice %arg6[%dma_start3A_574, %multiple_of3A_562] : memref<16x1000000xf32, #tpu.memory_space<hbm>> -> memref<16x128xf32, #tpu.memory_space<hbm>>
      tpu.enqueue_dma source(%dma_start3A_575 : memref<16x128xf32, #tpu.memory_space<hbm>>) target(%dma_start3A_573 : memref<16x128xf32, #tpu.memory_space<vmem>>) target_semaphore(%arg17 : memref<!tpu.dma_semaphore, #tpu.memory_space<semaphore_mem>>)
      %slice3A_576 = vector.extract_strided_slice %shift_left3A_33 {offsets = [2], sizes = [1], strides = [1]} : vector<16xi32> to vector<1xi32>
      %squeeze3A_577 = vector.extract %slice3A_576[0] : i32 from vector<1xi32>
      %multiple_of3A_578 = tpu.assume_multiple %squeeze3A_577, 128 : i32
      %dma_start3A_579 = arith.constant 2 : i32
      %dma_start3A_580 = arith.constant 0 : i32
      %dma_start3A_581 = arith.constant 0 : i32
      %dma_start3A_582 = tpu.memref_slice %arg14[%dma_start3A_579, %dma_start3A_580, %dma_start3A_581] : memref<16x16x128xf32, #tpu.memory_space<vmem>> -> memref<1x16x128xf32, #tpu.memory_space<vmem>>
      %dma_start3A_583 = tpu.memref_squeeze %dma_start3A_582 : memref<1x16x128xf32, #tpu.memory_space<vmem>> -> memref<16x128xf32, #tpu.memory_space<vmem>>
      %dma_start3A_584 = arith.constant 0 : i32
      %dma_start3A_585 = tpu.memref_slice %arg6[%dma_start3A_584, %multiple_of3A_578] : memref<16x1000000xf32, #tpu.memory_space<hbm>> -> memref<16x128xf32, #tpu.memory_space<hbm>>
      %dma_start3A_586 = arith.constant 0 : i32
      %dma_start3A_587 = arith.constant 0 : i32
      %dma_start3A_588 = tpu.memref_slice %arg14[%dma_start3A_579, %dma_start3A_586, %dma_start3A_587] : memref<16x16x128xf32, #tpu.memory_space<vmem>> -> memref<1x16x128xf32, #tpu.memory_space<vmem>>
      %dma_start3A_589 = tpu.memref_squeeze %dma_start3A_588 : memref<1x16x128xf32, #tpu.memory_space<vmem>> -> memref<16x128xf32, #tpu.memory_space<vmem>>
      %dma_start3A_590 = arith.constant 0 : i32
      %dma_start3A_591 = tpu.memref_slice %arg6[%dma_start3A_590, %multiple_of3A_578] : memref<16x1000000xf32, #tpu.memory_space<hbm>> -> memref<16x128xf32, #tpu.memory_space<hbm>>
      tpu.enqueue_dma source(%dma_start3A_591 : memref<16x128xf32, #tpu.memory_space<hbm>>) target(%dma_start3A_589 : memref<16x128xf32, #tpu.memory_space<vmem>>) target_semaphore(%arg17 : memref<!tpu.dma_semaphore, #tpu.memory_space<semaphore_mem>>)
      %slice3A_592 = vector.extract_strided_slice %shift_left3A_33 {offsets = [3], sizes = [1], strides = [1]} : vector<16xi32> to vector<1xi32>
      %squeeze3A_593 = vector.extract %slice3A_592[0] : i32 from vector<1xi32>
      %multiple_of3A_594 = tpu.assume_multiple %squeeze3A_593, 128 : i32
      %dma_start3A_595 = arith.constant 3 : i32
      %dma_start3A_596 = arith.constant 0 : i32
      %dma_start3A_597 = arith.constant 0 : i32
      %dma_start3A_598 = tpu.memref_slice %arg14[%dma_start3A_595, %dma_start3A_596, %dma_start3A_597] : memref<16x16x128xf32, #tpu.memory_space<vmem>> -> memref<1x16x128xf32, #tpu.memory_space<vmem>>
      %dma_start3A_599 = tpu.memref_squeeze %dma_start3A_598 : memref<1x16x128xf32, #tpu.memory_space<vmem>> -> memref<16x128xf32, #tpu.memory_space<vmem>>
      %dma_start3A_600 = arith.constant 0 : i32
      %dma_start3A_601 = tpu.memref_slice %arg6[%dma_start3A_600, %multiple_of3A_594] : memref<16x1000000xf32, #tpu.memory_space<hbm>> -> memref<16x128xf32, #tpu.memory_space<hbm>>
      %dma_start3A_602 = arith.constant 0 : i32
      %dma_start3A_603 = arith.constant 0 : i32
      %dma_start3A_604 = tpu.memref_slice %arg14[%dma_start3A_595, %dma_start3A_602, %dma_start3A_603] : memref<16x16x128xf32, #tpu.memory_space<vmem>> -> memref<1x16x128xf32, #tpu.memory_space<vmem>>
      %dma_start3A_605 = tpu.memref_squeeze %dma_start3A_604 : memref<1x16x128xf32, #tpu.memory_space<vmem>> -> memref<16x128xf32, #tpu.memory_space<vmem>>
      %dma_start3A_606 = arith.constant 0 : i32
      %dma_start3A_607 = tpu.memref_slice %arg6[%dma_start3A_606, %multiple_of3A_594] : memref<16x1000000xf32, #tpu.memory_space<hbm>> -> memref<16x128xf32, #tpu.memory_space<hbm>>
      tpu.enqueue_dma source(%dma_start3A_607 : memref<16x128xf32, #tpu.memory_space<hbm>>) target(%dma_start3A_605 : memref<16x128xf32, #tpu.memory_space<vmem>>) target_semaphore(%arg17 : memref<!tpu.dma_semaphore, #tpu.memory_space<semaphore_mem>>)
      %slice3A_608 = vector.extract_strided_slice %shift_left3A_33 {offsets = [4], sizes = [1], strides = [1]} : vector<16xi32> to vector<1xi32>
      %squeeze3A_609 = vector.extract %slice3A_608[0] : i32 from vector<1xi32>
      %multiple_of3A_610 = tpu.assume_multiple %squeeze3A_609, 128 : i32
      %dma_start3A_611 = arith.constant 4 : i32
      %dma_start3A_612 = arith.constant 0 : i32
      %dma_start3A_613 = arith.constant 0 : i32
      %dma_start3A_614 = tpu.memref_slice %arg14[%dma_start3A_611, %dma_start3A_612, %dma_start3A_613] : memref<16x16x128xf32, #tpu.memory_space<vmem>> -> memref<1x16x128xf32, #tpu.memory_space<vmem>>
      %dma_start3A_615 = tpu.memref_squeeze %dma_start3A_614 : memref<1x16x128xf32, #tpu.memory_space<vmem>> -> memref<16x128xf32, #tpu.memory_space<vmem>>
      %dma_start3A_616 = arith.constant 0 : i32
      %dma_start3A_617 = tpu.memref_slice %arg6[%dma_start3A_616, %multiple_of3A_610] : memref<16x1000000xf32, #tpu.memory_space<hbm>> -> memref<16x128xf32, #tpu.memory_space<hbm>>
      %dma_start3A_618 = arith.constant 0 : i32
      %dma_start3A_619 = arith.constant 0 : i32
      %dma_start3A_620 = tpu.memref_slice %arg14[%dma_start3A_611, %dma_start3A_618, %dma_start3A_619] : memref<16x16x128xf32, #tpu.memory_space<vmem>> -> memref<1x16x128xf32, #tpu.memory_space<vmem>>
      %dma_start3A_621 = tpu.memref_squeeze %dma_start3A_620 : memref<1x16x128xf32, #tpu.memory_space<vmem>> -> memref<16x128xf32, #tpu.memory_space<vmem>>
      %dma_start3A_622 = arith.constant 0 : i32
      %dma_start3A_623 = tpu.memref_slice %arg6[%dma_start3A_622, %multiple_of3A_610] : memref<16x1000000xf32, #tpu.memory_space<hbm>> -> memref<16x128xf32, #tpu.memory_space<hbm>>
      tpu.enqueue_dma source(%dma_start3A_623 : memref<16x128xf32, #tpu.memory_space<hbm>>) target(%dma_start3A_621 : memref<16x128xf32, #tpu.memory_space<vmem>>) target_semaphore(%arg17 : memref<!tpu.dma_semaphore, #tpu.memory_space<semaphore_mem>>)
      %slice3A_624 = vector.extract_strided_slice %shift_left3A_33 {offsets = [5], sizes = [1], strides = [1]} : vector<16xi32> to vector<1xi32>
      %squeeze3A_625 = vector.extract %slice3A_624[0] : i32 from vector<1xi32>
      %multiple_of3A_626 = tpu.assume_multiple %squeeze3A_625, 128 : i32
      %dma_start3A_627 = arith.constant 5 : i32
      %dma_start3A_628 = arith.constant 0 : i32
      %dma_start3A_629 = arith.constant 0 : i32
      %dma_start3A_630 = tpu.memref_slice %arg14[%dma_start3A_627, %dma_start3A_628, %dma_start3A_629] : memref<16x16x128xf32, #tpu.memory_space<vmem>> -> memref<1x16x128xf32, #tpu.memory_space<vmem>>
      %dma_start3A_631 = tpu.memref_squeeze %dma_start3A_630 : memref<1x16x128xf32, #tpu.memory_space<vmem>> -> memref<16x128xf32, #tpu.memory_space<vmem>>
      %dma_start3A_632 = arith.constant 0 : i32
      %dma_start3A_633 = tpu.memref_slice %arg6[%dma_start3A_632, %multiple_of3A_626] : memref<16x1000000xf32, #tpu.memory_space<hbm>> -> memref<16x128xf32, #tpu.memory_space<hbm>>
      %dma_start3A_634 = arith.constant 0 : i32
      %dma_start3A_635 = arith.constant 0 : i32
      %dma_start3A_636 = tpu.memref_slice %arg14[%dma_start3A_627, %dma_start3A_634, %dma_start3A_635] : memref<16x16x128xf32, #tpu.memory_space<vmem>> -> memref<1x16x128xf32, #tpu.memory_space<vmem>>
      %dma_start3A_637 = tpu.memref_squeeze %dma_start3A_636 : memref<1x16x128xf32, #tpu.memory_space<vmem>> -> memref<16x128xf32, #tpu.memory_space<vmem>>
      %dma_start3A_638 = arith.constant 0 : i32
      %dma_start3A_639 = tpu.memref_slice %arg6[%dma_start3A_638, %multiple_of3A_626] : memref<16x1000000xf32, #tpu.memory_space<hbm>> -> memref<16x128xf32, #tpu.memory_space<hbm>>
      tpu.enqueue_dma source(%dma_start3A_639 : memref<16x128xf32, #tpu.memory_space<hbm>>) target(%dma_start3A_637 : memref<16x128xf32, #tpu.memory_space<vmem>>) target_semaphore(%arg17 : memref<!tpu.dma_semaphore, #tpu.memory_space<semaphore_mem>>)
      %slice3A_640 = vector.extract_strided_slice %shift_left3A_33 {offsets = [6], sizes = [1], strides = [1]} : vector<16xi32> to vector<1xi32>
      %squeeze3A_641 = vector.extract %slice3A_640[0] : i32 from vector<1xi32>
      %multiple_of3A_642 = tpu.assume_multiple %squeeze3A_641, 128 : i32
      %dma_start3A_643 = arith.constant 6 : i32
      %dma_start3A_644 = arith.constant 0 : i32
      %dma_start3A_645 = arith.constant 0 : i32
      %dma_start3A_646 = tpu.memref_slice %arg14[%dma_start3A_643, %dma_start3A_644, %dma_start3A_645] : memref<16x16x128xf32, #tpu.memory_space<vmem>> -> memref<1x16x128xf32, #tpu.memory_space<vmem>>
      %dma_start3A_647 = tpu.memref_squeeze %dma_start3A_646 : memref<1x16x128xf32, #tpu.memory_space<vmem>> -> memref<16x128xf32, #tpu.memory_space<vmem>>
      %dma_start3A_648 = arith.constant 0 : i32
      %dma_start3A_649 = tpu.memref_slice %arg6[%dma_start3A_648, %multiple_of3A_642] : memref<16x1000000xf32, #tpu.memory_space<hbm>> -> memref<16x128xf32, #tpu.memory_space<hbm>>
      %dma_start3A_650 = arith.constant 0 : i32
      %dma_start3A_651 = arith.constant 0 : i32
      %dma_start3A_652 = tpu.memref_slice %arg14[%dma_start3A_643, %dma_start3A_650, %dma_start3A_651] : memref<16x16x128xf32, #tpu.memory_space<vmem>> -> memref<1x16x128xf32, #tpu.memory_space<vmem>>
      %dma_start3A_653 = tpu.memref_squeeze %dma_start3A_652 : memref<1x16x128xf32, #tpu.memory_space<vmem>> -> memref<16x128xf32, #tpu.memory_space<vmem>>
      %dma_start3A_654 = arith.constant 0 : i32
      %dma_start3A_655 = tpu.memref_slice %arg6[%dma_start3A_654, %multiple_of3A_642] : memref<16x1000000xf32, #tpu.memory_space<hbm>> -> memref<16x128xf32, #tpu.memory_space<hbm>>
      tpu.enqueue_dma source(%dma_start3A_655 : memref<16x128xf32, #tpu.memory_space<hbm>>) target(%dma_start3A_653 : memref<16x128xf32, #tpu.memory_space<vmem>>) target_semaphore(%arg17 : memref<!tpu.dma_semaphore, #tpu.memory_space<semaphore_mem>>)
      %slice3A_656 = vector.extract_strided_slice %shift_left3A_33 {offsets = [7], sizes = [1], strides = [1]} : vector<16xi32> to vector<1xi32>
      %squeeze3A_657 = vector.extract %slice3A_656[0] : i32 from vector<1xi32>
      %multiple_of3A_658 = tpu.assume_multiple %squeeze3A_657, 128 : i32
      %dma_start3A_659 = arith.constant 7 : i32
      %dma_start3A_660 = arith.constant 0 : i32
      %dma_start3A_661 = arith.constant 0 : i32
      %dma_start3A_662 = tpu.memref_slice %arg14[%dma_start3A_659, %dma_start3A_660, %dma_start3A_661] : memref<16x16x128xf32, #tpu.memory_space<vmem>> -> memref<1x16x128xf32, #tpu.memory_space<vmem>>
      %dma_start3A_663 = tpu.memref_squeeze %dma_start3A_662 : memref<1x16x128xf32, #tpu.memory_space<vmem>> -> memref<16x128xf32, #tpu.memory_space<vmem>>
      %dma_start3A_664 = arith.constant 0 : i32
      %dma_start3A_665 = tpu.memref_slice %arg6[%dma_start3A_664, %multiple_of3A_658] : memref<16x1000000xf32, #tpu.memory_space<hbm>> -> memref<16x128xf32, #tpu.memory_space<hbm>>
      %dma_start3A_666 = arith.constant 0 : i32
      %dma_start3A_667 = arith.constant 0 : i32
      %dma_start3A_668 = tpu.memref_slice %arg14[%dma_start3A_659, %dma_start3A_666, %dma_start3A_667] : memref<16x16x128xf32, #tpu.memory_space<vmem>> -> memref<1x16x128xf32, #tpu.memory_space<vmem>>
      %dma_start3A_669 = tpu.memref_squeeze %dma_start3A_668 : memref<1x16x128xf32, #tpu.memory_space<vmem>> -> memref<16x128xf32, #tpu.memory_space<vmem>>
      %dma_start3A_670 = arith.constant 0 : i32
      %dma_start3A_671 = tpu.memref_slice %arg6[%dma_start3A_670, %multiple_of3A_658] : memref<16x1000000xf32, #tpu.memory_space<hbm>> -> memref<16x128xf32, #tpu.memory_space<hbm>>
      tpu.enqueue_dma source(%dma_start3A_671 : memref<16x128xf32, #tpu.memory_space<hbm>>) target(%dma_start3A_669 : memref<16x128xf32, #tpu.memory_space<vmem>>) target_semaphore(%arg17 : memref<!tpu.dma_semaphore, #tpu.memory_space<semaphore_mem>>)
      %slice3A_672 = vector.extract_strided_slice %shift_left3A_33 {offsets = [8], sizes = [1], strides = [1]} : vector<16xi32> to vector<1xi32>
      %squeeze3A_673 = vector.extract %slice3A_672[0] : i32 from vector<1xi32>
      %multiple_of3A_674 = tpu.assume_multiple %squeeze3A_673, 128 : i32
      %dma_start3A_675 = arith.constant 8 : i32
      %dma_start3A_676 = arith.constant 0 : i32
      %dma_start3A_677 = arith.constant 0 : i32
      %dma_start3A_678 = tpu.memref_slice %arg14[%dma_start3A_675, %dma_start3A_676, %dma_start3A_677] : memref<16x16x128xf32, #tpu.memory_space<vmem>> -> memref<1x16x128xf32, #tpu.memory_space<vmem>>
      %dma_start3A_679 = tpu.memref_squeeze %dma_start3A_678 : memref<1x16x128xf32, #tpu.memory_space<vmem>> -> memref<16x128xf32, #tpu.memory_space<vmem>>
      %dma_start3A_680 = arith.constant 0 : i32
      %dma_start3A_681 = tpu.memref_slice %arg6[%dma_start3A_680, %multiple_of3A_674] : memref<16x1000000xf32, #tpu.memory_space<hbm>> -> memref<16x128xf32, #tpu.memory_space<hbm>>
      %dma_start3A_682 = arith.constant 0 : i32
      %dma_start3A_683 = arith.constant 0 : i32
      %dma_start3A_684 = tpu.memref_slice %arg14[%dma_start3A_675, %dma_start3A_682, %dma_start3A_683] : memref<16x16x128xf32, #tpu.memory_space<vmem>> -> memref<1x16x128xf32, #tpu.memory_space<vmem>>
      %dma_start3A_685 = tpu.memref_squeeze %dma_start3A_684 : memref<1x16x128xf32, #tpu.memory_space<vmem>> -> memref<16x128xf32, #tpu.memory_space<vmem>>
      %dma_start3A_686 = arith.constant 0 : i32
      %dma_start3A_687 = tpu.memref_slice %arg6[%dma_start3A_686, %multiple_of3A_674] : memref<16x1000000xf32, #tpu.memory_space<hbm>> -> memref<16x128xf32, #tpu.memory_space<hbm>>
      tpu.enqueue_dma source(%dma_start3A_687 : memref<16x128xf32, #tpu.memory_space<hbm>>) target(%dma_start3A_685 : memref<16x128xf32, #tpu.memory_space<vmem>>) target_semaphore(%arg17 : memref<!tpu.dma_semaphore, #tpu.memory_space<semaphore_mem>>)
      %slice3A_688 = vector.extract_strided_slice %shift_left3A_33 {offsets = [9], sizes = [1], strides = [1]} : vector<16xi32> to vector<1xi32>
      %squeeze3A_689 = vector.extract %slice3A_688[0] : i32 from vector<1xi32>
      %multiple_of3A_690 = tpu.assume_multiple %squeeze3A_689, 128 : i32
      %dma_start3A_691 = arith.constant 9 : i32
      %dma_start3A_692 = arith.constant 0 : i32
      %dma_start3A_693 = arith.constant 0 : i32
      %dma_start3A_694 = tpu.memref_slice %arg14[%dma_start3A_691, %dma_start3A_692, %dma_start3A_693] : memref<16x16x128xf32, #tpu.memory_space<vmem>> -> memref<1x16x128xf32, #tpu.memory_space<vmem>>
      %dma_start3A_695 = tpu.memref_squeeze %dma_start3A_694 : memref<1x16x128xf32, #tpu.memory_space<vmem>> -> memref<16x128xf32, #tpu.memory_space<vmem>>
      %dma_start3A_696 = arith.constant 0 : i32
      %dma_start3A_697 = tpu.memref_slice %arg6[%dma_start3A_696, %multiple_of3A_690] : memref<16x1000000xf32, #tpu.memory_space<hbm>> -> memref<16x128xf32, #tpu.memory_space<hbm>>
      %dma_start3A_698 = arith.constant 0 : i32
      %dma_start3A_699 = arith.constant 0 : i32
      %dma_start3A_700 = tpu.memref_slice %arg14[%dma_start3A_691, %dma_start3A_698, %dma_start3A_699] : memref<16x16x128xf32, #tpu.memory_space<vmem>> -> memref<1x16x128xf32, #tpu.memory_space<vmem>>
      %dma_start3A_701 = tpu.memref_squeeze %dma_start3A_700 : memref<1x16x128xf32, #tpu.memory_space<vmem>> -> memref<16x128xf32, #tpu.memory_space<vmem>>
      %dma_start3A_702 = arith.constant 0 : i32
      %dma_start3A_703 = tpu.memref_slice %arg6[%dma_start3A_702, %multiple_of3A_690] : memref<16x1000000xf32, #tpu.memory_space<hbm>> -> memref<16x128xf32, #tpu.memory_space<hbm>>
      tpu.enqueue_dma source(%dma_start3A_703 : memref<16x128xf32, #tpu.memory_space<hbm>>) target(%dma_start3A_701 : memref<16x128xf32, #tpu.memory_space<vmem>>) target_semaphore(%arg17 : memref<!tpu.dma_semaphore, #tpu.memory_space<semaphore_mem>>)
      %slice3A_704 = vector.extract_strided_slice %shift_left3A_33 {offsets = [10], sizes = [1], strides = [1]} : vector<16xi32> to vector<1xi32>
      %squeeze3A_705 = vector.extract %slice3A_704[0] : i32 from vector<1xi32>
      %multiple_of3A_706 = tpu.assume_multiple %squeeze3A_705, 128 : i32
      %dma_start3A_707 = arith.constant 10 : i32
      %dma_start3A_708 = arith.constant 0 : i32
      %dma_start3A_709 = arith.constant 0 : i32
      %dma_start3A_710 = tpu.memref_slice %arg14[%dma_start3A_707, %dma_start3A_708, %dma_start3A_709] : memref<16x16x128xf32, #tpu.memory_space<vmem>> -> memref<1x16x128xf32, #tpu.memory_space<vmem>>
      %dma_start3A_711 = tpu.memref_squeeze %dma_start3A_710 : memref<1x16x128xf32, #tpu.memory_space<vmem>> -> memref<16x128xf32, #tpu.memory_space<vmem>>
      %dma_start3A_712 = arith.constant 0 : i32
      %dma_start3A_713 = tpu.memref_slice %arg6[%dma_start3A_712, %multiple_of3A_706] : memref<16x1000000xf32, #tpu.memory_space<hbm>> -> memref<16x128xf32, #tpu.memory_space<hbm>>
      %dma_start3A_714 = arith.constant 0 : i32
      %dma_start3A_715 = arith.constant 0 : i32
      %dma_start3A_716 = tpu.memref_slice %arg14[%dma_start3A_707, %dma_start3A_714, %dma_start3A_715] : memref<16x16x128xf32, #tpu.memory_space<vmem>> -> memref<1x16x128xf32, #tpu.memory_space<vmem>>
      %dma_start3A_717 = tpu.memref_squeeze %dma_start3A_716 : memref<1x16x128xf32, #tpu.memory_space<vmem>> -> memref<16x128xf32, #tpu.memory_space<vmem>>
      %dma_start3A_718 = arith.constant 0 : i32
      %dma_start3A_719 = tpu.memref_slice %arg6[%dma_start3A_718, %multiple_of3A_706] : memref<16x1000000xf32, #tpu.memory_space<hbm>> -> memref<16x128xf32, #tpu.memory_space<hbm>>
      tpu.enqueue_dma source(%dma_start3A_719 : memref<16x128xf32, #tpu.memory_space<hbm>>) target(%dma_start3A_717 : memref<16x128xf32, #tpu.memory_space<vmem>>) target_semaphore(%arg17 : memref<!tpu.dma_semaphore, #tpu.memory_space<semaphore_mem>>)
      %slice3A_720 = vector.extract_strided_slice %shift_left3A_33 {offsets = [11], sizes = [1], strides = [1]} : vector<16xi32> to vector<1xi32>
      %squeeze3A_721 = vector.extract %slice3A_720[0] : i32 from vector<1xi32>
      %multiple_of3A_722 = tpu.assume_multiple %squeeze3A_721, 128 : i32
      %dma_start3A_723 = arith.constant 11 : i32
      %dma_start3A_724 = arith.constant 0 : i32
      %dma_start3A_725 = arith.constant 0 : i32
      %dma_start3A_726 = tpu.memref_slice %arg14[%dma_start3A_723, %dma_start3A_724, %dma_start3A_725] : memref<16x16x128xf32, #tpu.memory_space<vmem>> -> memref<1x16x128xf32, #tpu.memory_space<vmem>>
      %dma_start3A_727 = tpu.memref_squeeze %dma_start3A_726 : memref<1x16x128xf32, #tpu.memory_space<vmem>> -> memref<16x128xf32, #tpu.memory_space<vmem>>
      %dma_start3A_728 = arith.constant 0 : i32
      %dma_start3A_729 = tpu.memref_slice %arg6[%dma_start3A_728, %multiple_of3A_722] : memref<16x1000000xf32, #tpu.memory_space<hbm>> -> memref<16x128xf32, #tpu.memory_space<hbm>>
      %dma_start3A_730 = arith.constant 0 : i32
      %dma_start3A_731 = arith.constant 0 : i32
      %dma_start3A_732 = tpu.memref_slice %arg14[%dma_start3A_723, %dma_start3A_730, %dma_start3A_731] : memref<16x16x128xf32, #tpu.memory_space<vmem>> -> memref<1x16x128xf32, #tpu.memory_space<vmem>>
      %dma_start3A_733 = tpu.memref_squeeze %dma_start3A_732 : memref<1x16x128xf32, #tpu.memory_space<vmem>> -> memref<16x128xf32, #tpu.memory_space<vmem>>
      %dma_start3A_734 = arith.constant 0 : i32
      %dma_start3A_735 = tpu.memref_slice %arg6[%dma_start3A_734, %multiple_of3A_722] : memref<16x1000000xf32, #tpu.memory_space<hbm>> -> memref<16x128xf32, #tpu.memory_space<hbm>>
      tpu.enqueue_dma source(%dma_start3A_735 : memref<16x128xf32, #tpu.memory_space<hbm>>) target(%dma_start3A_733 : memref<16x128xf32, #tpu.memory_space<vmem>>) target_semaphore(%arg17 : memref<!tpu.dma_semaphore, #tpu.memory_space<semaphore_mem>>)
      %slice3A_736 = vector.extract_strided_slice %shift_left3A_33 {offsets = [12], sizes = [1], strides = [1]} : vector<16xi32> to vector<1xi32>
      %squeeze3A_737 = vector.extract %slice3A_736[0] : i32 from vector<1xi32>
      %multiple_of3A_738 = tpu.assume_multiple %squeeze3A_737, 128 : i32
      %dma_start3A_739 = arith.constant 12 : i32
      %dma_start3A_740 = arith.constant 0 : i32
      %dma_start3A_741 = arith.constant 0 : i32
      %dma_start3A_742 = tpu.memref_slice %arg14[%dma_start3A_739, %dma_start3A_740, %dma_start3A_741] : memref<16x16x128xf32, #tpu.memory_space<vmem>> -> memref<1x16x128xf32, #tpu.memory_space<vmem>>
      %dma_start3A_743 = tpu.memref_squeeze %dma_start3A_742 : memref<1x16x128xf32, #tpu.memory_space<vmem>> -> memref<16x128xf32, #tpu.memory_space<vmem>>
      %dma_start3A_744 = arith.constant 0 : i32
      %dma_start3A_745 = tpu.memref_slice %arg6[%dma_start3A_744, %multiple_of3A_738] : memref<16x1000000xf32, #tpu.memory_space<hbm>> -> memref<16x128xf32, #tpu.memory_space<hbm>>
      %dma_start3A_746 = arith.constant 0 : i32
      %dma_start3A_747 = arith.constant 0 : i32
      %dma_start3A_748 = tpu.memref_slice %arg14[%dma_start3A_739, %dma_start3A_746, %dma_start3A_747] : memref<16x16x128xf32, #tpu.memory_space<vmem>> -> memref<1x16x128xf32, #tpu.memory_space<vmem>>
      %dma_start3A_749 = tpu.memref_squeeze %dma_start3A_748 : memref<1x16x128xf32, #tpu.memory_space<vmem>> -> memref<16x128xf32, #tpu.memory_space<vmem>>
      %dma_start3A_750 = arith.constant 0 : i32
      %dma_start3A_751 = tpu.memref_slice %arg6[%dma_start3A_750, %multiple_of3A_738] : memref<16x1000000xf32, #tpu.memory_space<hbm>> -> memref<16x128xf32, #tpu.memory_space<hbm>>
      tpu.enqueue_dma source(%dma_start3A_751 : memref<16x128xf32, #tpu.memory_space<hbm>>) target(%dma_start3A_749 : memref<16x128xf32, #tpu.memory_space<vmem>>) target_semaphore(%arg17 : memref<!tpu.dma_semaphore, #tpu.memory_space<semaphore_mem>>)
      %slice3A_752 = vector.extract_strided_slice %shift_left3A_33 {offsets = [13], sizes = [1], strides = [1]} : vector<16xi32> to vector<1xi32>
      %squeeze3A_753 = vector.extract %slice3A_752[0] : i32 from vector<1xi32>
      %multiple_of3A_754 = tpu.assume_multiple %squeeze3A_753, 128 : i32
      %dma_start3A_755 = arith.constant 13 : i32
      %dma_start3A_756 = arith.constant 0 : i32
      %dma_start3A_757 = arith.constant 0 : i32
      %dma_start3A_758 = tpu.memref_slice %arg14[%dma_start3A_755, %dma_start3A_756, %dma_start3A_757] : memref<16x16x128xf32, #tpu.memory_space<vmem>> -> memref<1x16x128xf32, #tpu.memory_space<vmem>>
      %dma_start3A_759 = tpu.memref_squeeze %dma_start3A_758 : memref<1x16x128xf32, #tpu.memory_space<vmem>> -> memref<16x128xf32, #tpu.memory_space<vmem>>
      %dma_start3A_760 = arith.constant 0 : i32
      %dma_start3A_761 = tpu.memref_slice %arg6[%dma_start3A_760, %multiple_of3A_754] : memref<16x1000000xf32, #tpu.memory_space<hbm>> -> memref<16x128xf32, #tpu.memory_space<hbm>>
      %dma_start3A_762 = arith.constant 0 : i32
      %dma_start3A_763 = arith.constant 0 : i32
      %dma_start3A_764 = tpu.memref_slice %arg14[%dma_start3A_755, %dma_start3A_762, %dma_start3A_763] : memref<16x16x128xf32, #tpu.memory_space<vmem>> -> memref<1x16x128xf32, #tpu.memory_space<vmem>>
      %dma_start3A_765 = tpu.memref_squeeze %dma_start3A_764 : memref<1x16x128xf32, #tpu.memory_space<vmem>> -> memref<16x128xf32, #tpu.memory_space<vmem>>
      %dma_start3A_766 = arith.constant 0 : i32
      %dma_start3A_767 = tpu.memref_slice %arg6[%dma_start3A_766, %multiple_of3A_754] : memref<16x1000000xf32, #tpu.memory_space<hbm>> -> memref<16x128xf32, #tpu.memory_space<hbm>>
      tpu.enqueue_dma source(%dma_start3A_767 : memref<16x128xf32, #tpu.memory_space<hbm>>) target(%dma_start3A_765 : memref<16x128xf32, #tpu.memory_space<vmem>>) target_semaphore(%arg17 : memref<!tpu.dma_semaphore, #tpu.memory_space<semaphore_mem>>)
      %slice3A_768 = vector.extract_strided_slice %shift_left3A_33 {offsets = [14], sizes = [1], strides = [1]} : vector<16xi32> to vector<1xi32>
      %squeeze3A_769 = vector.extract %slice3A_768[0] : i32 from vector<1xi32>
      %multiple_of3A_770 = tpu.assume_multiple %squeeze3A_769, 128 : i32
      %dma_start3A_771 = arith.constant 14 : i32
      %dma_start3A_772 = arith.constant 0 : i32
      %dma_start3A_773 = arith.constant 0 : i32
      %dma_start3A_774 = tpu.memref_slice %arg14[%dma_start3A_771, %dma_start3A_772, %dma_start3A_773] : memref<16x16x128xf32, #tpu.memory_space<vmem>> -> memref<1x16x128xf32, #tpu.memory_space<vmem>>
      %dma_start3A_775 = tpu.memref_squeeze %dma_start3A_774 : memref<1x16x128xf32, #tpu.memory_space<vmem>> -> memref<16x128xf32, #tpu.memory_space<vmem>>
      %dma_start3A_776 = arith.constant 0 : i32
      %dma_start3A_777 = tpu.memref_slice %arg6[%dma_start3A_776, %multiple_of3A_770] : memref<16x1000000xf32, #tpu.memory_space<hbm>> -> memref<16x128xf32, #tpu.memory_space<hbm>>
      %dma_start3A_778 = arith.constant 0 : i32
      %dma_start3A_779 = arith.constant 0 : i32
      %dma_start3A_780 = tpu.memref_slice %arg14[%dma_start3A_771, %dma_start3A_778, %dma_start3A_779] : memref<16x16x128xf32, #tpu.memory_space<vmem>> -> memref<1x16x128xf32, #tpu.memory_space<vmem>>
      %dma_start3A_781 = tpu.memref_squeeze %dma_start3A_780 : memref<1x16x128xf32, #tpu.memory_space<vmem>> -> memref<16x128xf32, #tpu.memory_space<vmem>>
      %dma_start3A_782 = arith.constant 0 : i32
      %dma_start3A_783 = tpu.memref_slice %arg6[%dma_start3A_782, %multiple_of3A_770] : memref<16x1000000xf32, #tpu.memory_space<hbm>> -> memref<16x128xf32, #tpu.memory_space<hbm>>
      tpu.enqueue_dma source(%dma_start3A_783 : memref<16x128xf32, #tpu.memory_space<hbm>>) target(%dma_start3A_781 : memref<16x128xf32, #tpu.memory_space<vmem>>) target_semaphore(%arg17 : memref<!tpu.dma_semaphore, #tpu.memory_space<semaphore_mem>>)
      %slice3A_784 = vector.extract_strided_slice %shift_left3A_33 {offsets = [15], sizes = [1], strides = [1]} : vector<16xi32> to vector<1xi32>
      %squeeze3A_785 = vector.extract %slice3A_784[0] : i32 from vector<1xi32>
      %multiple_of3A_786 = tpu.assume_multiple %squeeze3A_785, 128 : i32
      %dma_start3A_787 = arith.constant 15 : i32
      %dma_start3A_788 = arith.constant 0 : i32
      %dma_start3A_789 = arith.constant 0 : i32
      %dma_start3A_790 = tpu.memref_slice %arg14[%dma_start3A_787, %dma_start3A_788, %dma_start3A_789] : memref<16x16x128xf32, #tpu.memory_space<vmem>> -> memref<1x16x128xf32, #tpu.memory_space<vmem>>
      %dma_start3A_791 = tpu.memref_squeeze %dma_start3A_790 : memref<1x16x128xf32, #tpu.memory_space<vmem>> -> memref<16x128xf32, #tpu.memory_space<vmem>>
      %dma_start3A_792 = arith.constant 0 : i32
      %dma_start3A_793 = tpu.memref_slice %arg6[%dma_start3A_792, %multiple_of3A_786] : memref<16x1000000xf32, #tpu.memory_space<hbm>> -> memref<16x128xf32, #tpu.memory_space<hbm>>
      %dma_start3A_794 = arith.constant 0 : i32
      %dma_start3A_795 = arith.constant 0 : i32
      %dma_start3A_796 = tpu.memref_slice %arg14[%dma_start3A_787, %dma_start3A_794, %dma_start3A_795] : memref<16x16x128xf32, #tpu.memory_space<vmem>> -> memref<1x16x128xf32, #tpu.memory_space<vmem>>
      %dma_start3A_797 = tpu.memref_squeeze %dma_start3A_796 : memref<1x16x128xf32, #tpu.memory_space<vmem>> -> memref<16x128xf32, #tpu.memory_space<vmem>>
      %dma_start3A_798 = arith.constant 0 : i32
      %dma_start3A_799 = tpu.memref_slice %arg6[%dma_start3A_798, %multiple_of3A_786] : memref<16x1000000xf32, #tpu.memory_space<hbm>> -> memref<16x128xf32, #tpu.memory_space<hbm>>
      tpu.enqueue_dma source(%dma_start3A_799 : memref<16x128xf32, #tpu.memory_space<hbm>>) target(%dma_start3A_797 : memref<16x128xf32, #tpu.memory_space<vmem>>) target_semaphore(%arg17 : memref<!tpu.dma_semaphore, #tpu.memory_space<semaphore_mem>>)
      %dma_wait3A = arith.constant 0 : i32
      %dma_wait3A_800 = arith.constant 0 : i32
      %dma_wait3A_801 = arith.constant 0 : i32
      %dma_wait3A_802 = tpu.memref_slice %arg12[%dma_wait3A, %dma_wait3A_800, %dma_wait3A_801] : memref<16x16x128xf32, #tpu.memory_space<vmem>> -> memref<1x16x128xf32, #tpu.memory_space<vmem>>
      %dma_wait3A_803 = tpu.memref_squeeze %dma_wait3A_802 : memref<1x16x128xf32, #tpu.memory_space<vmem>> -> memref<16x128xf32, #tpu.memory_space<vmem>>
      %dma_wait3A_804 = arith.constant 0 : i32
      %dma_wait3A_805 = tpu.memref_slice %arg5[%dma_wait3A_804, %multiple_of3A] : memref<16x1000000xf32, #tpu.memory_space<hbm>> -> memref<16x128xf32, #tpu.memory_space<hbm>>
      %dma_wait3A_806 = arith.constant 0 : i32
      %dma_wait3A_807 = arith.constant 0 : i32
      %dma_wait3A_808 = tpu.memref_slice %arg12[%dma_wait3A, %dma_wait3A_806, %dma_wait3A_807] : memref<16x16x128xf32, #tpu.memory_space<vmem>> -> memref<1x16x128xf32, #tpu.memory_space<vmem>>
      %dma_wait3A_809 = tpu.memref_squeeze %dma_wait3A_808 : memref<1x16x128xf32, #tpu.memory_space<vmem>> -> memref<16x128xf32, #tpu.memory_space<vmem>>
      %dma_wait3A_810 = arith.constant 0 : i32
      %dma_wait3A_811 = tpu.memref_slice %arg5[%dma_wait3A_810, %multiple_of3A] : memref<16x1000000xf32, #tpu.memory_space<hbm>> -> memref<16x128xf32, #tpu.memory_space<hbm>>
      tpu.wait_dma2 semaphore(%arg17 : memref<!tpu.dma_semaphore, #tpu.memory_space<semaphore_mem>>) src(%dma_wait3A_811 : memref<16x128xf32, #tpu.memory_space<hbm>>) dst(%dma_wait3A_809 : memref<16x128xf32, #tpu.memory_space<vmem>>)
      %dma_wait3A_812 = arith.constant 1 : i32
      %dma_wait3A_813 = arith.constant 0 : i32
      %dma_wait3A_814 = arith.constant 0 : i32
      %dma_wait3A_815 = tpu.memref_slice %arg12[%dma_wait3A_812, %dma_wait3A_813, %dma_wait3A_814] : memref<16x16x128xf32, #tpu.memory_space<vmem>> -> memref<1x16x128xf32, #tpu.memory_space<vmem>>
      %dma_wait3A_816 = tpu.memref_squeeze %dma_wait3A_815 : memref<1x16x128xf32, #tpu.memory_space<vmem>> -> memref<16x128xf32, #tpu.memory_space<vmem>>
      %dma_wait3A_817 = arith.constant 0 : i32
      %dma_wait3A_818 = tpu.memref_slice %arg5[%dma_wait3A_817, %multiple_of3A_50] : memref<16x1000000xf32, #tpu.memory_space<hbm>> -> memref<16x128xf32, #tpu.memory_space<hbm>>
      %dma_wait3A_819 = arith.constant 0 : i32
      %dma_wait3A_820 = arith.constant 0 : i32
      %dma_wait3A_821 = tpu.memref_slice %arg12[%dma_wait3A_812, %dma_wait3A_819, %dma_wait3A_820] : memref<16x16x128xf32, #tpu.memory_space<vmem>> -> memref<1x16x128xf32, #tpu.memory_space<vmem>>
      %dma_wait3A_822 = tpu.memref_squeeze %dma_wait3A_821 : memref<1x16x128xf32, #tpu.memory_space<vmem>> -> memref<16x128xf32, #tpu.memory_space<vmem>>
      %dma_wait3A_823 = arith.constant 0 : i32
      %dma_wait3A_824 = tpu.memref_slice %arg5[%dma_wait3A_823, %multiple_of3A_50] : memref<16x1000000xf32, #tpu.memory_space<hbm>> -> memref<16x128xf32, #tpu.memory_space<hbm>>
      tpu.wait_dma2 semaphore(%arg17 : memref<!tpu.dma_semaphore, #tpu.memory_space<semaphore_mem>>) src(%dma_wait3A_824 : memref<16x128xf32, #tpu.memory_space<hbm>>) dst(%dma_wait3A_822 : memref<16x128xf32, #tpu.memory_space<vmem>>)
      %dma_wait3A_825 = arith.constant 2 : i32
      %dma_wait3A_826 = arith.constant 0 : i32
      %dma_wait3A_827 = arith.constant 0 : i32
      %dma_wait3A_828 = tpu.memref_slice %arg12[%dma_wait3A_825, %dma_wait3A_826, %dma_wait3A_827] : memref<16x16x128xf32, #tpu.memory_space<vmem>> -> memref<1x16x128xf32, #tpu.memory_space<vmem>>
      %dma_wait3A_829 = tpu.memref_squeeze %dma_wait3A_828 : memref<1x16x128xf32, #tpu.memory_space<vmem>> -> memref<16x128xf32, #tpu.memory_space<vmem>>
      %dma_wait3A_830 = arith.constant 0 : i32
      %dma_wait3A_831 = tpu.memref_slice %arg5[%dma_wait3A_830, %multiple_of3A_66] : memref<16x1000000xf32, #tpu.memory_space<hbm>> -> memref<16x128xf32, #tpu.memory_space<hbm>>
      %dma_wait3A_832 = arith.constant 0 : i32
      %dma_wait3A_833 = arith.constant 0 : i32
      %dma_wait3A_834 = tpu.memref_slice %arg12[%dma_wait3A_825, %dma_wait3A_832, %dma_wait3A_833] : memref<16x16x128xf32, #tpu.memory_space<vmem>> -> memref<1x16x128xf32, #tpu.memory_space<vmem>>
      %dma_wait3A_835 = tpu.memref_squeeze %dma_wait3A_834 : memref<1x16x128xf32, #tpu.memory_space<vmem>> -> memref<16x128xf32, #tpu.memory_space<vmem>>
      %dma_wait3A_836 = arith.constant 0 : i32
      %dma_wait3A_837 = tpu.memref_slice %arg5[%dma_wait3A_836, %multiple_of3A_66] : memref<16x1000000xf32, #tpu.memory_space<hbm>> -> memref<16x128xf32, #tpu.memory_space<hbm>>
      tpu.wait_dma2 semaphore(%arg17 : memref<!tpu.dma_semaphore, #tpu.memory_space<semaphore_mem>>) src(%dma_wait3A_837 : memref<16x128xf32, #tpu.memory_space<hbm>>) dst(%dma_wait3A_835 : memref<16x128xf32, #tpu.memory_space<vmem>>)
      %dma_wait3A_838 = arith.constant 3 : i32
      %dma_wait3A_839 = arith.constant 0 : i32
      %dma_wait3A_840 = arith.constant 0 : i32
      %dma_wait3A_841 = tpu.memref_slice %arg12[%dma_wait3A_838, %dma_wait3A_839, %dma_wait3A_840] : memref<16x16x128xf32, #tpu.memory_space<vmem>> -> memref<1x16x128xf32, #tpu.memory_space<vmem>>
      %dma_wait3A_842 = tpu.memref_squeeze %dma_wait3A_841 : memref<1x16x128xf32, #tpu.memory_space<vmem>> -> memref<16x128xf32, #tpu.memory_space<vmem>>
      %dma_wait3A_843 = arith.constant 0 : i32
      %dma_wait3A_844 = tpu.memref_slice %arg5[%dma_wait3A_843, %multiple_of3A_82] : memref<16x1000000xf32, #tpu.memory_space<hbm>> -> memref<16x128xf32, #tpu.memory_space<hbm>>
      %dma_wait3A_845 = arith.constant 0 : i32
      %dma_wait3A_846 = arith.constant 0 : i32
      %dma_wait3A_847 = tpu.memref_slice %arg12[%dma_wait3A_838, %dma_wait3A_845, %dma_wait3A_846] : memref<16x16x128xf32, #tpu.memory_space<vmem>> -> memref<1x16x128xf32, #tpu.memory_space<vmem>>
      %dma_wait3A_848 = tpu.memref_squeeze %dma_wait3A_847 : memref<1x16x128xf32, #tpu.memory_space<vmem>> -> memref<16x128xf32, #tpu.memory_space<vmem>>
      %dma_wait3A_849 = arith.constant 0 : i32
      %dma_wait3A_850 = tpu.memref_slice %arg5[%dma_wait3A_849, %multiple_of3A_82] : memref<16x1000000xf32, #tpu.memory_space<hbm>> -> memref<16x128xf32, #tpu.memory_space<hbm>>
      tpu.wait_dma2 semaphore(%arg17 : memref<!tpu.dma_semaphore, #tpu.memory_space<semaphore_mem>>) src(%dma_wait3A_850 : memref<16x128xf32, #tpu.memory_space<hbm>>) dst(%dma_wait3A_848 : memref<16x128xf32, #tpu.memory_space<vmem>>)
      %dma_wait3A_851 = arith.constant 4 : i32
      %dma_wait3A_852 = arith.constant 0 : i32
      %dma_wait3A_853 = arith.constant 0 : i32
      %dma_wait3A_854 = tpu.memref_slice %arg12[%dma_wait3A_851, %dma_wait3A_852, %dma_wait3A_853] : memref<16x16x128xf32, #tpu.memory_space<vmem>> -> memref<1x16x128xf32, #tpu.memory_space<vmem>>
      %dma_wait3A_855 = tpu.memref_squeeze %dma_wait3A_854 : memref<1x16x128xf32, #tpu.memory_space<vmem>> -> memref<16x128xf32, #tpu.memory_space<vmem>>
      %dma_wait3A_856 = arith.constant 0 : i32
      %dma_wait3A_857 = tpu.memref_slice %arg5[%dma_wait3A_856, %multiple_of3A_98] : memref<16x1000000xf32, #tpu.memory_space<hbm>> -> memref<16x128xf32, #tpu.memory_space<hbm>>
      %dma_wait3A_858 = arith.constant 0 : i32
      %dma_wait3A_859 = arith.constant 0 : i32
      %dma_wait3A_860 = tpu.memref_slice %arg12[%dma_wait3A_851, %dma_wait3A_858, %dma_wait3A_859] : memref<16x16x128xf32, #tpu.memory_space<vmem>> -> memref<1x16x128xf32, #tpu.memory_space<vmem>>
      %dma_wait3A_861 = tpu.memref_squeeze %dma_wait3A_860 : memref<1x16x128xf32, #tpu.memory_space<vmem>> -> memref<16x128xf32, #tpu.memory_space<vmem>>
      %dma_wait3A_862 = arith.constant 0 : i32
      %dma_wait3A_863 = tpu.memref_slice %arg5[%dma_wait3A_862, %multiple_of3A_98] : memref<16x1000000xf32, #tpu.memory_space<hbm>> -> memref<16x128xf32, #tpu.memory_space<hbm>>
      tpu.wait_dma2 semaphore(%arg17 : memref<!tpu.dma_semaphore, #tpu.memory_space<semaphore_mem>>) src(%dma_wait3A_863 : memref<16x128xf32, #tpu.memory_space<hbm>>) dst(%dma_wait3A_861 : memref<16x128xf32, #tpu.memory_space<vmem>>)
      %dma_wait3A_864 = arith.constant 5 : i32
      %dma_wait3A_865 = arith.constant 0 : i32
      %dma_wait3A_866 = arith.constant 0 : i32
      %dma_wait3A_867 = tpu.memref_slice %arg12[%dma_wait3A_864, %dma_wait3A_865, %dma_wait3A_866] : memref<16x16x128xf32, #tpu.memory_space<vmem>> -> memref<1x16x128xf32, #tpu.memory_space<vmem>>
      %dma_wait3A_868 = tpu.memref_squeeze %dma_wait3A_867 : memref<1x16x128xf32, #tpu.memory_space<vmem>> -> memref<16x128xf32, #tpu.memory_space<vmem>>
      %dma_wait3A_869 = arith.constant 0 : i32
      %dma_wait3A_870 = tpu.memref_slice %arg5[%dma_wait3A_869, %multiple_of3A_114] : memref<16x1000000xf32, #tpu.memory_space<hbm>> -> memref<16x128xf32, #tpu.memory_space<hbm>>
      %dma_wait3A_871 = arith.constant 0 : i32
      %dma_wait3A_872 = arith.constant 0 : i32
      %dma_wait3A_873 = tpu.memref_slice %arg12[%dma_wait3A_864, %dma_wait3A_871, %dma_wait3A_872] : memref<16x16x128xf32, #tpu.memory_space<vmem>> -> memref<1x16x128xf32, #tpu.memory_space<vmem>>
      %dma_wait3A_874 = tpu.memref_squeeze %dma_wait3A_873 : memref<1x16x128xf32, #tpu.memory_space<vmem>> -> memref<16x128xf32, #tpu.memory_space<vmem>>
      %dma_wait3A_875 = arith.constant 0 : i32
      %dma_wait3A_876 = tpu.memref_slice %arg5[%dma_wait3A_875, %multiple_of3A_114] : memref<16x1000000xf32, #tpu.memory_space<hbm>> -> memref<16x128xf32, #tpu.memory_space<hbm>>
      tpu.wait_dma2 semaphore(%arg17 : memref<!tpu.dma_semaphore, #tpu.memory_space<semaphore_mem>>) src(%dma_wait3A_876 : memref<16x128xf32, #tpu.memory_space<hbm>>) dst(%dma_wait3A_874 : memref<16x128xf32, #tpu.memory_space<vmem>>)
      %dma_wait3A_877 = arith.constant 6 : i32
      %dma_wait3A_878 = arith.constant 0 : i32
      %dma_wait3A_879 = arith.constant 0 : i32
      %dma_wait3A_880 = tpu.memref_slice %arg12[%dma_wait3A_877, %dma_wait3A_878, %dma_wait3A_879] : memref<16x16x128xf32, #tpu.memory_space<vmem>> -> memref<1x16x128xf32, #tpu.memory_space<vmem>>
      %dma_wait3A_881 = tpu.memref_squeeze %dma_wait3A_880 : memref<1x16x128xf32, #tpu.memory_space<vmem>> -> memref<16x128xf32, #tpu.memory_space<vmem>>
      %dma_wait3A_882 = arith.constant 0 : i32
      %dma_wait3A_883 = tpu.memref_slice %arg5[%dma_wait3A_882, %multiple_of3A_130] : memref<16x1000000xf32, #tpu.memory_space<hbm>> -> memref<16x128xf32, #tpu.memory_space<hbm>>
      %dma_wait3A_884 = arith.constant 0 : i32
      %dma_wait3A_885 = arith.constant 0 : i32
      %dma_wait3A_886 = tpu.memref_slice %arg12[%dma_wait3A_877, %dma_wait3A_884, %dma_wait3A_885] : memref<16x16x128xf32, #tpu.memory_space<vmem>> -> memref<1x16x128xf32, #tpu.memory_space<vmem>>
      %dma_wait3A_887 = tpu.memref_squeeze %dma_wait3A_886 : memref<1x16x128xf32, #tpu.memory_space<vmem>> -> memref<16x128xf32, #tpu.memory_space<vmem>>
      %dma_wait3A_888 = arith.constant 0 : i32
      %dma_wait3A_889 = tpu.memref_slice %arg5[%dma_wait3A_888, %multiple_of3A_130] : memref<16x1000000xf32, #tpu.memory_space<hbm>> -> memref<16x128xf32, #tpu.memory_space<hbm>>
      tpu.wait_dma2 semaphore(%arg17 : memref<!tpu.dma_semaphore, #tpu.memory_space<semaphore_mem>>) src(%dma_wait3A_889 : memref<16x128xf32, #tpu.memory_space<hbm>>) dst(%dma_wait3A_887 : memref<16x128xf32, #tpu.memory_space<vmem>>)
      %dma_wait3A_890 = arith.constant 7 : i32
      %dma_wait3A_891 = arith.constant 0 : i32
      %dma_wait3A_892 = arith.constant 0 : i32
      %dma_wait3A_893 = tpu.memref_slice %arg12[%dma_wait3A_890, %dma_wait3A_891, %dma_wait3A_892] : memref<16x16x128xf32, #tpu.memory_space<vmem>> -> memref<1x16x128xf32, #tpu.memory_space<vmem>>
      %dma_wait3A_894 = tpu.memref_squeeze %dma_wait3A_893 : memref<1x16x128xf32, #tpu.memory_space<vmem>> -> memref<16x128xf32, #tpu.memory_space<vmem>>
      %dma_wait3A_895 = arith.constant 0 : i32
      %dma_wait3A_896 = tpu.memref_slice %arg5[%dma_wait3A_895, %multiple_of3A_146] : memref<16x1000000xf32, #tpu.memory_space<hbm>> -> memref<16x128xf32, #tpu.memory_space<hbm>>
      %dma_wait3A_897 = arith.constant 0 : i32
      %dma_wait3A_898 = arith.constant 0 : i32
      %dma_wait3A_899 = tpu.memref_slice %arg12[%dma_wait3A_890, %dma_wait3A_897, %dma_wait3A_898] : memref<16x16x128xf32, #tpu.memory_space<vmem>> -> memref<1x16x128xf32, #tpu.memory_space<vmem>>
      %dma_wait3A_900 = tpu.memref_squeeze %dma_wait3A_899 : memref<1x16x128xf32, #tpu.memory_space<vmem>> -> memref<16x128xf32, #tpu.memory_space<vmem>>
      %dma_wait3A_901 = arith.constant 0 : i32
      %dma_wait3A_902 = tpu.memref_slice %arg5[%dma_wait3A_901, %multiple_of3A_146] : memref<16x1000000xf32, #tpu.memory_space<hbm>> -> memref<16x128xf32, #tpu.memory_space<hbm>>
      tpu.wait_dma2 semaphore(%arg17 : memref<!tpu.dma_semaphore, #tpu.memory_space<semaphore_mem>>) src(%dma_wait3A_902 : memref<16x128xf32, #tpu.memory_space<hbm>>) dst(%dma_wait3A_900 : memref<16x128xf32, #tpu.memory_space<vmem>>)
      %dma_wait3A_903 = arith.constant 8 : i32
      %dma_wait3A_904 = arith.constant 0 : i32
      %dma_wait3A_905 = arith.constant 0 : i32
      %dma_wait3A_906 = tpu.memref_slice %arg12[%dma_wait3A_903, %dma_wait3A_904, %dma_wait3A_905] : memref<16x16x128xf32, #tpu.memory_space<vmem>> -> memref<1x16x128xf32, #tpu.memory_space<vmem>>
      %dma_wait3A_907 = tpu.memref_squeeze %dma_wait3A_906 : memref<1x16x128xf32, #tpu.memory_space<vmem>> -> memref<16x128xf32, #tpu.memory_space<vmem>>
      %dma_wait3A_908 = arith.constant 0 : i32
      %dma_wait3A_909 = tpu.memref_slice %arg5[%dma_wait3A_908, %multiple_of3A_162] : memref<16x1000000xf32, #tpu.memory_space<hbm>> -> memref<16x128xf32, #tpu.memory_space<hbm>>
      %dma_wait3A_910 = arith.constant 0 : i32
      %dma_wait3A_911 = arith.constant 0 : i32
      %dma_wait3A_912 = tpu.memref_slice %arg12[%dma_wait3A_903, %dma_wait3A_910, %dma_wait3A_911] : memref<16x16x128xf32, #tpu.memory_space<vmem>> -> memref<1x16x128xf32, #tpu.memory_space<vmem>>
      %dma_wait3A_913 = tpu.memref_squeeze %dma_wait3A_912 : memref<1x16x128xf32, #tpu.memory_space<vmem>> -> memref<16x128xf32, #tpu.memory_space<vmem>>
      %dma_wait3A_914 = arith.constant 0 : i32
      %dma_wait3A_915 = tpu.memref_slice %arg5[%dma_wait3A_914, %multiple_of3A_162] : memref<16x1000000xf32, #tpu.memory_space<hbm>> -> memref<16x128xf32, #tpu.memory_space<hbm>>
      tpu.wait_dma2 semaphore(%arg17 : memref<!tpu.dma_semaphore, #tpu.memory_space<semaphore_mem>>) src(%dma_wait3A_915 : memref<16x128xf32, #tpu.memory_space<hbm>>) dst(%dma_wait3A_913 : memref<16x128xf32, #tpu.memory_space<vmem>>)
      %dma_wait3A_916 = arith.constant 9 : i32
      %dma_wait3A_917 = arith.constant 0 : i32
      %dma_wait3A_918 = arith.constant 0 : i32
      %dma_wait3A_919 = tpu.memref_slice %arg12[%dma_wait3A_916, %dma_wait3A_917, %dma_wait3A_918] : memref<16x16x128xf32, #tpu.memory_space<vmem>> -> memref<1x16x128xf32, #tpu.memory_space<vmem>>
      %dma_wait3A_920 = tpu.memref_squeeze %dma_wait3A_919 : memref<1x16x128xf32, #tpu.memory_space<vmem>> -> memref<16x128xf32, #tpu.memory_space<vmem>>
      %dma_wait3A_921 = arith.constant 0 : i32
      %dma_wait3A_922 = tpu.memref_slice %arg5[%dma_wait3A_921, %multiple_of3A_178] : memref<16x1000000xf32, #tpu.memory_space<hbm>> -> memref<16x128xf32, #tpu.memory_space<hbm>>
      %dma_wait3A_923 = arith.constant 0 : i32
      %dma_wait3A_924 = arith.constant 0 : i32
      %dma_wait3A_925 = tpu.memref_slice %arg12[%dma_wait3A_916, %dma_wait3A_923, %dma_wait3A_924] : memref<16x16x128xf32, #tpu.memory_space<vmem>> -> memref<1x16x128xf32, #tpu.memory_space<vmem>>
      %dma_wait3A_926 = tpu.memref_squeeze %dma_wait3A_925 : memref<1x16x128xf32, #tpu.memory_space<vmem>> -> memref<16x128xf32, #tpu.memory_space<vmem>>
      %dma_wait3A_927 = arith.constant 0 : i32
      %dma_wait3A_928 = tpu.memref_slice %arg5[%dma_wait3A_927, %multiple_of3A_178] : memref<16x1000000xf32, #tpu.memory_space<hbm>> -> memref<16x128xf32, #tpu.memory_space<hbm>>
      tpu.wait_dma2 semaphore(%arg17 : memref<!tpu.dma_semaphore, #tpu.memory_space<semaphore_mem>>) src(%dma_wait3A_928 : memref<16x128xf32, #tpu.memory_space<hbm>>) dst(%dma_wait3A_926 : memref<16x128xf32, #tpu.memory_space<vmem>>)
      %dma_wait3A_929 = arith.constant 10 : i32
      %dma_wait3A_930 = arith.constant 0 : i32
      %dma_wait3A_931 = arith.constant 0 : i32
      %dma_wait3A_932 = tpu.memref_slice %arg12[%dma_wait3A_929, %dma_wait3A_930, %dma_wait3A_931] : memref<16x16x128xf32, #tpu.memory_space<vmem>> -> memref<1x16x128xf32, #tpu.memory_space<vmem>>
      %dma_wait3A_933 = tpu.memref_squeeze %dma_wait3A_932 : memref<1x16x128xf32, #tpu.memory_space<vmem>> -> memref<16x128xf32, #tpu.memory_space<vmem>>
      %dma_wait3A_934 = arith.constant 0 : i32
      %dma_wait3A_935 = tpu.memref_slice %arg5[%dma_wait3A_934, %multiple_of3A_194] : memref<16x1000000xf32, #tpu.memory_space<hbm>> -> memref<16x128xf32, #tpu.memory_space<hbm>>
      %dma_wait3A_936 = arith.constant 0 : i32
      %dma_wait3A_937 = arith.constant 0 : i32
      %dma_wait3A_938 = tpu.memref_slice %arg12[%dma_wait3A_929, %dma_wait3A_936, %dma_wait3A_937] : memref<16x16x128xf32, #tpu.memory_space<vmem>> -> memref<1x16x128xf32, #tpu.memory_space<vmem>>
      %dma_wait3A_939 = tpu.memref_squeeze %dma_wait3A_938 : memref<1x16x128xf32, #tpu.memory_space<vmem>> -> memref<16x128xf32, #tpu.memory_space<vmem>>
      %dma_wait3A_940 = arith.constant 0 : i32
      %dma_wait3A_941 = tpu.memref_slice %arg5[%dma_wait3A_940, %multiple_of3A_194] : memref<16x1000000xf32, #tpu.memory_space<hbm>> -> memref<16x128xf32, #tpu.memory_space<hbm>>
      tpu.wait_dma2 semaphore(%arg17 : memref<!tpu.dma_semaphore, #tpu.memory_space<semaphore_mem>>) src(%dma_wait3A_941 : memref<16x128xf32, #tpu.memory_space<hbm>>) dst(%dma_wait3A_939 : memref<16x128xf32, #tpu.memory_space<vmem>>)
      %dma_wait3A_942 = arith.constant 11 : i32
      %dma_wait3A_943 = arith.constant 0 : i32
      %dma_wait3A_944 = arith.constant 0 : i32
      %dma_wait3A_945 = tpu.memref_slice %arg12[%dma_wait3A_942, %dma_wait3A_943, %dma_wait3A_944] : memref<16x16x128xf32, #tpu.memory_space<vmem>> -> memref<1x16x128xf32, #tpu.memory_space<vmem>>
      %dma_wait3A_946 = tpu.memref_squeeze %dma_wait3A_945 : memref<1x16x128xf32, #tpu.memory_space<vmem>> -> memref<16x128xf32, #tpu.memory_space<vmem>>
      %dma_wait3A_947 = arith.constant 0 : i32
      %dma_wait3A_948 = tpu.memref_slice %arg5[%dma_wait3A_947, %multiple_of3A_210] : memref<16x1000000xf32, #tpu.memory_space<hbm>> -> memref<16x128xf32, #tpu.memory_space<hbm>>
      %dma_wait3A_949 = arith.constant 0 : i32
      %dma_wait3A_950 = arith.constant 0 : i32
      %dma_wait3A_951 = tpu.memref_slice %arg12[%dma_wait3A_942, %dma_wait3A_949, %dma_wait3A_950] : memref<16x16x128xf32, #tpu.memory_space<vmem>> -> memref<1x16x128xf32, #tpu.memory_space<vmem>>
      %dma_wait3A_952 = tpu.memref_squeeze %dma_wait3A_951 : memref<1x16x128xf32, #tpu.memory_space<vmem>> -> memref<16x128xf32, #tpu.memory_space<vmem>>
      %dma_wait3A_953 = arith.constant 0 : i32
      %dma_wait3A_954 = tpu.memref_slice %arg5[%dma_wait3A_953, %multiple_of3A_210] : memref<16x1000000xf32, #tpu.memory_space<hbm>> -> memref<16x128xf32, #tpu.memory_space<hbm>>
      tpu.wait_dma2 semaphore(%arg17 : memref<!tpu.dma_semaphore, #tpu.memory_space<semaphore_mem>>) src(%dma_wait3A_954 : memref<16x128xf32, #tpu.memory_space<hbm>>) dst(%dma_wait3A_952 : memref<16x128xf32, #tpu.memory_space<vmem>>)
      %dma_wait3A_955 = arith.constant 12 : i32
      %dma_wait3A_956 = arith.constant 0 : i32
      %dma_wait3A_957 = arith.constant 0 : i32
      %dma_wait3A_958 = tpu.memref_slice %arg12[%dma_wait3A_955, %dma_wait3A_956, %dma_wait3A_957] : memref<16x16x128xf32, #tpu.memory_space<vmem>> -> memref<1x16x128xf32, #tpu.memory_space<vmem>>
      %dma_wait3A_959 = tpu.memref_squeeze %dma_wait3A_958 : memref<1x16x128xf32, #tpu.memory_space<vmem>> -> memref<16x128xf32, #tpu.memory_space<vmem>>
      %dma_wait3A_960 = arith.constant 0 : i32
      %dma_wait3A_961 = tpu.memref_slice %arg5[%dma_wait3A_960, %multiple_of3A_226] : memref<16x1000000xf32, #tpu.memory_space<hbm>> -> memref<16x128xf32, #tpu.memory_space<hbm>>
      %dma_wait3A_962 = arith.constant 0 : i32
      %dma_wait3A_963 = arith.constant 0 : i32
      %dma_wait3A_964 = tpu.memref_slice %arg12[%dma_wait3A_955, %dma_wait3A_962, %dma_wait3A_963] : memref<16x16x128xf32, #tpu.memory_space<vmem>> -> memref<1x16x128xf32, #tpu.memory_space<vmem>>
      %dma_wait3A_965 = tpu.memref_squeeze %dma_wait3A_964 : memref<1x16x128xf32, #tpu.memory_space<vmem>> -> memref<16x128xf32, #tpu.memory_space<vmem>>
      %dma_wait3A_966 = arith.constant 0 : i32
      %dma_wait3A_967 = tpu.memref_slice %arg5[%dma_wait3A_966, %multiple_of3A_226] : memref<16x1000000xf32, #tpu.memory_space<hbm>> -> memref<16x128xf32, #tpu.memory_space<hbm>>
      tpu.wait_dma2 semaphore(%arg17 : memref<!tpu.dma_semaphore, #tpu.memory_space<semaphore_mem>>) src(%dma_wait3A_967 : memref<16x128xf32, #tpu.memory_space<hbm>>) dst(%dma_wait3A_965 : memref<16x128xf32, #tpu.memory_space<vmem>>)
      %dma_wait3A_968 = arith.constant 13 : i32
      %dma_wait3A_969 = arith.constant 0 : i32
      %dma_wait3A_970 = arith.constant 0 : i32
      %dma_wait3A_971 = tpu.memref_slice %arg12[%dma_wait3A_968, %dma_wait3A_969, %dma_wait3A_970] : memref<16x16x128xf32, #tpu.memory_space<vmem>> -> memref<1x16x128xf32, #tpu.memory_space<vmem>>
      %dma_wait3A_972 = tpu.memref_squeeze %dma_wait3A_971 : memref<1x16x128xf32, #tpu.memory_space<vmem>> -> memref<16x128xf32, #tpu.memory_space<vmem>>
      %dma_wait3A_973 = arith.constant 0 : i32
      %dma_wait3A_974 = tpu.memref_slice %arg5[%dma_wait3A_973, %multiple_of3A_242] : memref<16x1000000xf32, #tpu.memory_space<hbm>> -> memref<16x128xf32, #tpu.memory_space<hbm>>
      %dma_wait3A_975 = arith.constant 0 : i32
      %dma_wait3A_976 = arith.constant 0 : i32
      %dma_wait3A_977 = tpu.memref_slice %arg12[%dma_wait3A_968, %dma_wait3A_975, %dma_wait3A_976] : memref<16x16x128xf32, #tpu.memory_space<vmem>> -> memref<1x16x128xf32, #tpu.memory_space<vmem>>
      %dma_wait3A_978 = tpu.memref_squeeze %dma_wait3A_977 : memref<1x16x128xf32, #tpu.memory_space<vmem>> -> memref<16x128xf32, #tpu.memory_space<vmem>>
      %dma_wait3A_979 = arith.constant 0 : i32
      %dma_wait3A_980 = tpu.memref_slice %arg5[%dma_wait3A_979, %multiple_of3A_242] : memref<16x1000000xf32, #tpu.memory_space<hbm>> -> memref<16x128xf32, #tpu.memory_space<hbm>>
      tpu.wait_dma2 semaphore(%arg17 : memref<!tpu.dma_semaphore, #tpu.memory_space<semaphore_mem>>) src(%dma_wait3A_980 : memref<16x128xf32, #tpu.memory_space<hbm>>) dst(%dma_wait3A_978 : memref<16x128xf32, #tpu.memory_space<vmem>>)
      %dma_wait3A_981 = arith.constant 14 : i32
      %dma_wait3A_982 = arith.constant 0 : i32
      %dma_wait3A_983 = arith.constant 0 : i32
      %dma_wait3A_984 = tpu.memref_slice %arg12[%dma_wait3A_981, %dma_wait3A_982, %dma_wait3A_983] : memref<16x16x128xf32, #tpu.memory_space<vmem>> -> memref<1x16x128xf32, #tpu.memory_space<vmem>>
      %dma_wait3A_985 = tpu.memref_squeeze %dma_wait3A_984 : memref<1x16x128xf32, #tpu.memory_space<vmem>> -> memref<16x128xf32, #tpu.memory_space<vmem>>
      %dma_wait3A_986 = arith.constant 0 : i32
      %dma_wait3A_987 = tpu.memref_slice %arg5[%dma_wait3A_986, %multiple_of3A_258] : memref<16x1000000xf32, #tpu.memory_space<hbm>> -> memref<16x128xf32, #tpu.memory_space<hbm>>
      %dma_wait3A_988 = arith.constant 0 : i32
      %dma_wait3A_989 = arith.constant 0 : i32
      %dma_wait3A_990 = tpu.memref_slice %arg12[%dma_wait3A_981, %dma_wait3A_988, %dma_wait3A_989] : memref<16x16x128xf32, #tpu.memory_space<vmem>> -> memref<1x16x128xf32, #tpu.memory_space<vmem>>
      %dma_wait3A_991 = tpu.memref_squeeze %dma_wait3A_990 : memref<1x16x128xf32, #tpu.memory_space<vmem>> -> memref<16x128xf32, #tpu.memory_space<vmem>>
      %dma_wait3A_992 = arith.constant 0 : i32
      %dma_wait3A_993 = tpu.memref_slice %arg5[%dma_wait3A_992, %multiple_of3A_258] : memref<16x1000000xf32, #tpu.memory_space<hbm>> -> memref<16x128xf32, #tpu.memory_space<hbm>>
      tpu.wait_dma2 semaphore(%arg17 : memref<!tpu.dma_semaphore, #tpu.memory_space<semaphore_mem>>) src(%dma_wait3A_993 : memref<16x128xf32, #tpu.memory_space<hbm>>) dst(%dma_wait3A_991 : memref<16x128xf32, #tpu.memory_space<vmem>>)
      %dma_wait3A_994 = arith.constant 15 : i32
      %dma_wait3A_995 = arith.constant 0 : i32
      %dma_wait3A_996 = arith.constant 0 : i32
      %dma_wait3A_997 = tpu.memref_slice %arg12[%dma_wait3A_994, %dma_wait3A_995, %dma_wait3A_996] : memref<16x16x128xf32, #tpu.memory_space<vmem>> -> memref<1x16x128xf32, #tpu.memory_space<vmem>>
      %dma_wait3A_998 = tpu.memref_squeeze %dma_wait3A_997 : memref<1x16x128xf32, #tpu.memory_space<vmem>> -> memref<16x128xf32, #tpu.memory_space<vmem>>
      %dma_wait3A_999 = arith.constant 0 : i32
      %dma_wait3A_1000 = tpu.memref_slice %arg5[%dma_wait3A_999, %multiple_of3A_274] : memref<16x1000000xf32, #tpu.memory_space<hbm>> -> memref<16x128xf32, #tpu.memory_space<hbm>>
      %dma_wait3A_1001 = arith.constant 0 : i32
      %dma_wait3A_1002 = arith.constant 0 : i32
      %dma_wait3A_1003 = tpu.memref_slice %arg12[%dma_wait3A_994, %dma_wait3A_1001, %dma_wait3A_1002] : memref<16x16x128xf32, #tpu.memory_space<vmem>> -> memref<1x16x128xf32, #tpu.memory_space<vmem>>
      %dma_wait3A_1004 = tpu.memref_squeeze %dma_wait3A_1003 : memref<1x16x128xf32, #tpu.memory_space<vmem>> -> memref<16x128xf32, #tpu.memory_space<vmem>>
      %dma_wait3A_1005 = arith.constant 0 : i32
      %dma_wait3A_1006 = tpu.memref_slice %arg5[%dma_wait3A_1005, %multiple_of3A_274] : memref<16x1000000xf32, #tpu.memory_space<hbm>> -> memref<16x128xf32, #tpu.memory_space<hbm>>
      tpu.wait_dma2 semaphore(%arg17 : memref<!tpu.dma_semaphore, #tpu.memory_space<semaphore_mem>>) src(%dma_wait3A_1006 : memref<16x128xf32, #tpu.memory_space<hbm>>) dst(%dma_wait3A_1004 : memref<16x128xf32, #tpu.memory_space<vmem>>)
      %dma_wait3A_1007 = arith.constant 0 : i32
      %dma_wait3A_1008 = arith.constant 0 : i32
      %dma_wait3A_1009 = arith.constant 0 : i32
      %dma_wait3A_1010 = tpu.memref_slice %arg13[%dma_wait3A_1007, %dma_wait3A_1008, %dma_wait3A_1009] : memref<16x16x128xf32, #tpu.memory_space<vmem>> -> memref<1x16x128xf32, #tpu.memory_space<vmem>>
      %dma_wait3A_1011 = tpu.memref_squeeze %dma_wait3A_1010 : memref<1x16x128xf32, #tpu.memory_space<vmem>> -> memref<16x128xf32, #tpu.memory_space<vmem>>
      %dma_wait3A_1012 = arith.constant 0 : i32
      %dma_wait3A_1013 = tpu.memref_slice %arg6[%dma_wait3A_1012, %multiple_of3A_290] : memref<16x1000000xf32, #tpu.memory_space<hbm>> -> memref<16x128xf32, #tpu.memory_space<hbm>>
      %dma_wait3A_1014 = arith.constant 0 : i32
      %dma_wait3A_1015 = arith.constant 0 : i32
      %dma_wait3A_1016 = tpu.memref_slice %arg13[%dma_wait3A_1007, %dma_wait3A_1014, %dma_wait3A_1015] : memref<16x16x128xf32, #tpu.memory_space<vmem>> -> memref<1x16x128xf32, #tpu.memory_space<vmem>>
      %dma_wait3A_1017 = tpu.memref_squeeze %dma_wait3A_1016 : memref<1x16x128xf32, #tpu.memory_space<vmem>> -> memref<16x128xf32, #tpu.memory_space<vmem>>
      %dma_wait3A_1018 = arith.constant 0 : i32
      %dma_wait3A_1019 = tpu.memref_slice %arg6[%dma_wait3A_1018, %multiple_of3A_290] : memref<16x1000000xf32, #tpu.memory_space<hbm>> -> memref<16x128xf32, #tpu.memory_space<hbm>>
      tpu.wait_dma2 semaphore(%arg17 : memref<!tpu.dma_semaphore, #tpu.memory_space<semaphore_mem>>) src(%dma_wait3A_1019 : memref<16x128xf32, #tpu.memory_space<hbm>>) dst(%dma_wait3A_1017 : memref<16x128xf32, #tpu.memory_space<vmem>>)
      %dma_wait3A_1020 = arith.constant 1 : i32
      %dma_wait3A_1021 = arith.constant 0 : i32
      %dma_wait3A_1022 = arith.constant 0 : i32
      %dma_wait3A_1023 = tpu.memref_slice %arg13[%dma_wait3A_1020, %dma_wait3A_1021, %dma_wait3A_1022] : memref<16x16x128xf32, #tpu.memory_space<vmem>> -> memref<1x16x128xf32, #tpu.memory_space<vmem>>
      %dma_wait3A_1024 = tpu.memref_squeeze %dma_wait3A_1023 : memref<1x16x128xf32, #tpu.memory_space<vmem>> -> memref<16x128xf32, #tpu.memory_space<vmem>>
      %dma_wait3A_1025 = arith.constant 0 : i32
      %dma_wait3A_1026 = tpu.memref_slice %arg6[%dma_wait3A_1025, %multiple_of3A_306] : memref<16x1000000xf32, #tpu.memory_space<hbm>> -> memref<16x128xf32, #tpu.memory_space<hbm>>
      %dma_wait3A_1027 = arith.constant 0 : i32
      %dma_wait3A_1028 = arith.constant 0 : i32
      %dma_wait3A_1029 = tpu.memref_slice %arg13[%dma_wait3A_1020, %dma_wait3A_1027, %dma_wait3A_1028] : memref<16x16x128xf32, #tpu.memory_space<vmem>> -> memref<1x16x128xf32, #tpu.memory_space<vmem>>
      %dma_wait3A_1030 = tpu.memref_squeeze %dma_wait3A_1029 : memref<1x16x128xf32, #tpu.memory_space<vmem>> -> memref<16x128xf32, #tpu.memory_space<vmem>>
      %dma_wait3A_1031 = arith.constant 0 : i32
      %dma_wait3A_1032 = tpu.memref_slice %arg6[%dma_wait3A_1031, %multiple_of3A_306] : memref<16x1000000xf32, #tpu.memory_space<hbm>> -> memref<16x128xf32, #tpu.memory_space<hbm>>
      tpu.wait_dma2 semaphore(%arg17 : memref<!tpu.dma_semaphore, #tpu.memory_space<semaphore_mem>>) src(%dma_wait3A_1032 : memref<16x128xf32, #tpu.memory_space<hbm>>) dst(%dma_wait3A_1030 : memref<16x128xf32, #tpu.memory_space<vmem>>)
      %dma_wait3A_1033 = arith.constant 2 : i32
      %dma_wait3A_1034 = arith.constant 0 : i32
      %dma_wait3A_1035 = arith.constant 0 : i32
      %dma_wait3A_1036 = tpu.memref_slice %arg13[%dma_wait3A_1033, %dma_wait3A_1034, %dma_wait3A_1035] : memref<16x16x128xf32, #tpu.memory_space<vmem>> -> memref<1x16x128xf32, #tpu.memory_space<vmem>>
      %dma_wait3A_1037 = tpu.memref_squeeze %dma_wait3A_1036 : memref<1x16x128xf32, #tpu.memory_space<vmem>> -> memref<16x128xf32, #tpu.memory_space<vmem>>
      %dma_wait3A_1038 = arith.constant 0 : i32
      %dma_wait3A_1039 = tpu.memref_slice %arg6[%dma_wait3A_1038, %multiple_of3A_322] : memref<16x1000000xf32, #tpu.memory_space<hbm>> -> memref<16x128xf32, #tpu.memory_space<hbm>>
      %dma_wait3A_1040 = arith.constant 0 : i32
      %dma_wait3A_1041 = arith.constant 0 : i32
      %dma_wait3A_1042 = tpu.memref_slice %arg13[%dma_wait3A_1033, %dma_wait3A_1040, %dma_wait3A_1041] : memref<16x16x128xf32, #tpu.memory_space<vmem>> -> memref<1x16x128xf32, #tpu.memory_space<vmem>>
      %dma_wait3A_1043 = tpu.memref_squeeze %dma_wait3A_1042 : memref<1x16x128xf32, #tpu.memory_space<vmem>> -> memref<16x128xf32, #tpu.memory_space<vmem>>
      %dma_wait3A_1044 = arith.constant 0 : i32
      %dma_wait3A_1045 = tpu.memref_slice %arg6[%dma_wait3A_1044, %multiple_of3A_322] : memref<16x1000000xf32, #tpu.memory_space<hbm>> -> memref<16x128xf32, #tpu.memory_space<hbm>>
      tpu.wait_dma2 semaphore(%arg17 : memref<!tpu.dma_semaphore, #tpu.memory_space<semaphore_mem>>) src(%dma_wait3A_1045 : memref<16x128xf32, #tpu.memory_space<hbm>>) dst(%dma_wait3A_1043 : memref<16x128xf32, #tpu.memory_space<vmem>>)
      %dma_wait3A_1046 = arith.constant 3 : i32
      %dma_wait3A_1047 = arith.constant 0 : i32
      %dma_wait3A_1048 = arith.constant 0 : i32
      %dma_wait3A_1049 = tpu.memref_slice %arg13[%dma_wait3A_1046, %dma_wait3A_1047, %dma_wait3A_1048] : memref<16x16x128xf32, #tpu.memory_space<vmem>> -> memref<1x16x128xf32, #tpu.memory_space<vmem>>
      %dma_wait3A_1050 = tpu.memref_squeeze %dma_wait3A_1049 : memref<1x16x128xf32, #tpu.memory_space<vmem>> -> memref<16x128xf32, #tpu.memory_space<vmem>>
      %dma_wait3A_1051 = arith.constant 0 : i32
      %dma_wait3A_1052 = tpu.memref_slice %arg6[%dma_wait3A_1051, %multiple_of3A_338] : memref<16x1000000xf32, #tpu.memory_space<hbm>> -> memref<16x128xf32, #tpu.memory_space<hbm>>
      %dma_wait3A_1053 = arith.constant 0 : i32
      %dma_wait3A_1054 = arith.constant 0 : i32
      %dma_wait3A_1055 = tpu.memref_slice %arg13[%dma_wait3A_1046, %dma_wait3A_1053, %dma_wait3A_1054] : memref<16x16x128xf32, #tpu.memory_space<vmem>> -> memref<1x16x128xf32, #tpu.memory_space<vmem>>
      %dma_wait3A_1056 = tpu.memref_squeeze %dma_wait3A_1055 : memref<1x16x128xf32, #tpu.memory_space<vmem>> -> memref<16x128xf32, #tpu.memory_space<vmem>>
      %dma_wait3A_1057 = arith.constant 0 : i32
      %dma_wait3A_1058 = tpu.memref_slice %arg6[%dma_wait3A_1057, %multiple_of3A_338] : memref<16x1000000xf32, #tpu.memory_space<hbm>> -> memref<16x128xf32, #tpu.memory_space<hbm>>
      tpu.wait_dma2 semaphore(%arg17 : memref<!tpu.dma_semaphore, #tpu.memory_space<semaphore_mem>>) src(%dma_wait3A_1058 : memref<16x128xf32, #tpu.memory_space<hbm>>) dst(%dma_wait3A_1056 : memref<16x128xf32, #tpu.memory_space<vmem>>)
      %dma_wait3A_1059 = arith.constant 4 : i32
      %dma_wait3A_1060 = arith.constant 0 : i32
      %dma_wait3A_1061 = arith.constant 0 : i32
      %dma_wait3A_1062 = tpu.memref_slice %arg13[%dma_wait3A_1059, %dma_wait3A_1060, %dma_wait3A_1061] : memref<16x16x128xf32, #tpu.memory_space<vmem>> -> memref<1x16x128xf32, #tpu.memory_space<vmem>>
      %dma_wait3A_1063 = tpu.memref_squeeze %dma_wait3A_1062 : memref<1x16x128xf32, #tpu.memory_space<vmem>> -> memref<16x128xf32, #tpu.memory_space<vmem>>
      %dma_wait3A_1064 = arith.constant 0 : i32
      %dma_wait3A_1065 = tpu.memref_slice %arg6[%dma_wait3A_1064, %multiple_of3A_354] : memref<16x1000000xf32, #tpu.memory_space<hbm>> -> memref<16x128xf32, #tpu.memory_space<hbm>>
      %dma_wait3A_1066 = arith.constant 0 : i32
      %dma_wait3A_1067 = arith.constant 0 : i32
      %dma_wait3A_1068 = tpu.memref_slice %arg13[%dma_wait3A_1059, %dma_wait3A_1066, %dma_wait3A_1067] : memref<16x16x128xf32, #tpu.memory_space<vmem>> -> memref<1x16x128xf32, #tpu.memory_space<vmem>>
      %dma_wait3A_1069 = tpu.memref_squeeze %dma_wait3A_1068 : memref<1x16x128xf32, #tpu.memory_space<vmem>> -> memref<16x128xf32, #tpu.memory_space<vmem>>
      %dma_wait3A_1070 = arith.constant 0 : i32
      %dma_wait3A_1071 = tpu.memref_slice %arg6[%dma_wait3A_1070, %multiple_of3A_354] : memref<16x1000000xf32, #tpu.memory_space<hbm>> -> memref<16x128xf32, #tpu.memory_space<hbm>>
      tpu.wait_dma2 semaphore(%arg17 : memref<!tpu.dma_semaphore, #tpu.memory_space<semaphore_mem>>) src(%dma_wait3A_1071 : memref<16x128xf32, #tpu.memory_space<hbm>>) dst(%dma_wait3A_1069 : memref<16x128xf32, #tpu.memory_space<vmem>>)
      %dma_wait3A_1072 = arith.constant 5 : i32
      %dma_wait3A_1073 = arith.constant 0 : i32
      %dma_wait3A_1074 = arith.constant 0 : i32
      %dma_wait3A_1075 = tpu.memref_slice %arg13[%dma_wait3A_1072, %dma_wait3A_1073, %dma_wait3A_1074] : memref<16x16x128xf32, #tpu.memory_space<vmem>> -> memref<1x16x128xf32, #tpu.memory_space<vmem>>
      %dma_wait3A_1076 = tpu.memref_squeeze %dma_wait3A_1075 : memref<1x16x128xf32, #tpu.memory_space<vmem>> -> memref<16x128xf32, #tpu.memory_space<vmem>>
      %dma_wait3A_1077 = arith.constant 0 : i32
      %dma_wait3A_1078 = tpu.memref_slice %arg6[%dma_wait3A_1077, %multiple_of3A_370] : memref<16x1000000xf32, #tpu.memory_space<hbm>> -> memref<16x128xf32, #tpu.memory_space<hbm>>
      %dma_wait3A_1079 = arith.constant 0 : i32
      %dma_wait3A_1080 = arith.constant 0 : i32
      %dma_wait3A_1081 = tpu.memref_slice %arg13[%dma_wait3A_1072, %dma_wait3A_1079, %dma_wait3A_1080] : memref<16x16x128xf32, #tpu.memory_space<vmem>> -> memref<1x16x128xf32, #tpu.memory_space<vmem>>
      %dma_wait3A_1082 = tpu.memref_squeeze %dma_wait3A_1081 : memref<1x16x128xf32, #tpu.memory_space<vmem>> -> memref<16x128xf32, #tpu.memory_space<vmem>>
      %dma_wait3A_1083 = arith.constant 0 : i32
      %dma_wait3A_1084 = tpu.memref_slice %arg6[%dma_wait3A_1083, %multiple_of3A_370] : memref<16x1000000xf32, #tpu.memory_space<hbm>> -> memref<16x128xf32, #tpu.memory_space<hbm>>
      tpu.wait_dma2 semaphore(%arg17 : memref<!tpu.dma_semaphore, #tpu.memory_space<semaphore_mem>>) src(%dma_wait3A_1084 : memref<16x128xf32, #tpu.memory_space<hbm>>) dst(%dma_wait3A_1082 : memref<16x128xf32, #tpu.memory_space<vmem>>)
      %dma_wait3A_1085 = arith.constant 6 : i32
      %dma_wait3A_1086 = arith.constant 0 : i32
      %dma_wait3A_1087 = arith.constant 0 : i32
      %dma_wait3A_1088 = tpu.memref_slice %arg13[%dma_wait3A_1085, %dma_wait3A_1086, %dma_wait3A_1087] : memref<16x16x128xf32, #tpu.memory_space<vmem>> -> memref<1x16x128xf32, #tpu.memory_space<vmem>>
      %dma_wait3A_1089 = tpu.memref_squeeze %dma_wait3A_1088 : memref<1x16x128xf32, #tpu.memory_space<vmem>> -> memref<16x128xf32, #tpu.memory_space<vmem>>
      %dma_wait3A_1090 = arith.constant 0 : i32
      %dma_wait3A_1091 = tpu.memref_slice %arg6[%dma_wait3A_1090, %multiple_of3A_386] : memref<16x1000000xf32, #tpu.memory_space<hbm>> -> memref<16x128xf32, #tpu.memory_space<hbm>>
      %dma_wait3A_1092 = arith.constant 0 : i32
      %dma_wait3A_1093 = arith.constant 0 : i32
      %dma_wait3A_1094 = tpu.memref_slice %arg13[%dma_wait3A_1085, %dma_wait3A_1092, %dma_wait3A_1093] : memref<16x16x128xf32, #tpu.memory_space<vmem>> -> memref<1x16x128xf32, #tpu.memory_space<vmem>>
      %dma_wait3A_1095 = tpu.memref_squeeze %dma_wait3A_1094 : memref<1x16x128xf32, #tpu.memory_space<vmem>> -> memref<16x128xf32, #tpu.memory_space<vmem>>
      %dma_wait3A_1096 = arith.constant 0 : i32
      %dma_wait3A_1097 = tpu.memref_slice %arg6[%dma_wait3A_1096, %multiple_of3A_386] : memref<16x1000000xf32, #tpu.memory_space<hbm>> -> memref<16x128xf32, #tpu.memory_space<hbm>>
      tpu.wait_dma2 semaphore(%arg17 : memref<!tpu.dma_semaphore, #tpu.memory_space<semaphore_mem>>) src(%dma_wait3A_1097 : memref<16x128xf32, #tpu.memory_space<hbm>>) dst(%dma_wait3A_1095 : memref<16x128xf32, #tpu.memory_space<vmem>>)
      %dma_wait3A_1098 = arith.constant 7 : i32
      %dma_wait3A_1099 = arith.constant 0 : i32
      %dma_wait3A_1100 = arith.constant 0 : i32
      %dma_wait3A_1101 = tpu.memref_slice %arg13[%dma_wait3A_1098, %dma_wait3A_1099, %dma_wait3A_1100] : memref<16x16x128xf32, #tpu.memory_space<vmem>> -> memref<1x16x128xf32, #tpu.memory_space<vmem>>
      %dma_wait3A_1102 = tpu.memref_squeeze %dma_wait3A_1101 : memref<1x16x128xf32, #tpu.memory_space<vmem>> -> memref<16x128xf32, #tpu.memory_space<vmem>>
      %dma_wait3A_1103 = arith.constant 0 : i32
      %dma_wait3A_1104 = tpu.memref_slice %arg6[%dma_wait3A_1103, %multiple_of3A_402] : memref<16x1000000xf32, #tpu.memory_space<hbm>> -> memref<16x128xf32, #tpu.memory_space<hbm>>
      %dma_wait3A_1105 = arith.constant 0 : i32
      %dma_wait3A_1106 = arith.constant 0 : i32
      %dma_wait3A_1107 = tpu.memref_slice %arg13[%dma_wait3A_1098, %dma_wait3A_1105, %dma_wait3A_1106] : memref<16x16x128xf32, #tpu.memory_space<vmem>> -> memref<1x16x128xf32, #tpu.memory_space<vmem>>
      %dma_wait3A_1108 = tpu.memref_squeeze %dma_wait3A_1107 : memref<1x16x128xf32, #tpu.memory_space<vmem>> -> memref<16x128xf32, #tpu.memory_space<vmem>>
      %dma_wait3A_1109 = arith.constant 0 : i32
      %dma_wait3A_1110 = tpu.memref_slice %arg6[%dma_wait3A_1109, %multiple_of3A_402] : memref<16x1000000xf32, #tpu.memory_space<hbm>> -> memref<16x128xf32, #tpu.memory_space<hbm>>
      tpu.wait_dma2 semaphore(%arg17 : memref<!tpu.dma_semaphore, #tpu.memory_space<semaphore_mem>>) src(%dma_wait3A_1110 : memref<16x128xf32, #tpu.memory_space<hbm>>) dst(%dma_wait3A_1108 : memref<16x128xf32, #tpu.memory_space<vmem>>)
      %dma_wait3A_1111 = arith.constant 8 : i32
      %dma_wait3A_1112 = arith.constant 0 : i32
      %dma_wait3A_1113 = arith.constant 0 : i32
      %dma_wait3A_1114 = tpu.memref_slice %arg13[%dma_wait3A_1111, %dma_wait3A_1112, %dma_wait3A_1113] : memref<16x16x128xf32, #tpu.memory_space<vmem>> -> memref<1x16x128xf32, #tpu.memory_space<vmem>>
      %dma_wait3A_1115 = tpu.memref_squeeze %dma_wait3A_1114 : memref<1x16x128xf32, #tpu.memory_space<vmem>> -> memref<16x128xf32, #tpu.memory_space<vmem>>
      %dma_wait3A_1116 = arith.constant 0 : i32
      %dma_wait3A_1117 = tpu.memref_slice %arg6[%dma_wait3A_1116, %multiple_of3A_418] : memref<16x1000000xf32, #tpu.memory_space<hbm>> -> memref<16x128xf32, #tpu.memory_space<hbm>>
      %dma_wait3A_1118 = arith.constant 0 : i32
      %dma_wait3A_1119 = arith.constant 0 : i32
      %dma_wait3A_1120 = tpu.memref_slice %arg13[%dma_wait3A_1111, %dma_wait3A_1118, %dma_wait3A_1119] : memref<16x16x128xf32, #tpu.memory_space<vmem>> -> memref<1x16x128xf32, #tpu.memory_space<vmem>>
      %dma_wait3A_1121 = tpu.memref_squeeze %dma_wait3A_1120 : memref<1x16x128xf32, #tpu.memory_space<vmem>> -> memref<16x128xf32, #tpu.memory_space<vmem>>
      %dma_wait3A_1122 = arith.constant 0 : i32
      %dma_wait3A_1123 = tpu.memref_slice %arg6[%dma_wait3A_1122, %multiple_of3A_418] : memref<16x1000000xf32, #tpu.memory_space<hbm>> -> memref<16x128xf32, #tpu.memory_space<hbm>>
      tpu.wait_dma2 semaphore(%arg17 : memref<!tpu.dma_semaphore, #tpu.memory_space<semaphore_mem>>) src(%dma_wait3A_1123 : memref<16x128xf32, #tpu.memory_space<hbm>>) dst(%dma_wait3A_1121 : memref<16x128xf32, #tpu.memory_space<vmem>>)
      %dma_wait3A_1124 = arith.constant 9 : i32
      %dma_wait3A_1125 = arith.constant 0 : i32
      %dma_wait3A_1126 = arith.constant 0 : i32
      %dma_wait3A_1127 = tpu.memref_slice %arg13[%dma_wait3A_1124, %dma_wait3A_1125, %dma_wait3A_1126] : memref<16x16x128xf32, #tpu.memory_space<vmem>> -> memref<1x16x128xf32, #tpu.memory_space<vmem>>
      %dma_wait3A_1128 = tpu.memref_squeeze %dma_wait3A_1127 : memref<1x16x128xf32, #tpu.memory_space<vmem>> -> memref<16x128xf32, #tpu.memory_space<vmem>>
      %dma_wait3A_1129 = arith.constant 0 : i32
      %dma_wait3A_1130 = tpu.memref_slice %arg6[%dma_wait3A_1129, %multiple_of3A_434] : memref<16x1000000xf32, #tpu.memory_space<hbm>> -> memref<16x128xf32, #tpu.memory_space<hbm>>
      %dma_wait3A_1131 = arith.constant 0 : i32
      %dma_wait3A_1132 = arith.constant 0 : i32
      %dma_wait3A_1133 = tpu.memref_slice %arg13[%dma_wait3A_1124, %dma_wait3A_1131, %dma_wait3A_1132] : memref<16x16x128xf32, #tpu.memory_space<vmem>> -> memref<1x16x128xf32, #tpu.memory_space<vmem>>
      %dma_wait3A_1134 = tpu.memref_squeeze %dma_wait3A_1133 : memref<1x16x128xf32, #tpu.memory_space<vmem>> -> memref<16x128xf32, #tpu.memory_space<vmem>>
      %dma_wait3A_1135 = arith.constant 0 : i32
      %dma_wait3A_1136 = tpu.memref_slice %arg6[%dma_wait3A_1135, %multiple_of3A_434] : memref<16x1000000xf32, #tpu.memory_space<hbm>> -> memref<16x128xf32, #tpu.memory_space<hbm>>
      tpu.wait_dma2 semaphore(%arg17 : memref<!tpu.dma_semaphore, #tpu.memory_space<semaphore_mem>>) src(%dma_wait3A_1136 : memref<16x128xf32, #tpu.memory_space<hbm>>) dst(%dma_wait3A_1134 : memref<16x128xf32, #tpu.memory_space<vmem>>)
      %dma_wait3A_1137 = arith.constant 10 : i32
      %dma_wait3A_1138 = arith.constant 0 : i32
      %dma_wait3A_1139 = arith.constant 0 : i32
      %dma_wait3A_1140 = tpu.memref_slice %arg13[%dma_wait3A_1137, %dma_wait3A_1138, %dma_wait3A_1139] : memref<16x16x128xf32, #tpu.memory_space<vmem>> -> memref<1x16x128xf32, #tpu.memory_space<vmem>>
      %dma_wait3A_1141 = tpu.memref_squeeze %dma_wait3A_1140 : memref<1x16x128xf32, #tpu.memory_space<vmem>> -> memref<16x128xf32, #tpu.memory_space<vmem>>
      %dma_wait3A_1142 = arith.constant 0 : i32
      %dma_wait3A_1143 = tpu.memref_slice %arg6[%dma_wait3A_1142, %multiple_of3A_450] : memref<16x1000000xf32, #tpu.memory_space<hbm>> -> memref<16x128xf32, #tpu.memory_space<hbm>>
      %dma_wait3A_1144 = arith.constant 0 : i32
      %dma_wait3A_1145 = arith.constant 0 : i32
      %dma_wait3A_1146 = tpu.memref_slice %arg13[%dma_wait3A_1137, %dma_wait3A_1144, %dma_wait3A_1145] : memref<16x16x128xf32, #tpu.memory_space<vmem>> -> memref<1x16x128xf32, #tpu.memory_space<vmem>>
      %dma_wait3A_1147 = tpu.memref_squeeze %dma_wait3A_1146 : memref<1x16x128xf32, #tpu.memory_space<vmem>> -> memref<16x128xf32, #tpu.memory_space<vmem>>
      %dma_wait3A_1148 = arith.constant 0 : i32
      %dma_wait3A_1149 = tpu.memref_slice %arg6[%dma_wait3A_1148, %multiple_of3A_450] : memref<16x1000000xf32, #tpu.memory_space<hbm>> -> memref<16x128xf32, #tpu.memory_space<hbm>>
      tpu.wait_dma2 semaphore(%arg17 : memref<!tpu.dma_semaphore, #tpu.memory_space<semaphore_mem>>) src(%dma_wait3A_1149 : memref<16x128xf32, #tpu.memory_space<hbm>>) dst(%dma_wait3A_1147 : memref<16x128xf32, #tpu.memory_space<vmem>>)
      %dma_wait3A_1150 = arith.constant 11 : i32
      %dma_wait3A_1151 = arith.constant 0 : i32
      %dma_wait3A_1152 = arith.constant 0 : i32
      %dma_wait3A_1153 = tpu.memref_slice %arg13[%dma_wait3A_1150, %dma_wait3A_1151, %dma_wait3A_1152] : memref<16x16x128xf32, #tpu.memory_space<vmem>> -> memref<1x16x128xf32, #tpu.memory_space<vmem>>
      %dma_wait3A_1154 = tpu.memref_squeeze %dma_wait3A_1153 : memref<1x16x128xf32, #tpu.memory_space<vmem>> -> memref<16x128xf32, #tpu.memory_space<vmem>>
      %dma_wait3A_1155 = arith.constant 0 : i32
      %dma_wait3A_1156 = tpu.memref_slice %arg6[%dma_wait3A_1155, %multiple_of3A_466] : memref<16x1000000xf32, #tpu.memory_space<hbm>> -> memref<16x128xf32, #tpu.memory_space<hbm>>
      %dma_wait3A_1157 = arith.constant 0 : i32
      %dma_wait3A_1158 = arith.constant 0 : i32
      %dma_wait3A_1159 = tpu.memref_slice %arg13[%dma_wait3A_1150, %dma_wait3A_1157, %dma_wait3A_1158] : memref<16x16x128xf32, #tpu.memory_space<vmem>> -> memref<1x16x128xf32, #tpu.memory_space<vmem>>
      %dma_wait3A_1160 = tpu.memref_squeeze %dma_wait3A_1159 : memref<1x16x128xf32, #tpu.memory_space<vmem>> -> memref<16x128xf32, #tpu.memory_space<vmem>>
      %dma_wait3A_1161 = arith.constant 0 : i32
      %dma_wait3A_1162 = tpu.memref_slice %arg6[%dma_wait3A_1161, %multiple_of3A_466] : memref<16x1000000xf32, #tpu.memory_space<hbm>> -> memref<16x128xf32, #tpu.memory_space<hbm>>
      tpu.wait_dma2 semaphore(%arg17 : memref<!tpu.dma_semaphore, #tpu.memory_space<semaphore_mem>>) src(%dma_wait3A_1162 : memref<16x128xf32, #tpu.memory_space<hbm>>) dst(%dma_wait3A_1160 : memref<16x128xf32, #tpu.memory_space<vmem>>)
      %dma_wait3A_1163 = arith.constant 12 : i32
      %dma_wait3A_1164 = arith.constant 0 : i32
      %dma_wait3A_1165 = arith.constant 0 : i32
      %dma_wait3A_1166 = tpu.memref_slice %arg13[%dma_wait3A_1163, %dma_wait3A_1164, %dma_wait3A_1165] : memref<16x16x128xf32, #tpu.memory_space<vmem>> -> memref<1x16x128xf32, #tpu.memory_space<vmem>>
      %dma_wait3A_1167 = tpu.memref_squeeze %dma_wait3A_1166 : memref<1x16x128xf32, #tpu.memory_space<vmem>> -> memref<16x128xf32, #tpu.memory_space<vmem>>
      %dma_wait3A_1168 = arith.constant 0 : i32
      %dma_wait3A_1169 = tpu.memref_slice %arg6[%dma_wait3A_1168, %multiple_of3A_482] : memref<16x1000000xf32, #tpu.memory_space<hbm>> -> memref<16x128xf32, #tpu.memory_space<hbm>>
      %dma_wait3A_1170 = arith.constant 0 : i32
      %dma_wait3A_1171 = arith.constant 0 : i32
      %dma_wait3A_1172 = tpu.memref_slice %arg13[%dma_wait3A_1163, %dma_wait3A_1170, %dma_wait3A_1171] : memref<16x16x128xf32, #tpu.memory_space<vmem>> -> memref<1x16x128xf32, #tpu.memory_space<vmem>>
      %dma_wait3A_1173 = tpu.memref_squeeze %dma_wait3A_1172 : memref<1x16x128xf32, #tpu.memory_space<vmem>> -> memref<16x128xf32, #tpu.memory_space<vmem>>
      %dma_wait3A_1174 = arith.constant 0 : i32
      %dma_wait3A_1175 = tpu.memref_slice %arg6[%dma_wait3A_1174, %multiple_of3A_482] : memref<16x1000000xf32, #tpu.memory_space<hbm>> -> memref<16x128xf32, #tpu.memory_space<hbm>>
      tpu.wait_dma2 semaphore(%arg17 : memref<!tpu.dma_semaphore, #tpu.memory_space<semaphore_mem>>) src(%dma_wait3A_1175 : memref<16x128xf32, #tpu.memory_space<hbm>>) dst(%dma_wait3A_1173 : memref<16x128xf32, #tpu.memory_space<vmem>>)
      %dma_wait3A_1176 = arith.constant 13 : i32
      %dma_wait3A_1177 = arith.constant 0 : i32
      %dma_wait3A_1178 = arith.constant 0 : i32
      %dma_wait3A_1179 = tpu.memref_slice %arg13[%dma_wait3A_1176, %dma_wait3A_1177, %dma_wait3A_1178] : memref<16x16x128xf32, #tpu.memory_space<vmem>> -> memref<1x16x128xf32, #tpu.memory_space<vmem>>
      %dma_wait3A_1180 = tpu.memref_squeeze %dma_wait3A_1179 : memref<1x16x128xf32, #tpu.memory_space<vmem>> -> memref<16x128xf32, #tpu.memory_space<vmem>>
      %dma_wait3A_1181 = arith.constant 0 : i32
      %dma_wait3A_1182 = tpu.memref_slice %arg6[%dma_wait3A_1181, %multiple_of3A_498] : memref<16x1000000xf32, #tpu.memory_space<hbm>> -> memref<16x128xf32, #tpu.memory_space<hbm>>
      %dma_wait3A_1183 = arith.constant 0 : i32
      %dma_wait3A_1184 = arith.constant 0 : i32
      %dma_wait3A_1185 = tpu.memref_slice %arg13[%dma_wait3A_1176, %dma_wait3A_1183, %dma_wait3A_1184] : memref<16x16x128xf32, #tpu.memory_space<vmem>> -> memref<1x16x128xf32, #tpu.memory_space<vmem>>
      %dma_wait3A_1186 = tpu.memref_squeeze %dma_wait3A_1185 : memref<1x16x128xf32, #tpu.memory_space<vmem>> -> memref<16x128xf32, #tpu.memory_space<vmem>>
      %dma_wait3A_1187 = arith.constant 0 : i32
      %dma_wait3A_1188 = tpu.memref_slice %arg6[%dma_wait3A_1187, %multiple_of3A_498] : memref<16x1000000xf32, #tpu.memory_space<hbm>> -> memref<16x128xf32, #tpu.memory_space<hbm>>
      tpu.wait_dma2 semaphore(%arg17 : memref<!tpu.dma_semaphore, #tpu.memory_space<semaphore_mem>>) src(%dma_wait3A_1188 : memref<16x128xf32, #tpu.memory_space<hbm>>) dst(%dma_wait3A_1186 : memref<16x128xf32, #tpu.memory_space<vmem>>)
      %dma_wait3A_1189 = arith.constant 14 : i32
      %dma_wait3A_1190 = arith.constant 0 : i32
      %dma_wait3A_1191 = arith.constant 0 : i32
      %dma_wait3A_1192 = tpu.memref_slice %arg13[%dma_wait3A_1189, %dma_wait3A_1190, %dma_wait3A_1191] : memref<16x16x128xf32, #tpu.memory_space<vmem>> -> memref<1x16x128xf32, #tpu.memory_space<vmem>>
      %dma_wait3A_1193 = tpu.memref_squeeze %dma_wait3A_1192 : memref<1x16x128xf32, #tpu.memory_space<vmem>> -> memref<16x128xf32, #tpu.memory_space<vmem>>
      %dma_wait3A_1194 = arith.constant 0 : i32
      %dma_wait3A_1195 = tpu.memref_slice %arg6[%dma_wait3A_1194, %multiple_of3A_514] : memref<16x1000000xf32, #tpu.memory_space<hbm>> -> memref<16x128xf32, #tpu.memory_space<hbm>>
      %dma_wait3A_1196 = arith.constant 0 : i32
      %dma_wait3A_1197 = arith.constant 0 : i32
      %dma_wait3A_1198 = tpu.memref_slice %arg13[%dma_wait3A_1189, %dma_wait3A_1196, %dma_wait3A_1197] : memref<16x16x128xf32, #tpu.memory_space<vmem>> -> memref<1x16x128xf32, #tpu.memory_space<vmem>>
      %dma_wait3A_1199 = tpu.memref_squeeze %dma_wait3A_1198 : memref<1x16x128xf32, #tpu.memory_space<vmem>> -> memref<16x128xf32, #tpu.memory_space<vmem>>
      %dma_wait3A_1200 = arith.constant 0 : i32
      %dma_wait3A_1201 = tpu.memref_slice %arg6[%dma_wait3A_1200, %multiple_of3A_514] : memref<16x1000000xf32, #tpu.memory_space<hbm>> -> memref<16x128xf32, #tpu.memory_space<hbm>>
      tpu.wait_dma2 semaphore(%arg17 : memref<!tpu.dma_semaphore, #tpu.memory_space<semaphore_mem>>) src(%dma_wait3A_1201 : memref<16x128xf32, #tpu.memory_space<hbm>>) dst(%dma_wait3A_1199 : memref<16x128xf32, #tpu.memory_space<vmem>>)
      %dma_wait3A_1202 = arith.constant 15 : i32
      %dma_wait3A_1203 = arith.constant 0 : i32
      %dma_wait3A_1204 = arith.constant 0 : i32
      %dma_wait3A_1205 = tpu.memref_slice %arg13[%dma_wait3A_1202, %dma_wait3A_1203, %dma_wait3A_1204] : memref<16x16x128xf32, #tpu.memory_space<vmem>> -> memref<1x16x128xf32, #tpu.memory_space<vmem>>
      %dma_wait3A_1206 = tpu.memref_squeeze %dma_wait3A_1205 : memref<1x16x128xf32, #tpu.memory_space<vmem>> -> memref<16x128xf32, #tpu.memory_space<vmem>>
      %dma_wait3A_1207 = arith.constant 0 : i32
      %dma_wait3A_1208 = tpu.memref_slice %arg6[%dma_wait3A_1207, %multiple_of3A_530] : memref<16x1000000xf32, #tpu.memory_space<hbm>> -> memref<16x128xf32, #tpu.memory_space<hbm>>
      %dma_wait3A_1209 = arith.constant 0 : i32
      %dma_wait3A_1210 = arith.constant 0 : i32
      %dma_wait3A_1211 = tpu.memref_slice %arg13[%dma_wait3A_1202, %dma_wait3A_1209, %dma_wait3A_1210] : memref<16x16x128xf32, #tpu.memory_space<vmem>> -> memref<1x16x128xf32, #tpu.memory_space<vmem>>
      %dma_wait3A_1212 = tpu.memref_squeeze %dma_wait3A_1211 : memref<1x16x128xf32, #tpu.memory_space<vmem>> -> memref<16x128xf32, #tpu.memory_space<vmem>>
      %dma_wait3A_1213 = arith.constant 0 : i32
      %dma_wait3A_1214 = tpu.memref_slice %arg6[%dma_wait3A_1213, %multiple_of3A_530] : memref<16x1000000xf32, #tpu.memory_space<hbm>> -> memref<16x128xf32, #tpu.memory_space<hbm>>
      tpu.wait_dma2 semaphore(%arg17 : memref<!tpu.dma_semaphore, #tpu.memory_space<semaphore_mem>>) src(%dma_wait3A_1214 : memref<16x128xf32, #tpu.memory_space<hbm>>) dst(%dma_wait3A_1212 : memref<16x128xf32, #tpu.memory_space<vmem>>)
      %dma_wait3A_1215 = arith.constant 0 : i32
      %dma_wait3A_1216 = arith.constant 0 : i32
      %dma_wait3A_1217 = arith.constant 0 : i32
      %dma_wait3A_1218 = tpu.memref_slice %arg14[%dma_wait3A_1215, %dma_wait3A_1216, %dma_wait3A_1217] : memref<16x16x128xf32, #tpu.memory_space<vmem>> -> memref<1x16x128xf32, #tpu.memory_space<vmem>>
      %dma_wait3A_1219 = tpu.memref_squeeze %dma_wait3A_1218 : memref<1x16x128xf32, #tpu.memory_space<vmem>> -> memref<16x128xf32, #tpu.memory_space<vmem>>
      %dma_wait3A_1220 = arith.constant 0 : i32
      %dma_wait3A_1221 = tpu.memref_slice %arg6[%dma_wait3A_1220, %multiple_of3A_546] : memref<16x1000000xf32, #tpu.memory_space<hbm>> -> memref<16x128xf32, #tpu.memory_space<hbm>>
      %dma_wait3A_1222 = arith.constant 0 : i32
      %dma_wait3A_1223 = arith.constant 0 : i32
      %dma_wait3A_1224 = tpu.memref_slice %arg14[%dma_wait3A_1215, %dma_wait3A_1222, %dma_wait3A_1223] : memref<16x16x128xf32, #tpu.memory_space<vmem>> -> memref<1x16x128xf32, #tpu.memory_space<vmem>>
      %dma_wait3A_1225 = tpu.memref_squeeze %dma_wait3A_1224 : memref<1x16x128xf32, #tpu.memory_space<vmem>> -> memref<16x128xf32, #tpu.memory_space<vmem>>
      %dma_wait3A_1226 = arith.constant 0 : i32
      %dma_wait3A_1227 = tpu.memref_slice %arg6[%dma_wait3A_1226, %multiple_of3A_546] : memref<16x1000000xf32, #tpu.memory_space<hbm>> -> memref<16x128xf32, #tpu.memory_space<hbm>>
      tpu.wait_dma2 semaphore(%arg17 : memref<!tpu.dma_semaphore, #tpu.memory_space<semaphore_mem>>) src(%dma_wait3A_1227 : memref<16x128xf32, #tpu.memory_space<hbm>>) dst(%dma_wait3A_1225 : memref<16x128xf32, #tpu.memory_space<vmem>>)
      %dma_wait3A_1228 = arith.constant 1 : i32
      %dma_wait3A_1229 = arith.constant 0 : i32
      %dma_wait3A_1230 = arith.constant 0 : i32
      %dma_wait3A_1231 = tpu.memref_slice %arg14[%dma_wait3A_1228, %dma_wait3A_1229, %dma_wait3A_1230] : memref<16x16x128xf32, #tpu.memory_space<vmem>> -> memref<1x16x128xf32, #tpu.memory_space<vmem>>
      %dma_wait3A_1232 = tpu.memref_squeeze %dma_wait3A_1231 : memref<1x16x128xf32, #tpu.memory_space<vmem>> -> memref<16x128xf32, #tpu.memory_space<vmem>>
      %dma_wait3A_1233 = arith.constant 0 : i32
      %dma_wait3A_1234 = tpu.memref_slice %arg6[%dma_wait3A_1233, %multiple_of3A_562] : memref<16x1000000xf32, #tpu.memory_space<hbm>> -> memref<16x128xf32, #tpu.memory_space<hbm>>
      %dma_wait3A_1235 = arith.constant 0 : i32
      %dma_wait3A_1236 = arith.constant 0 : i32
      %dma_wait3A_1237 = tpu.memref_slice %arg14[%dma_wait3A_1228, %dma_wait3A_1235, %dma_wait3A_1236] : memref<16x16x128xf32, #tpu.memory_space<vmem>> -> memref<1x16x128xf32, #tpu.memory_space<vmem>>
      %dma_wait3A_1238 = tpu.memref_squeeze %dma_wait3A_1237 : memref<1x16x128xf32, #tpu.memory_space<vmem>> -> memref<16x128xf32, #tpu.memory_space<vmem>>
      %dma_wait3A_1239 = arith.constant 0 : i32
      %dma_wait3A_1240 = tpu.memref_slice %arg6[%dma_wait3A_1239, %multiple_of3A_562] : memref<16x1000000xf32, #tpu.memory_space<hbm>> -> memref<16x128xf32, #tpu.memory_space<hbm>>
      tpu.wait_dma2 semaphore(%arg17 : memref<!tpu.dma_semaphore, #tpu.memory_space<semaphore_mem>>) src(%dma_wait3A_1240 : memref<16x128xf32, #tpu.memory_space<hbm>>) dst(%dma_wait3A_1238 : memref<16x128xf32, #tpu.memory_space<vmem>>)
      %dma_wait3A_1241 = arith.constant 2 : i32
      %dma_wait3A_1242 = arith.constant 0 : i32
      %dma_wait3A_1243 = arith.constant 0 : i32
      %dma_wait3A_1244 = tpu.memref_slice %arg14[%dma_wait3A_1241, %dma_wait3A_1242, %dma_wait3A_1243] : memref<16x16x128xf32, #tpu.memory_space<vmem>> -> memref<1x16x128xf32, #tpu.memory_space<vmem>>
      %dma_wait3A_1245 = tpu.memref_squeeze %dma_wait3A_1244 : memref<1x16x128xf32, #tpu.memory_space<vmem>> -> memref<16x128xf32, #tpu.memory_space<vmem>>
      %dma_wait3A_1246 = arith.constant 0 : i32
      %dma_wait3A_1247 = tpu.memref_slice %arg6[%dma_wait3A_1246, %multiple_of3A_578] : memref<16x1000000xf32, #tpu.memory_space<hbm>> -> memref<16x128xf32, #tpu.memory_space<hbm>>
      %dma_wait3A_1248 = arith.constant 0 : i32
      %dma_wait3A_1249 = arith.constant 0 : i32
      %dma_wait3A_1250 = tpu.memref_slice %arg14[%dma_wait3A_1241, %dma_wait3A_1248, %dma_wait3A_1249] : memref<16x16x128xf32, #tpu.memory_space<vmem>> -> memref<1x16x128xf32, #tpu.memory_space<vmem>>
      %dma_wait3A_1251 = tpu.memref_squeeze %dma_wait3A_1250 : memref<1x16x128xf32, #tpu.memory_space<vmem>> -> memref<16x128xf32, #tpu.memory_space<vmem>>
      %dma_wait3A_1252 = arith.constant 0 : i32
      %dma_wait3A_1253 = tpu.memref_slice %arg6[%dma_wait3A_1252, %multiple_of3A_578] : memref<16x1000000xf32, #tpu.memory_space<hbm>> -> memref<16x128xf32, #tpu.memory_space<hbm>>
      tpu.wait_dma2 semaphore(%arg17 : memref<!tpu.dma_semaphore, #tpu.memory_space<semaphore_mem>>) src(%dma_wait3A_1253 : memref<16x128xf32, #tpu.memory_space<hbm>>) dst(%dma_wait3A_1251 : memref<16x128xf32, #tpu.memory_space<vmem>>)
      %dma_wait3A_1254 = arith.constant 3 : i32
      %dma_wait3A_1255 = arith.constant 0 : i32
      %dma_wait3A_1256 = arith.constant 0 : i32
      %dma_wait3A_1257 = tpu.memref_slice %arg14[%dma_wait3A_1254, %dma_wait3A_1255, %dma_wait3A_1256] : memref<16x16x128xf32, #tpu.memory_space<vmem>> -> memref<1x16x128xf32, #tpu.memory_space<vmem>>
      %dma_wait3A_1258 = tpu.memref_squeeze %dma_wait3A_1257 : memref<1x16x128xf32, #tpu.memory_space<vmem>> -> memref<16x128xf32, #tpu.memory_space<vmem>>
      %dma_wait3A_1259 = arith.constant 0 : i32
      %dma_wait3A_1260 = tpu.memref_slice %arg6[%dma_wait3A_1259, %multiple_of3A_594] : memref<16x1000000xf32, #tpu.memory_space<hbm>> -> memref<16x128xf32, #tpu.memory_space<hbm>>
      %dma_wait3A_1261 = arith.constant 0 : i32
      %dma_wait3A_1262 = arith.constant 0 : i32
      %dma_wait3A_1263 = tpu.memref_slice %arg14[%dma_wait3A_1254, %dma_wait3A_1261, %dma_wait3A_1262] : memref<16x16x128xf32, #tpu.memory_space<vmem>> -> memref<1x16x128xf32, #tpu.memory_space<vmem>>
      %dma_wait3A_1264 = tpu.memref_squeeze %dma_wait3A_1263 : memref<1x16x128xf32, #tpu.memory_space<vmem>> -> memref<16x128xf32, #tpu.memory_space<vmem>>
      %dma_wait3A_1265 = arith.constant 0 : i32
      %dma_wait3A_1266 = tpu.memref_slice %arg6[%dma_wait3A_1265, %multiple_of3A_594] : memref<16x1000000xf32, #tpu.memory_space<hbm>> -> memref<16x128xf32, #tpu.memory_space<hbm>>
      tpu.wait_dma2 semaphore(%arg17 : memref<!tpu.dma_semaphore, #tpu.memory_space<semaphore_mem>>) src(%dma_wait3A_1266 : memref<16x128xf32, #tpu.memory_space<hbm>>) dst(%dma_wait3A_1264 : memref<16x128xf32, #tpu.memory_space<vmem>>)
      %dma_wait3A_1267 = arith.constant 4 : i32
      %dma_wait3A_1268 = arith.constant 0 : i32
      %dma_wait3A_1269 = arith.constant 0 : i32
      %dma_wait3A_1270 = tpu.memref_slice %arg14[%dma_wait3A_1267, %dma_wait3A_1268, %dma_wait3A_1269] : memref<16x16x128xf32, #tpu.memory_space<vmem>> -> memref<1x16x128xf32, #tpu.memory_space<vmem>>
      %dma_wait3A_1271 = tpu.memref_squeeze %dma_wait3A_1270 : memref<1x16x128xf32, #tpu.memory_space<vmem>> -> memref<16x128xf32, #tpu.memory_space<vmem>>
      %dma_wait3A_1272 = arith.constant 0 : i32
      %dma_wait3A_1273 = tpu.memref_slice %arg6[%dma_wait3A_1272, %multiple_of3A_610] : memref<16x1000000xf32, #tpu.memory_space<hbm>> -> memref<16x128xf32, #tpu.memory_space<hbm>>
      %dma_wait3A_1274 = arith.constant 0 : i32
      %dma_wait3A_1275 = arith.constant 0 : i32
      %dma_wait3A_1276 = tpu.memref_slice %arg14[%dma_wait3A_1267, %dma_wait3A_1274, %dma_wait3A_1275] : memref<16x16x128xf32, #tpu.memory_space<vmem>> -> memref<1x16x128xf32, #tpu.memory_space<vmem>>
      %dma_wait3A_1277 = tpu.memref_squeeze %dma_wait3A_1276 : memref<1x16x128xf32, #tpu.memory_space<vmem>> -> memref<16x128xf32, #tpu.memory_space<vmem>>
      %dma_wait3A_1278 = arith.constant 0 : i32
      %dma_wait3A_1279 = tpu.memref_slice %arg6[%dma_wait3A_1278, %multiple_of3A_610] : memref<16x1000000xf32, #tpu.memory_space<hbm>> -> memref<16x128xf32, #tpu.memory_space<hbm>>
      tpu.wait_dma2 semaphore(%arg17 : memref<!tpu.dma_semaphore, #tpu.memory_space<semaphore_mem>>) src(%dma_wait3A_1279 : memref<16x128xf32, #tpu.memory_space<hbm>>) dst(%dma_wait3A_1277 : memref<16x128xf32, #tpu.memory_space<vmem>>)
      %dma_wait3A_1280 = arith.constant 5 : i32
      %dma_wait3A_1281 = arith.constant 0 : i32
      %dma_wait3A_1282 = arith.constant 0 : i32
      %dma_wait3A_1283 = tpu.memref_slice %arg14[%dma_wait3A_1280, %dma_wait3A_1281, %dma_wait3A_1282] : memref<16x16x128xf32, #tpu.memory_space<vmem>> -> memref<1x16x128xf32, #tpu.memory_space<vmem>>
      %dma_wait3A_1284 = tpu.memref_squeeze %dma_wait3A_1283 : memref<1x16x128xf32, #tpu.memory_space<vmem>> -> memref<16x128xf32, #tpu.memory_space<vmem>>
      %dma_wait3A_1285 = arith.constant 0 : i32
      %dma_wait3A_1286 = tpu.memref_slice %arg6[%dma_wait3A_1285, %multiple_of3A_626] : memref<16x1000000xf32, #tpu.memory_space<hbm>> -> memref<16x128xf32, #tpu.memory_space<hbm>>
      %dma_wait3A_1287 = arith.constant 0 : i32
      %dma_wait3A_1288 = arith.constant 0 : i32
      %dma_wait3A_1289 = tpu.memref_slice %arg14[%dma_wait3A_1280, %dma_wait3A_1287, %dma_wait3A_1288] : memref<16x16x128xf32, #tpu.memory_space<vmem>> -> memref<1x16x128xf32, #tpu.memory_space<vmem>>
      %dma_wait3A_1290 = tpu.memref_squeeze %dma_wait3A_1289 : memref<1x16x128xf32, #tpu.memory_space<vmem>> -> memref<16x128xf32, #tpu.memory_space<vmem>>
      %dma_wait3A_1291 = arith.constant 0 : i32
      %dma_wait3A_1292 = tpu.memref_slice %arg6[%dma_wait3A_1291, %multiple_of3A_626] : memref<16x1000000xf32, #tpu.memory_space<hbm>> -> memref<16x128xf32, #tpu.memory_space<hbm>>
      tpu.wait_dma2 semaphore(%arg17 : memref<!tpu.dma_semaphore, #tpu.memory_space<semaphore_mem>>) src(%dma_wait3A_1292 : memref<16x128xf32, #tpu.memory_space<hbm>>) dst(%dma_wait3A_1290 : memref<16x128xf32, #tpu.memory_space<vmem>>)
      %dma_wait3A_1293 = arith.constant 6 : i32
      %dma_wait3A_1294 = arith.constant 0 : i32
      %dma_wait3A_1295 = arith.constant 0 : i32
      %dma_wait3A_1296 = tpu.memref_slice %arg14[%dma_wait3A_1293, %dma_wait3A_1294, %dma_wait3A_1295] : memref<16x16x128xf32, #tpu.memory_space<vmem>> -> memref<1x16x128xf32, #tpu.memory_space<vmem>>
      %dma_wait3A_1297 = tpu.memref_squeeze %dma_wait3A_1296 : memref<1x16x128xf32, #tpu.memory_space<vmem>> -> memref<16x128xf32, #tpu.memory_space<vmem>>
      %dma_wait3A_1298 = arith.constant 0 : i32
      %dma_wait3A_1299 = tpu.memref_slice %arg6[%dma_wait3A_1298, %multiple_of3A_642] : memref<16x1000000xf32, #tpu.memory_space<hbm>> -> memref<16x128xf32, #tpu.memory_space<hbm>>
      %dma_wait3A_1300 = arith.constant 0 : i32
      %dma_wait3A_1301 = arith.constant 0 : i32
      %dma_wait3A_1302 = tpu.memref_slice %arg14[%dma_wait3A_1293, %dma_wait3A_1300, %dma_wait3A_1301] : memref<16x16x128xf32, #tpu.memory_space<vmem>> -> memref<1x16x128xf32, #tpu.memory_space<vmem>>
      %dma_wait3A_1303 = tpu.memref_squeeze %dma_wait3A_1302 : memref<1x16x128xf32, #tpu.memory_space<vmem>> -> memref<16x128xf32, #tpu.memory_space<vmem>>
      %dma_wait3A_1304 = arith.constant 0 : i32
      %dma_wait3A_1305 = tpu.memref_slice %arg6[%dma_wait3A_1304, %multiple_of3A_642] : memref<16x1000000xf32, #tpu.memory_space<hbm>> -> memref<16x128xf32, #tpu.memory_space<hbm>>
      tpu.wait_dma2 semaphore(%arg17 : memref<!tpu.dma_semaphore, #tpu.memory_space<semaphore_mem>>) src(%dma_wait3A_1305 : memref<16x128xf32, #tpu.memory_space<hbm>>) dst(%dma_wait3A_1303 : memref<16x128xf32, #tpu.memory_space<vmem>>)
      %dma_wait3A_1306 = arith.constant 7 : i32
      %dma_wait3A_1307 = arith.constant 0 : i32
      %dma_wait3A_1308 = arith.constant 0 : i32
      %dma_wait3A_1309 = tpu.memref_slice %arg14[%dma_wait3A_1306, %dma_wait3A_1307, %dma_wait3A_1308] : memref<16x16x128xf32, #tpu.memory_space<vmem>> -> memref<1x16x128xf32, #tpu.memory_space<vmem>>
      %dma_wait3A_1310 = tpu.memref_squeeze %dma_wait3A_1309 : memref<1x16x128xf32, #tpu.memory_space<vmem>> -> memref<16x128xf32, #tpu.memory_space<vmem>>
      %dma_wait3A_1311 = arith.constant 0 : i32
      %dma_wait3A_1312 = tpu.memref_slice %arg6[%dma_wait3A_1311, %multiple_of3A_658] : memref<16x1000000xf32, #tpu.memory_space<hbm>> -> memref<16x128xf32, #tpu.memory_space<hbm>>
      %dma_wait3A_1313 = arith.constant 0 : i32
      %dma_wait3A_1314 = arith.constant 0 : i32
      %dma_wait3A_1315 = tpu.memref_slice %arg14[%dma_wait3A_1306, %dma_wait3A_1313, %dma_wait3A_1314] : memref<16x16x128xf32, #tpu.memory_space<vmem>> -> memref<1x16x128xf32, #tpu.memory_space<vmem>>
      %dma_wait3A_1316 = tpu.memref_squeeze %dma_wait3A_1315 : memref<1x16x128xf32, #tpu.memory_space<vmem>> -> memref<16x128xf32, #tpu.memory_space<vmem>>
      %dma_wait3A_1317 = arith.constant 0 : i32
      %dma_wait3A_1318 = tpu.memref_slice %arg6[%dma_wait3A_1317, %multiple_of3A_658] : memref<16x1000000xf32, #tpu.memory_space<hbm>> -> memref<16x128xf32, #tpu.memory_space<hbm>>
      tpu.wait_dma2 semaphore(%arg17 : memref<!tpu.dma_semaphore, #tpu.memory_space<semaphore_mem>>) src(%dma_wait3A_1318 : memref<16x128xf32, #tpu.memory_space<hbm>>) dst(%dma_wait3A_1316 : memref<16x128xf32, #tpu.memory_space<vmem>>)
      %dma_wait3A_1319 = arith.constant 8 : i32
      %dma_wait3A_1320 = arith.constant 0 : i32
      %dma_wait3A_1321 = arith.constant 0 : i32
      %dma_wait3A_1322 = tpu.memref_slice %arg14[%dma_wait3A_1319, %dma_wait3A_1320, %dma_wait3A_1321] : memref<16x16x128xf32, #tpu.memory_space<vmem>> -> memref<1x16x128xf32, #tpu.memory_space<vmem>>
      %dma_wait3A_1323 = tpu.memref_squeeze %dma_wait3A_1322 : memref<1x16x128xf32, #tpu.memory_space<vmem>> -> memref<16x128xf32, #tpu.memory_space<vmem>>
      %dma_wait3A_1324 = arith.constant 0 : i32
      %dma_wait3A_1325 = tpu.memref_slice %arg6[%dma_wait3A_1324, %multiple_of3A_674] : memref<16x1000000xf32, #tpu.memory_space<hbm>> -> memref<16x128xf32, #tpu.memory_space<hbm>>
      %dma_wait3A_1326 = arith.constant 0 : i32
      %dma_wait3A_1327 = arith.constant 0 : i32
      %dma_wait3A_1328 = tpu.memref_slice %arg14[%dma_wait3A_1319, %dma_wait3A_1326, %dma_wait3A_1327] : memref<16x16x128xf32, #tpu.memory_space<vmem>> -> memref<1x16x128xf32, #tpu.memory_space<vmem>>
      %dma_wait3A_1329 = tpu.memref_squeeze %dma_wait3A_1328 : memref<1x16x128xf32, #tpu.memory_space<vmem>> -> memref<16x128xf32, #tpu.memory_space<vmem>>
      %dma_wait3A_1330 = arith.constant 0 : i32
      %dma_wait3A_1331 = tpu.memref_slice %arg6[%dma_wait3A_1330, %multiple_of3A_674] : memref<16x1000000xf32, #tpu.memory_space<hbm>> -> memref<16x128xf32, #tpu.memory_space<hbm>>
      tpu.wait_dma2 semaphore(%arg17 : memref<!tpu.dma_semaphore, #tpu.memory_space<semaphore_mem>>) src(%dma_wait3A_1331 : memref<16x128xf32, #tpu.memory_space<hbm>>) dst(%dma_wait3A_1329 : memref<16x128xf32, #tpu.memory_space<vmem>>)
      %dma_wait3A_1332 = arith.constant 9 : i32
      %dma_wait3A_1333 = arith.constant 0 : i32
      %dma_wait3A_1334 = arith.constant 0 : i32
      %dma_wait3A_1335 = tpu.memref_slice %arg14[%dma_wait3A_1332, %dma_wait3A_1333, %dma_wait3A_1334] : memref<16x16x128xf32, #tpu.memory_space<vmem>> -> memref<1x16x128xf32, #tpu.memory_space<vmem>>
      %dma_wait3A_1336 = tpu.memref_squeeze %dma_wait3A_1335 : memref<1x16x128xf32, #tpu.memory_space<vmem>> -> memref<16x128xf32, #tpu.memory_space<vmem>>
      %dma_wait3A_1337 = arith.constant 0 : i32
      %dma_wait3A_1338 = tpu.memref_slice %arg6[%dma_wait3A_1337, %multiple_of3A_690] : memref<16x1000000xf32, #tpu.memory_space<hbm>> -> memref<16x128xf32, #tpu.memory_space<hbm>>
      %dma_wait3A_1339 = arith.constant 0 : i32
      %dma_wait3A_1340 = arith.constant 0 : i32
      %dma_wait3A_1341 = tpu.memref_slice %arg14[%dma_wait3A_1332, %dma_wait3A_1339, %dma_wait3A_1340] : memref<16x16x128xf32, #tpu.memory_space<vmem>> -> memref<1x16x128xf32, #tpu.memory_space<vmem>>
      %dma_wait3A_1342 = tpu.memref_squeeze %dma_wait3A_1341 : memref<1x16x128xf32, #tpu.memory_space<vmem>> -> memref<16x128xf32, #tpu.memory_space<vmem>>
      %dma_wait3A_1343 = arith.constant 0 : i32
      %dma_wait3A_1344 = tpu.memref_slice %arg6[%dma_wait3A_1343, %multiple_of3A_690] : memref<16x1000000xf32, #tpu.memory_space<hbm>> -> memref<16x128xf32, #tpu.memory_space<hbm>>
      tpu.wait_dma2 semaphore(%arg17 : memref<!tpu.dma_semaphore, #tpu.memory_space<semaphore_mem>>) src(%dma_wait3A_1344 : memref<16x128xf32, #tpu.memory_space<hbm>>) dst(%dma_wait3A_1342 : memref<16x128xf32, #tpu.memory_space<vmem>>)
      %dma_wait3A_1345 = arith.constant 10 : i32
      %dma_wait3A_1346 = arith.constant 0 : i32
      %dma_wait3A_1347 = arith.constant 0 : i32
      %dma_wait3A_1348 = tpu.memref_slice %arg14[%dma_wait3A_1345, %dma_wait3A_1346, %dma_wait3A_1347] : memref<16x16x128xf32, #tpu.memory_space<vmem>> -> memref<1x16x128xf32, #tpu.memory_space<vmem>>
      %dma_wait3A_1349 = tpu.memref_squeeze %dma_wait3A_1348 : memref<1x16x128xf32, #tpu.memory_space<vmem>> -> memref<16x128xf32, #tpu.memory_space<vmem>>
      %dma_wait3A_1350 = arith.constant 0 : i32
      %dma_wait3A_1351 = tpu.memref_slice %arg6[%dma_wait3A_1350, %multiple_of3A_706] : memref<16x1000000xf32, #tpu.memory_space<hbm>> -> memref<16x128xf32, #tpu.memory_space<hbm>>
      %dma_wait3A_1352 = arith.constant 0 : i32
      %dma_wait3A_1353 = arith.constant 0 : i32
      %dma_wait3A_1354 = tpu.memref_slice %arg14[%dma_wait3A_1345, %dma_wait3A_1352, %dma_wait3A_1353] : memref<16x16x128xf32, #tpu.memory_space<vmem>> -> memref<1x16x128xf32, #tpu.memory_space<vmem>>
      %dma_wait3A_1355 = tpu.memref_squeeze %dma_wait3A_1354 : memref<1x16x128xf32, #tpu.memory_space<vmem>> -> memref<16x128xf32, #tpu.memory_space<vmem>>
      %dma_wait3A_1356 = arith.constant 0 : i32
      %dma_wait3A_1357 = tpu.memref_slice %arg6[%dma_wait3A_1356, %multiple_of3A_706] : memref<16x1000000xf32, #tpu.memory_space<hbm>> -> memref<16x128xf32, #tpu.memory_space<hbm>>
      tpu.wait_dma2 semaphore(%arg17 : memref<!tpu.dma_semaphore, #tpu.memory_space<semaphore_mem>>) src(%dma_wait3A_1357 : memref<16x128xf32, #tpu.memory_space<hbm>>) dst(%dma_wait3A_1355 : memref<16x128xf32, #tpu.memory_space<vmem>>)
      %dma_wait3A_1358 = arith.constant 11 : i32
      %dma_wait3A_1359 = arith.constant 0 : i32
      %dma_wait3A_1360 = arith.constant 0 : i32
      %dma_wait3A_1361 = tpu.memref_slice %arg14[%dma_wait3A_1358, %dma_wait3A_1359, %dma_wait3A_1360] : memref<16x16x128xf32, #tpu.memory_space<vmem>> -> memref<1x16x128xf32, #tpu.memory_space<vmem>>
      %dma_wait3A_1362 = tpu.memref_squeeze %dma_wait3A_1361 : memref<1x16x128xf32, #tpu.memory_space<vmem>> -> memref<16x128xf32, #tpu.memory_space<vmem>>
      %dma_wait3A_1363 = arith.constant 0 : i32
      %dma_wait3A_1364 = tpu.memref_slice %arg6[%dma_wait3A_1363, %multiple_of3A_722] : memref<16x1000000xf32, #tpu.memory_space<hbm>> -> memref<16x128xf32, #tpu.memory_space<hbm>>
      %dma_wait3A_1365 = arith.constant 0 : i32
      %dma_wait3A_1366 = arith.constant 0 : i32
      %dma_wait3A_1367 = tpu.memref_slice %arg14[%dma_wait3A_1358, %dma_wait3A_1365, %dma_wait3A_1366] : memref<16x16x128xf32, #tpu.memory_space<vmem>> -> memref<1x16x128xf32, #tpu.memory_space<vmem>>
      %dma_wait3A_1368 = tpu.memref_squeeze %dma_wait3A_1367 : memref<1x16x128xf32, #tpu.memory_space<vmem>> -> memref<16x128xf32, #tpu.memory_space<vmem>>
      %dma_wait3A_1369 = arith.constant 0 : i32
      %dma_wait3A_1370 = tpu.memref_slice %arg6[%dma_wait3A_1369, %multiple_of3A_722] : memref<16x1000000xf32, #tpu.memory_space<hbm>> -> memref<16x128xf32, #tpu.memory_space<hbm>>
      tpu.wait_dma2 semaphore(%arg17 : memref<!tpu.dma_semaphore, #tpu.memory_space<semaphore_mem>>) src(%dma_wait3A_1370 : memref<16x128xf32, #tpu.memory_space<hbm>>) dst(%dma_wait3A_1368 : memref<16x128xf32, #tpu.memory_space<vmem>>)
      %dma_wait3A_1371 = arith.constant 12 : i32
      %dma_wait3A_1372 = arith.constant 0 : i32
      %dma_wait3A_1373 = arith.constant 0 : i32
      %dma_wait3A_1374 = tpu.memref_slice %arg14[%dma_wait3A_1371, %dma_wait3A_1372, %dma_wait3A_1373] : memref<16x16x128xf32, #tpu.memory_space<vmem>> -> memref<1x16x128xf32, #tpu.memory_space<vmem>>
      %dma_wait3A_1375 = tpu.memref_squeeze %dma_wait3A_1374 : memref<1x16x128xf32, #tpu.memory_space<vmem>> -> memref<16x128xf32, #tpu.memory_space<vmem>>
      %dma_wait3A_1376 = arith.constant 0 : i32
      %dma_wait3A_1377 = tpu.memref_slice %arg6[%dma_wait3A_1376, %multiple_of3A_738] : memref<16x1000000xf32, #tpu.memory_space<hbm>> -> memref<16x128xf32, #tpu.memory_space<hbm>>
      %dma_wait3A_1378 = arith.constant 0 : i32
      %dma_wait3A_1379 = arith.constant 0 : i32
      %dma_wait3A_1380 = tpu.memref_slice %arg14[%dma_wait3A_1371, %dma_wait3A_1378, %dma_wait3A_1379] : memref<16x16x128xf32, #tpu.memory_space<vmem>> -> memref<1x16x128xf32, #tpu.memory_space<vmem>>
      %dma_wait3A_1381 = tpu.memref_squeeze %dma_wait3A_1380 : memref<1x16x128xf32, #tpu.memory_space<vmem>> -> memref<16x128xf32, #tpu.memory_space<vmem>>
      %dma_wait3A_1382 = arith.constant 0 : i32
      %dma_wait3A_1383 = tpu.memref_slice %arg6[%dma_wait3A_1382, %multiple_of3A_738] : memref<16x1000000xf32, #tpu.memory_space<hbm>> -> memref<16x128xf32, #tpu.memory_space<hbm>>
      tpu.wait_dma2 semaphore(%arg17 : memref<!tpu.dma_semaphore, #tpu.memory_space<semaphore_mem>>) src(%dma_wait3A_1383 : memref<16x128xf32, #tpu.memory_space<hbm>>) dst(%dma_wait3A_1381 : memref<16x128xf32, #tpu.memory_space<vmem>>)
      %dma_wait3A_1384 = arith.constant 13 : i32
      %dma_wait3A_1385 = arith.constant 0 : i32
      %dma_wait3A_1386 = arith.constant 0 : i32
      %dma_wait3A_1387 = tpu.memref_slice %arg14[%dma_wait3A_1384, %dma_wait3A_1385, %dma_wait3A_1386] : memref<16x16x128xf32, #tpu.memory_space<vmem>> -> memref<1x16x128xf32, #tpu.memory_space<vmem>>
      %dma_wait3A_1388 = tpu.memref_squeeze %dma_wait3A_1387 : memref<1x16x128xf32, #tpu.memory_space<vmem>> -> memref<16x128xf32, #tpu.memory_space<vmem>>
      %dma_wait3A_1389 = arith.constant 0 : i32
      %dma_wait3A_1390 = tpu.memref_slice %arg6[%dma_wait3A_1389, %multiple_of3A_754] : memref<16x1000000xf32, #tpu.memory_space<hbm>> -> memref<16x128xf32, #tpu.memory_space<hbm>>
      %dma_wait3A_1391 = arith.constant 0 : i32
      %dma_wait3A_1392 = arith.constant 0 : i32
      %dma_wait3A_1393 = tpu.memref_slice %arg14[%dma_wait3A_1384, %dma_wait3A_1391, %dma_wait3A_1392] : memref<16x16x128xf32, #tpu.memory_space<vmem>> -> memref<1x16x128xf32, #tpu.memory_space<vmem>>
      %dma_wait3A_1394 = tpu.memref_squeeze %dma_wait3A_1393 : memref<1x16x128xf32, #tpu.memory_space<vmem>> -> memref<16x128xf32, #tpu.memory_space<vmem>>
      %dma_wait3A_1395 = arith.constant 0 : i32
      %dma_wait3A_1396 = tpu.memref_slice %arg6[%dma_wait3A_1395, %multiple_of3A_754] : memref<16x1000000xf32, #tpu.memory_space<hbm>> -> memref<16x128xf32, #tpu.memory_space<hbm>>
      tpu.wait_dma2 semaphore(%arg17 : memref<!tpu.dma_semaphore, #tpu.memory_space<semaphore_mem>>) src(%dma_wait3A_1396 : memref<16x128xf32, #tpu.memory_space<hbm>>) dst(%dma_wait3A_1394 : memref<16x128xf32, #tpu.memory_space<vmem>>)
      %dma_wait3A_1397 = arith.constant 14 : i32
      %dma_wait3A_1398 = arith.constant 0 : i32
      %dma_wait3A_1399 = arith.constant 0 : i32
      %dma_wait3A_1400 = tpu.memref_slice %arg14[%dma_wait3A_1397, %dma_wait3A_1398, %dma_wait3A_1399] : memref<16x16x128xf32, #tpu.memory_space<vmem>> -> memref<1x16x128xf32, #tpu.memory_space<vmem>>
      %dma_wait3A_1401 = tpu.memref_squeeze %dma_wait3A_1400 : memref<1x16x128xf32, #tpu.memory_space<vmem>> -> memref<16x128xf32, #tpu.memory_space<vmem>>
      %dma_wait3A_1402 = arith.constant 0 : i32
      %dma_wait3A_1403 = tpu.memref_slice %arg6[%dma_wait3A_1402, %multiple_of3A_770] : memref<16x1000000xf32, #tpu.memory_space<hbm>> -> memref<16x128xf32, #tpu.memory_space<hbm>>
      %dma_wait3A_1404 = arith.constant 0 : i32
      %dma_wait3A_1405 = arith.constant 0 : i32
      %dma_wait3A_1406 = tpu.memref_slice %arg14[%dma_wait3A_1397, %dma_wait3A_1404, %dma_wait3A_1405] : memref<16x16x128xf32, #tpu.memory_space<vmem>> -> memref<1x16x128xf32, #tpu.memory_space<vmem>>
      %dma_wait3A_1407 = tpu.memref_squeeze %dma_wait3A_1406 : memref<1x16x128xf32, #tpu.memory_space<vmem>> -> memref<16x128xf32, #tpu.memory_space<vmem>>
      %dma_wait3A_1408 = arith.constant 0 : i32
      %dma_wait3A_1409 = tpu.memref_slice %arg6[%dma_wait3A_1408, %multiple_of3A_770] : memref<16x1000000xf32, #tpu.memory_space<hbm>> -> memref<16x128xf32, #tpu.memory_space<hbm>>
      tpu.wait_dma2 semaphore(%arg17 : memref<!tpu.dma_semaphore, #tpu.memory_space<semaphore_mem>>) src(%dma_wait3A_1409 : memref<16x128xf32, #tpu.memory_space<hbm>>) dst(%dma_wait3A_1407 : memref<16x128xf32, #tpu.memory_space<vmem>>)
      %dma_wait3A_1410 = arith.constant 15 : i32
      %dma_wait3A_1411 = arith.constant 0 : i32
      %dma_wait3A_1412 = arith.constant 0 : i32
      %dma_wait3A_1413 = tpu.memref_slice %arg14[%dma_wait3A_1410, %dma_wait3A_1411, %dma_wait3A_1412] : memref<16x16x128xf32, #tpu.memory_space<vmem>> -> memref<1x16x128xf32, #tpu.memory_space<vmem>>
      %dma_wait3A_1414 = tpu.memref_squeeze %dma_wait3A_1413 : memref<1x16x128xf32, #tpu.memory_space<vmem>> -> memref<16x128xf32, #tpu.memory_space<vmem>>
      %dma_wait3A_1415 = arith.constant 0 : i32
      %dma_wait3A_1416 = tpu.memref_slice %arg6[%dma_wait3A_1415, %multiple_of3A_786] : memref<16x1000000xf32, #tpu.memory_space<hbm>> -> memref<16x128xf32, #tpu.memory_space<hbm>>
      %dma_wait3A_1417 = arith.constant 0 : i32
      %dma_wait3A_1418 = arith.constant 0 : i32
      %dma_wait3A_1419 = tpu.memref_slice %arg14[%dma_wait3A_1410, %dma_wait3A_1417, %dma_wait3A_1418] : memref<16x16x128xf32, #tpu.memory_space<vmem>> -> memref<1x16x128xf32, #tpu.memory_space<vmem>>
      %dma_wait3A_1420 = tpu.memref_squeeze %dma_wait3A_1419 : memref<1x16x128xf32, #tpu.memory_space<vmem>> -> memref<16x128xf32, #tpu.memory_space<vmem>>
      %dma_wait3A_1421 = arith.constant 0 : i32
      %dma_wait3A_1422 = tpu.memref_slice %arg6[%dma_wait3A_1421, %multiple_of3A_786] : memref<16x1000000xf32, #tpu.memory_space<hbm>> -> memref<16x128xf32, #tpu.memory_space<hbm>>
      tpu.wait_dma2 semaphore(%arg17 : memref<!tpu.dma_semaphore, #tpu.memory_space<semaphore_mem>>) src(%dma_wait3A_1422 : memref<16x128xf32, #tpu.memory_space<hbm>>) dst(%dma_wait3A_1420 : memref<16x128xf32, #tpu.memory_space<vmem>>)
      %broadcast_in_dim3A = arith.constant 0 : i32
      %broadcast_in_dim3A_1423 = vector.broadcast %broadcast_in_dim3A : i32 to vector<16xi32>
      %gather3A = tpu.vector_load_idx %arg12[%iota3A, %broadcast_in_dim3A_1423, %sub3A] : memref<16x16x128xf32, #tpu.memory_space<vmem>>[vector<16xi32>, vector<16xi32>, vector<16xi32>], vector<16xf32>,
      %gather3A_1424 = tpu.vector_load_idx %arg13[%iota3A, %broadcast_in_dim3A_1423, %sub3A_34] : memref<16x16x128xf32, #tpu.memory_space<vmem>>[vector<16xi32>, vector<16xi32>, vector<16xi32>], vector<16xf32>,
      %gather3A_1425 = tpu.vector_load_idx %arg14[%iota3A, %broadcast_in_dim3A_1423, %sub3A_35] : memref<16x16x128xf32, #tpu.memory_space<vmem>>[vector<16xi32>, vector<16xi32>, vector<16xi32>], vector<16xf32>,
      %mul3A_1426 = arith.mulf %gather3A, %gather3A_1424 : vector<16xf32>
      %swap3A = arith.constant 0 : i32
      %swap3A_1427 = arith.index_cast %swap3A : i32 to index
      %swap3A_1428 = arith.index_cast %mul3A_12 : i32 to index
      %swap3A_1429 = tpu.vector_load %arg15[%swap3A_1427, %swap3A_1428] {strides = array<i32>} : memref<16x512xf32, #tpu.memory_space<vmem>>, vector<16xf32>,
      tpu.vector_store %arg15[%swap3A_1427, %swap3A_1428], %mul3A_1426 {strides = array<i32>} : memref<16x512xf32, #tpu.memory_space<vmem>>, vector<16xf32>,
      %mul3A_1430 = arith.mulf %gather3A, %gather3A_1425 : vector<16xf32>
      %swap3A_1431 = arith.constant 0 : i32
      %swap3A_1432 = arith.index_cast %swap3A_1431 : i32 to index
      %swap3A_1433 = arith.index_cast %mul3A_12 : i32 to index
      %swap3A_1434 = tpu.vector_load %arg16[%swap3A_1432, %swap3A_1433] {strides = array<i32>} : memref<16x512xf32, #tpu.memory_space<vmem>>, vector<16xf32>,
      tpu.vector_store %arg16[%swap3A_1432, %swap3A_1433], %mul3A_1430 {strides = array<i32>} : memref<16x512xf32, #tpu.memory_space<vmem>>, vector<16xf32>,
      %broadcast_in_dim3A_1435 = arith.constant 1 : i32
      %broadcast_in_dim3A_1436 = vector.broadcast %broadcast_in_dim3A_1435 : i32 to vector<16xi32>
      %gather3A_1437 = tpu.vector_load_idx %arg12[%iota3A, %broadcast_in_dim3A_1436, %sub3A] : memref<16x16x128xf32, #tpu.memory_space<vmem>>[vector<16xi32>, vector<16xi32>, vector<16xi32>], vector<16xf32>,
      %gather3A_1438 = tpu.vector_load_idx %arg13[%iota3A, %broadcast_in_dim3A_1436, %sub3A_34] : memref<16x16x128xf32, #tpu.memory_space<vmem>>[vector<16xi32>, vector<16xi32>, vector<16xi32>], vector<16xf32>,
      %gather3A_1439 = tpu.vector_load_idx %arg14[%iota3A, %broadcast_in_dim3A_1436, %sub3A_35] : memref<16x16x128xf32, #tpu.memory_space<vmem>>[vector<16xi32>, vector<16xi32>, vector<16xi32>], vector<16xf32>,
      %mul3A_1440 = arith.mulf %gather3A_1437, %gather3A_1438 : vector<16xf32>
      %swap3A_1441 = arith.constant 1 : i32
      %swap3A_1442 = arith.index_cast %swap3A_1441 : i32 to index
      %swap3A_1443 = arith.index_cast %mul3A_12 : i32 to index
      %swap3A_1444 = tpu.vector_load %arg15[%swap3A_1442, %swap3A_1443] {strides = array<i32>} : memref<16x512xf32, #tpu.memory_space<vmem>>, vector<16xf32>,
      tpu.vector_store %arg15[%swap3A_1442, %swap3A_1443], %mul3A_1440 {strides = array<i32>} : memref<16x512xf32, #tpu.memory_space<vmem>>, vector<16xf32>,
      %mul3A_1445 = arith.mulf %gather3A_1437, %gather3A_1439 : vector<16xf32>
      %swap3A_1446 = arith.constant 1 : i32
      %swap3A_1447 = arith.index_cast %swap3A_1446 : i32 to index
      %swap3A_1448 = arith.index_cast %mul3A_12 : i32 to index
      %swap3A_1449 = tpu.vector_load %arg16[%swap3A_1447, %swap3A_1448] {strides = array<i32>} : memref<16x512xf32, #tpu.memory_space<vmem>>, vector<16xf32>,
      tpu.vector_store %arg16[%swap3A_1447, %swap3A_1448], %mul3A_1445 {strides = array<i32>} : memref<16x512xf32, #tpu.memory_space<vmem>>, vector<16xf32>,
      %broadcast_in_dim3A_1450 = arith.constant 2 : i32
      %broadcast_in_dim3A_1451 = vector.broadcast %broadcast_in_dim3A_1450 : i32 to vector<16xi32>
      %gather3A_1452 = tpu.vector_load_idx %arg12[%iota3A, %broadcast_in_dim3A_1451, %sub3A] : memref<16x16x128xf32, #tpu.memory_space<vmem>>[vector<16xi32>, vector<16xi32>, vector<16xi32>], vector<16xf32>,
      %gather3A_1453 = tpu.vector_load_idx %arg13[%iota3A, %broadcast_in_dim3A_1451, %sub3A_34] : memref<16x16x128xf32, #tpu.memory_space<vmem>>[vector<16xi32>, vector<16xi32>, vector<16xi32>], vector<16xf32>,
      %gather3A_1454 = tpu.vector_load_idx %arg14[%iota3A, %broadcast_in_dim3A_1451, %sub3A_35] : memref<16x16x128xf32, #tpu.memory_space<vmem>>[vector<16xi32>, vector<16xi32>, vector<16xi32>], vector<16xf32>,
      %mul3A_1455 = arith.mulf %gather3A_1452, %gather3A_1453 : vector<16xf32>
      %swap3A_1456 = arith.constant 2 : i32
      %swap3A_1457 = arith.index_cast %swap3A_1456 : i32 to index
      %swap3A_1458 = arith.index_cast %mul3A_12 : i32 to index
      %swap3A_1459 = tpu.vector_load %arg15[%swap3A_1457, %swap3A_1458] {strides = array<i32>} : memref<16x512xf32, #tpu.memory_space<vmem>>, vector<16xf32>,
      tpu.vector_store %arg15[%swap3A_1457, %swap3A_1458], %mul3A_1455 {strides = array<i32>} : memref<16x512xf32, #tpu.memory_space<vmem>>, vector<16xf32>,
      %mul3A_1460 = arith.mulf %gather3A_1452, %gather3A_1454 : vector<16xf32>
      %swap3A_1461 = arith.constant 2 : i32
      %swap3A_1462 = arith.index_cast %swap3A_1461 : i32 to index
      %swap3A_1463 = arith.index_cast %mul3A_12 : i32 to index
      %swap3A_1464 = tpu.vector_load %arg16[%swap3A_1462, %swap3A_1463] {strides = array<i32>} : memref<16x512xf32, #tpu.memory_space<vmem>>, vector<16xf32>,
      tpu.vector_store %arg16[%swap3A_1462, %swap3A_1463], %mul3A_1460 {strides = array<i32>} : memref<16x512xf32, #tpu.memory_space<vmem>>, vector<16xf32>,
      %broadcast_in_dim3A_1465 = arith.constant 3 : i32
      %broadcast_in_dim3A_1466 = vector.broadcast %broadcast_in_dim3A_1465 : i32 to vector<16xi32>
      %gather3A_1467 = tpu.vector_load_idx %arg12[%iota3A, %broadcast_in_dim3A_1466, %sub3A] : memref<16x16x128xf32, #tpu.memory_space<vmem>>[vector<16xi32>, vector<16xi32>, vector<16xi32>], vector<16xf32>,
      %gather3A_1468 = tpu.vector_load_idx %arg13[%iota3A, %broadcast_in_dim3A_1466, %sub3A_34] : memref<16x16x128xf32, #tpu.memory_space<vmem>>[vector<16xi32>, vector<16xi32>, vector<16xi32>], vector<16xf32>,
      %gather3A_1469 = tpu.vector_load_idx %arg14[%iota3A, %broadcast_in_dim3A_1466, %sub3A_35] : memref<16x16x128xf32, #tpu.memory_space<vmem>>[vector<16xi32>, vector<16xi32>, vector<16xi32>], vector<16xf32>,
      %mul3A_1470 = arith.mulf %gather3A_1467, %gather3A_1468 : vector<16xf32>
      %swap3A_1471 = arith.constant 3 : i32
      %swap3A_1472 = arith.index_cast %swap3A_1471 : i32 to index
      %swap3A_1473 = arith.index_cast %mul3A_12 : i32 to index
      %swap3A_1474 = tpu.vector_load %arg15[%swap3A_1472, %swap3A_1473] {strides = array<i32>} : memref<16x512xf32, #tpu.memory_space<vmem>>, vector<16xf32>,
      tpu.vector_store %arg15[%swap3A_1472, %swap3A_1473], %mul3A_1470 {strides = array<i32>} : memref<16x512xf32, #tpu.memory_space<vmem>>, vector<16xf32>,
      %mul3A_1475 = arith.mulf %gather3A_1467, %gather3A_1469 : vector<16xf32>
      %swap3A_1476 = arith.constant 3 : i32
      %swap3A_1477 = arith.index_cast %swap3A_1476 : i32 to index
      %swap3A_1478 = arith.index_cast %mul3A_12 : i32 to index
      %swap3A_1479 = tpu.vector_load %arg16[%swap3A_1477, %swap3A_1478] {strides = array<i32>} : memref<16x512xf32, #tpu.memory_space<vmem>>, vector<16xf32>,
      tpu.vector_store %arg16[%swap3A_1477, %swap3A_1478], %mul3A_1475 {strides = array<i32>} : memref<16x512xf32, #tpu.memory_space<vmem>>, vector<16xf32>,
      %broadcast_in_dim3A_1480 = arith.constant 4 : i32
      %broadcast_in_dim3A_1481 = vector.broadcast %broadcast_in_dim3A_1480 : i32 to vector<16xi32>
      %gather3A_1482 = tpu.vector_load_idx %arg12[%iota3A, %broadcast_in_dim3A_1481, %sub3A] : memref<16x16x128xf32, #tpu.memory_space<vmem>>[vector<16xi32>, vector<16xi32>, vector<16xi32>], vector<16xf32>,
      %gather3A_1483 = tpu.vector_load_idx %arg13[%iota3A, %broadcast_in_dim3A_1481, %sub3A_34] : memref<16x16x128xf32, #tpu.memory_space<vmem>>[vector<16xi32>, vector<16xi32>, vector<16xi32>], vector<16xf32>,
      %gather3A_1484 = tpu.vector_load_idx %arg14[%iota3A, %broadcast_in_dim3A_1481, %sub3A_35] : memref<16x16x128xf32, #tpu.memory_space<vmem>>[vector<16xi32>, vector<16xi32>, vector<16xi32>], vector<16xf32>,
      %mul3A_1485 = arith.mulf %gather3A_1482, %gather3A_1483 : vector<16xf32>
      %swap3A_1486 = arith.constant 4 : i32
      %swap3A_1487 = arith.index_cast %swap3A_1486 : i32 to index
      %swap3A_1488 = arith.index_cast %mul3A_12 : i32 to index
      %swap3A_1489 = tpu.vector_load %arg15[%swap3A_1487, %swap3A_1488] {strides = array<i32>} : memref<16x512xf32, #tpu.memory_space<vmem>>, vector<16xf32>,
      tpu.vector_store %arg15[%swap3A_1487, %swap3A_1488], %mul3A_1485 {strides = array<i32>} : memref<16x512xf32, #tpu.memory_space<vmem>>, vector<16xf32>,
      %mul3A_1490 = arith.mulf %gather3A_1482, %gather3A_1484 : vector<16xf32>
      %swap3A_1491 = arith.constant 4 : i32
      %swap3A_1492 = arith.index_cast %swap3A_1491 : i32 to index
      %swap3A_1493 = arith.index_cast %mul3A_12 : i32 to index
      %swap3A_1494 = tpu.vector_load %arg16[%swap3A_1492, %swap3A_1493] {strides = array<i32>} : memref<16x512xf32, #tpu.memory_space<vmem>>, vector<16xf32>,
      tpu.vector_store %arg16[%swap3A_1492, %swap3A_1493], %mul3A_1490 {strides = array<i32>} : memref<16x512xf32, #tpu.memory_space<vmem>>, vector<16xf32>,
      %broadcast_in_dim3A_1495 = arith.constant 5 : i32
      %broadcast_in_dim3A_1496 = vector.broadcast %broadcast_in_dim3A_1495 : i32 to vector<16xi32>
      %gather3A_1497 = tpu.vector_load_idx %arg12[%iota3A, %broadcast_in_dim3A_1496, %sub3A] : memref<16x16x128xf32, #tpu.memory_space<vmem>>[vector<16xi32>, vector<16xi32>, vector<16xi32>], vector<16xf32>,
      %gather3A_1498 = tpu.vector_load_idx %arg13[%iota3A, %broadcast_in_dim3A_1496, %sub3A_34] : memref<16x16x128xf32, #tpu.memory_space<vmem>>[vector<16xi32>, vector<16xi32>, vector<16xi32>], vector<16xf32>,
      %gather3A_1499 = tpu.vector_load_idx %arg14[%iota3A, %broadcast_in_dim3A_1496, %sub3A_35] : memref<16x16x128xf32, #tpu.memory_space<vmem>>[vector<16xi32>, vector<16xi32>, vector<16xi32>], vector<16xf32>,
      %mul3A_1500 = arith.mulf %gather3A_1497, %gather3A_1498 : vector<16xf32>
      %swap3A_1501 = arith.constant 5 : i32
      %swap3A_1502 = arith.index_cast %swap3A_1501 : i32 to index
      %swap3A_1503 = arith.index_cast %mul3A_12 : i32 to index
      %swap3A_1504 = tpu.vector_load %arg15[%swap3A_1502, %swap3A_1503] {strides = array<i32>} : memref<16x512xf32, #tpu.memory_space<vmem>>, vector<16xf32>,
      tpu.vector_store %arg15[%swap3A_1502, %swap3A_1503], %mul3A_1500 {strides = array<i32>} : memref<16x512xf32, #tpu.memory_space<vmem>>, vector<16xf32>,
      %mul3A_1505 = arith.mulf %gather3A_1497, %gather3A_1499 : vector<16xf32>
      %swap3A_1506 = arith.constant 5 : i32
      %swap3A_1507 = arith.index_cast %swap3A_1506 : i32 to index
      %swap3A_1508 = arith.index_cast %mul3A_12 : i32 to index
      %swap3A_1509 = tpu.vector_load %arg16[%swap3A_1507, %swap3A_1508] {strides = array<i32>} : memref<16x512xf32, #tpu.memory_space<vmem>>, vector<16xf32>,
      tpu.vector_store %arg16[%swap3A_1507, %swap3A_1508], %mul3A_1505 {strides = array<i32>} : memref<16x512xf32, #tpu.memory_space<vmem>>, vector<16xf32>,
      %broadcast_in_dim3A_1510 = arith.constant 6 : i32
      %broadcast_in_dim3A_1511 = vector.broadcast %broadcast_in_dim3A_1510 : i32 to vector<16xi32>
      %gather3A_1512 = tpu.vector_load_idx %arg12[%iota3A, %broadcast_in_dim3A_1511, %sub3A] : memref<16x16x128xf32, #tpu.memory_space<vmem>>[vector<16xi32>, vector<16xi32>, vector<16xi32>], vector<16xf32>,
      %gather3A_1513 = tpu.vector_load_idx %arg13[%iota3A, %broadcast_in_dim3A_1511, %sub3A_34] : memref<16x16x128xf32, #tpu.memory_space<vmem>>[vector<16xi32>, vector<16xi32>, vector<16xi32>], vector<16xf32>,
      %gather3A_1514 = tpu.vector_load_idx %arg14[%iota3A, %broadcast_in_dim3A_1511, %sub3A_35] : memref<16x16x128xf32, #tpu.memory_space<vmem>>[vector<16xi32>, vector<16xi32>, vector<16xi32>], vector<16xf32>,
      %mul3A_1515 = arith.mulf %gather3A_1512, %gather3A_1513 : vector<16xf32>
      %swap3A_1516 = arith.constant 6 : i32
      %swap3A_1517 = arith.index_cast %swap3A_1516 : i32 to index
      %swap3A_1518 = arith.index_cast %mul3A_12 : i32 to index
      %swap3A_1519 = tpu.vector_load %arg15[%swap3A_1517, %swap3A_1518] {strides = array<i32>} : memref<16x512xf32, #tpu.memory_space<vmem>>, vector<16xf32>,
      tpu.vector_store %arg15[%swap3A_1517, %swap3A_1518], %mul3A_1515 {strides = array<i32>} : memref<16x512xf32, #tpu.memory_space<vmem>>, vector<16xf32>,
      %mul3A_1520 = arith.mulf %gather3A_1512, %gather3A_1514 : vector<16xf32>
      %swap3A_1521 = arith.constant 6 : i32
      %swap3A_1522 = arith.index_cast %swap3A_1521 : i32 to index
      %swap3A_1523 = arith.index_cast %mul3A_12 : i32 to index
      %swap3A_1524 = tpu.vector_load %arg16[%swap3A_1522, %swap3A_1523] {strides = array<i32>} : memref<16x512xf32, #tpu.memory_space<vmem>>, vector<16xf32>,
      tpu.vector_store %arg16[%swap3A_1522, %swap3A_1523], %mul3A_1520 {strides = array<i32>} : memref<16x512xf32, #tpu.memory_space<vmem>>, vector<16xf32>,
      %broadcast_in_dim3A_1525 = arith.constant 7 : i32
      %broadcast_in_dim3A_1526 = vector.broadcast %broadcast_in_dim3A_1525 : i32 to vector<16xi32>
      %gather3A_1527 = tpu.vector_load_idx %arg12[%iota3A, %broadcast_in_dim3A_1526, %sub3A] : memref<16x16x128xf32, #tpu.memory_space<vmem>>[vector<16xi32>, vector<16xi32>, vector<16xi32>], vector<16xf32>,
      %gather3A_1528 = tpu.vector_load_idx %arg13[%iota3A, %broadcast_in_dim3A_1526, %sub3A_34] : memref<16x16x128xf32, #tpu.memory_space<vmem>>[vector<16xi32>, vector<16xi32>, vector<16xi32>], vector<16xf32>,
      %gather3A_1529 = tpu.vector_load_idx %arg14[%iota3A, %broadcast_in_dim3A_1526, %sub3A_35] : memref<16x16x128xf32, #tpu.memory_space<vmem>>[vector<16xi32>, vector<16xi32>, vector<16xi32>], vector<16xf32>,
      %mul3A_1530 = arith.mulf %gather3A_1527, %gather3A_1528 : vector<16xf32>
      %swap3A_1531 = arith.constant 7 : i32
      %swap3A_1532 = arith.index_cast %swap3A_1531 : i32 to index
      %swap3A_1533 = arith.index_cast %mul3A_12 : i32 to index
      %swap3A_1534 = tpu.vector_load %arg15[%swap3A_1532, %swap3A_1533] {strides = array<i32>} : memref<16x512xf32, #tpu.memory_space<vmem>>, vector<16xf32>,
      tpu.vector_store %arg15[%swap3A_1532, %swap3A_1533], %mul3A_1530 {strides = array<i32>} : memref<16x512xf32, #tpu.memory_space<vmem>>, vector<16xf32>,
      %mul3A_1535 = arith.mulf %gather3A_1527, %gather3A_1529 : vector<16xf32>
      %swap3A_1536 = arith.constant 7 : i32
      %swap3A_1537 = arith.index_cast %swap3A_1536 : i32 to index
      %swap3A_1538 = arith.index_cast %mul3A_12 : i32 to index
      %swap3A_1539 = tpu.vector_load %arg16[%swap3A_1537, %swap3A_1538] {strides = array<i32>} : memref<16x512xf32, #tpu.memory_space<vmem>>, vector<16xf32>,
      tpu.vector_store %arg16[%swap3A_1537, %swap3A_1538], %mul3A_1535 {strides = array<i32>} : memref<16x512xf32, #tpu.memory_space<vmem>>, vector<16xf32>,
      %broadcast_in_dim3A_1540 = arith.constant 8 : i32
      %broadcast_in_dim3A_1541 = vector.broadcast %broadcast_in_dim3A_1540 : i32 to vector<16xi32>
      %gather3A_1542 = tpu.vector_load_idx %arg12[%iota3A, %broadcast_in_dim3A_1541, %sub3A] : memref<16x16x128xf32, #tpu.memory_space<vmem>>[vector<16xi32>, vector<16xi32>, vector<16xi32>], vector<16xf32>,
      %gather3A_1543 = tpu.vector_load_idx %arg13[%iota3A, %broadcast_in_dim3A_1541, %sub3A_34] : memref<16x16x128xf32, #tpu.memory_space<vmem>>[vector<16xi32>, vector<16xi32>, vector<16xi32>], vector<16xf32>,
      %gather3A_1544 = tpu.vector_load_idx %arg14[%iota3A, %broadcast_in_dim3A_1541, %sub3A_35] : memref<16x16x128xf32, #tpu.memory_space<vmem>>[vector<16xi32>, vector<16xi32>, vector<16xi32>], vector<16xf32>,
      %mul3A_1545 = arith.mulf %gather3A_1542, %gather3A_1543 : vector<16xf32>
      %swap3A_1546 = arith.constant 8 : i32
      %swap3A_1547 = arith.index_cast %swap3A_1546 : i32 to index
      %swap3A_1548 = arith.index_cast %mul3A_12 : i32 to index
      %swap3A_1549 = tpu.vector_load %arg15[%swap3A_1547, %swap3A_1548] {strides = array<i32>} : memref<16x512xf32, #tpu.memory_space<vmem>>, vector<16xf32>,
      tpu.vector_store %arg15[%swap3A_1547, %swap3A_1548], %mul3A_1545 {strides = array<i32>} : memref<16x512xf32, #tpu.memory_space<vmem>>, vector<16xf32>,
      %mul3A_1550 = arith.mulf %gather3A_1542, %gather3A_1544 : vector<16xf32>
      %swap3A_1551 = arith.constant 8 : i32
      %swap3A_1552 = arith.index_cast %swap3A_1551 : i32 to index
      %swap3A_1553 = arith.index_cast %mul3A_12 : i32 to index
      %swap3A_1554 = tpu.vector_load %arg16[%swap3A_1552, %swap3A_1553] {strides = array<i32>} : memref<16x512xf32, #tpu.memory_space<vmem>>, vector<16xf32>,
      tpu.vector_store %arg16[%swap3A_1552, %swap3A_1553], %mul3A_1550 {strides = array<i32>} : memref<16x512xf32, #tpu.memory_space<vmem>>, vector<16xf32>,
      %broadcast_in_dim3A_1555 = arith.constant 9 : i32
      %broadcast_in_dim3A_1556 = vector.broadcast %broadcast_in_dim3A_1555 : i32 to vector<16xi32>
      %gather3A_1557 = tpu.vector_load_idx %arg12[%iota3A, %broadcast_in_dim3A_1556, %sub3A] : memref<16x16x128xf32, #tpu.memory_space<vmem>>[vector<16xi32>, vector<16xi32>, vector<16xi32>], vector<16xf32>,
      %gather3A_1558 = tpu.vector_load_idx %arg13[%iota3A, %broadcast_in_dim3A_1556, %sub3A_34] : memref<16x16x128xf32, #tpu.memory_space<vmem>>[vector<16xi32>, vector<16xi32>, vector<16xi32>], vector<16xf32>,
      %gather3A_1559 = tpu.vector_load_idx %arg14[%iota3A, %broadcast_in_dim3A_1556, %sub3A_35] : memref<16x16x128xf32, #tpu.memory_space<vmem>>[vector<16xi32>, vector<16xi32>, vector<16xi32>], vector<16xf32>,
      %mul3A_1560 = arith.mulf %gather3A_1557, %gather3A_1558 : vector<16xf32>
      %swap3A_1561 = arith.constant 9 : i32
      %swap3A_1562 = arith.index_cast %swap3A_1561 : i32 to index
      %swap3A_1563 = arith.index_cast %mul3A_12 : i32 to index
      %swap3A_1564 = tpu.vector_load %arg15[%swap3A_1562, %swap3A_1563] {strides = array<i32>} : memref<16x512xf32, #tpu.memory_space<vmem>>, vector<16xf32>,
      tpu.vector_store %arg15[%swap3A_1562, %swap3A_1563], %mul3A_1560 {strides = array<i32>} : memref<16x512xf32, #tpu.memory_space<vmem>>, vector<16xf32>,
      %mul3A_1565 = arith.mulf %gather3A_1557, %gather3A_1559 : vector<16xf32>
      %swap3A_1566 = arith.constant 9 : i32
      %swap3A_1567 = arith.index_cast %swap3A_1566 : i32 to index
      %swap3A_1568 = arith.index_cast %mul3A_12 : i32 to index
      %swap3A_1569 = tpu.vector_load %arg16[%swap3A_1567, %swap3A_1568] {strides = array<i32>} : memref<16x512xf32, #tpu.memory_space<vmem>>, vector<16xf32>,
      tpu.vector_store %arg16[%swap3A_1567, %swap3A_1568], %mul3A_1565 {strides = array<i32>} : memref<16x512xf32, #tpu.memory_space<vmem>>, vector<16xf32>,
      %broadcast_in_dim3A_1570 = arith.constant 10 : i32
      %broadcast_in_dim3A_1571 = vector.broadcast %broadcast_in_dim3A_1570 : i32 to vector<16xi32>
      %gather3A_1572 = tpu.vector_load_idx %arg12[%iota3A, %broadcast_in_dim3A_1571, %sub3A] : memref<16x16x128xf32, #tpu.memory_space<vmem>>[vector<16xi32>, vector<16xi32>, vector<16xi32>], vector<16xf32>,
      %gather3A_1573 = tpu.vector_load_idx %arg13[%iota3A, %broadcast_in_dim3A_1571, %sub3A_34] : memref<16x16x128xf32, #tpu.memory_space<vmem>>[vector<16xi32>, vector<16xi32>, vector<16xi32>], vector<16xf32>,
      %gather3A_1574 = tpu.vector_load_idx %arg14[%iota3A, %broadcast_in_dim3A_1571, %sub3A_35] : memref<16x16x128xf32, #tpu.memory_space<vmem>>[vector<16xi32>, vector<16xi32>, vector<16xi32>], vector<16xf32>,
      %mul3A_1575 = arith.mulf %gather3A_1572, %gather3A_1573 : vector<16xf32>
      %swap3A_1576 = arith.constant 10 : i32
      %swap3A_1577 = arith.index_cast %swap3A_1576 : i32 to index
      %swap3A_1578 = arith.index_cast %mul3A_12 : i32 to index
      %swap3A_1579 = tpu.vector_load %arg15[%swap3A_1577, %swap3A_1578] {strides = array<i32>} : memref<16x512xf32, #tpu.memory_space<vmem>>, vector<16xf32>,
      tpu.vector_store %arg15[%swap3A_1577, %swap3A_1578], %mul3A_1575 {strides = array<i32>} : memref<16x512xf32, #tpu.memory_space<vmem>>, vector<16xf32>,
      %mul3A_1580 = arith.mulf %gather3A_1572, %gather3A_1574 : vector<16xf32>
      %swap3A_1581 = arith.constant 10 : i32
      %swap3A_1582 = arith.index_cast %swap3A_1581 : i32 to index
      %swap3A_1583 = arith.index_cast %mul3A_12 : i32 to index
      %swap3A_1584 = tpu.vector_load %arg16[%swap3A_1582, %swap3A_1583] {strides = array<i32>} : memref<16x512xf32, #tpu.memory_space<vmem>>, vector<16xf32>,
      tpu.vector_store %arg16[%swap3A_1582, %swap3A_1583], %mul3A_1580 {strides = array<i32>} : memref<16x512xf32, #tpu.memory_space<vmem>>, vector<16xf32>,
      %broadcast_in_dim3A_1585 = arith.constant 11 : i32
      %broadcast_in_dim3A_1586 = vector.broadcast %broadcast_in_dim3A_1585 : i32 to vector<16xi32>
      %gather3A_1587 = tpu.vector_load_idx %arg12[%iota3A, %broadcast_in_dim3A_1586, %sub3A] : memref<16x16x128xf32, #tpu.memory_space<vmem>>[vector<16xi32>, vector<16xi32>, vector<16xi32>], vector<16xf32>,
      %gather3A_1588 = tpu.vector_load_idx %arg13[%iota3A, %broadcast_in_dim3A_1586, %sub3A_34] : memref<16x16x128xf32, #tpu.memory_space<vmem>>[vector<16xi32>, vector<16xi32>, vector<16xi32>], vector<16xf32>,
      %gather3A_1589 = tpu.vector_load_idx %arg14[%iota3A, %broadcast_in_dim3A_1586, %sub3A_35] : memref<16x16x128xf32, #tpu.memory_space<vmem>>[vector<16xi32>, vector<16xi32>, vector<16xi32>], vector<16xf32>,
      %mul3A_1590 = arith.mulf %gather3A_1587, %gather3A_1588 : vector<16xf32>
      %swap3A_1591 = arith.constant 11 : i32
      %swap3A_1592 = arith.index_cast %swap3A_1591 : i32 to index
      %swap3A_1593 = arith.index_cast %mul3A_12 : i32 to index
      %swap3A_1594 = tpu.vector_load %arg15[%swap3A_1592, %swap3A_1593] {strides = array<i32>} : memref<16x512xf32, #tpu.memory_space<vmem>>, vector<16xf32>,
      tpu.vector_store %arg15[%swap3A_1592, %swap3A_1593], %mul3A_1590 {strides = array<i32>} : memref<16x512xf32, #tpu.memory_space<vmem>>, vector<16xf32>,
      %mul3A_1595 = arith.mulf %gather3A_1587, %gather3A_1589 : vector<16xf32>
      %swap3A_1596 = arith.constant 11 : i32
      %swap3A_1597 = arith.index_cast %swap3A_1596 : i32 to index
      %swap3A_1598 = arith.index_cast %mul3A_12 : i32 to index
      %swap3A_1599 = tpu.vector_load %arg16[%swap3A_1597, %swap3A_1598] {strides = array<i32>} : memref<16x512xf32, #tpu.memory_space<vmem>>, vector<16xf32>,
      tpu.vector_store %arg16[%swap3A_1597, %swap3A_1598], %mul3A_1595 {strides = array<i32>} : memref<16x512xf32, #tpu.memory_space<vmem>>, vector<16xf32>,
      %broadcast_in_dim3A_1600 = arith.constant 12 : i32
      %broadcast_in_dim3A_1601 = vector.broadcast %broadcast_in_dim3A_1600 : i32 to vector<16xi32>
      %gather3A_1602 = tpu.vector_load_idx %arg12[%iota3A, %broadcast_in_dim3A_1601, %sub3A] : memref<16x16x128xf32, #tpu.memory_space<vmem>>[vector<16xi32>, vector<16xi32>, vector<16xi32>], vector<16xf32>,
      %gather3A_1603 = tpu.vector_load_idx %arg13[%iota3A, %broadcast_in_dim3A_1601, %sub3A_34] : memref<16x16x128xf32, #tpu.memory_space<vmem>>[vector<16xi32>, vector<16xi32>, vector<16xi32>], vector<16xf32>,
      %gather3A_1604 = tpu.vector_load_idx %arg14[%iota3A, %broadcast_in_dim3A_1601, %sub3A_35] : memref<16x16x128xf32, #tpu.memory_space<vmem>>[vector<16xi32>, vector<16xi32>, vector<16xi32>], vector<16xf32>,
      %mul3A_1605 = arith.mulf %gather3A_1602, %gather3A_1603 : vector<16xf32>
      %swap3A_1606 = arith.constant 12 : i32
      %swap3A_1607 = arith.index_cast %swap3A_1606 : i32 to index
      %swap3A_1608 = arith.index_cast %mul3A_12 : i32 to index
      %swap3A_1609 = tpu.vector_load %arg15[%swap3A_1607, %swap3A_1608] {strides = array<i32>} : memref<16x512xf32, #tpu.memory_space<vmem>>, vector<16xf32>,
      tpu.vector_store %arg15[%swap3A_1607, %swap3A_1608], %mul3A_1605 {strides = array<i32>} : memref<16x512xf32, #tpu.memory_space<vmem>>, vector<16xf32>,
      %mul3A_1610 = arith.mulf %gather3A_1602, %gather3A_1604 : vector<16xf32>
      %swap3A_1611 = arith.constant 12 : i32
      %swap3A_1612 = arith.index_cast %swap3A_1611 : i32 to index
      %swap3A_1613 = arith.index_cast %mul3A_12 : i32 to index
      %swap3A_1614 = tpu.vector_load %arg16[%swap3A_1612, %swap3A_1613] {strides = array<i32>} : memref<16x512xf32, #tpu.memory_space<vmem>>, vector<16xf32>,
      tpu.vector_store %arg16[%swap3A_1612, %swap3A_1613], %mul3A_1610 {strides = array<i32>} : memref<16x512xf32, #tpu.memory_space<vmem>>, vector<16xf32>,
      %broadcast_in_dim3A_1615 = arith.constant 13 : i32
      %broadcast_in_dim3A_1616 = vector.broadcast %broadcast_in_dim3A_1615 : i32 to vector<16xi32>
      %gather3A_1617 = tpu.vector_load_idx %arg12[%iota3A, %broadcast_in_dim3A_1616, %sub3A] : memref<16x16x128xf32, #tpu.memory_space<vmem>>[vector<16xi32>, vector<16xi32>, vector<16xi32>], vector<16xf32>,
      %gather3A_1618 = tpu.vector_load_idx %arg13[%iota3A, %broadcast_in_dim3A_1616, %sub3A_34] : memref<16x16x128xf32, #tpu.memory_space<vmem>>[vector<16xi32>, vector<16xi32>, vector<16xi32>], vector<16xf32>,
      %gather3A_1619 = tpu.vector_load_idx %arg14[%iota3A, %broadcast_in_dim3A_1616, %sub3A_35] : memref<16x16x128xf32, #tpu.memory_space<vmem>>[vector<16xi32>, vector<16xi32>, vector<16xi32>], vector<16xf32>,
      %mul3A_1620 = arith.mulf %gather3A_1617, %gather3A_1618 : vector<16xf32>
      %swap3A_1621 = arith.constant 13 : i32
      %swap3A_1622 = arith.index_cast %swap3A_1621 : i32 to index
      %swap3A_1623 = arith.index_cast %mul3A_12 : i32 to index
      %swap3A_1624 = tpu.vector_load %arg15[%swap3A_1622, %swap3A_1623] {strides = array<i32>} : memref<16x512xf32, #tpu.memory_space<vmem>>, vector<16xf32>,
      tpu.vector_store %arg15[%swap3A_1622, %swap3A_1623], %mul3A_1620 {strides = array<i32>} : memref<16x512xf32, #tpu.memory_space<vmem>>, vector<16xf32>,
      %mul3A_1625 = arith.mulf %gather3A_1617, %gather3A_1619 : vector<16xf32>
      %swap3A_1626 = arith.constant 13 : i32
      %swap3A_1627 = arith.index_cast %swap3A_1626 : i32 to index
      %swap3A_1628 = arith.index_cast %mul3A_12 : i32 to index
      %swap3A_1629 = tpu.vector_load %arg16[%swap3A_1627, %swap3A_1628] {strides = array<i32>} : memref<16x512xf32, #tpu.memory_space<vmem>>, vector<16xf32>,
      tpu.vector_store %arg16[%swap3A_1627, %swap3A_1628], %mul3A_1625 {strides = array<i32>} : memref<16x512xf32, #tpu.memory_space<vmem>>, vector<16xf32>,
      %broadcast_in_dim3A_1630 = arith.constant 14 : i32
      %broadcast_in_dim3A_1631 = vector.broadcast %broadcast_in_dim3A_1630 : i32 to vector<16xi32>
      %gather3A_1632 = tpu.vector_load_idx %arg12[%iota3A, %broadcast_in_dim3A_1631, %sub3A] : memref<16x16x128xf32, #tpu.memory_space<vmem>>[vector<16xi32>, vector<16xi32>, vector<16xi32>], vector<16xf32>,
      %gather3A_1633 = tpu.vector_load_idx %arg13[%iota3A, %broadcast_in_dim3A_1631, %sub3A_34] : memref<16x16x128xf32, #tpu.memory_space<vmem>>[vector<16xi32>, vector<16xi32>, vector<16xi32>], vector<16xf32>,
      %gather3A_1634 = tpu.vector_load_idx %arg14[%iota3A, %broadcast_in_dim3A_1631, %sub3A_35] : memref<16x16x128xf32, #tpu.memory_space<vmem>>[vector<16xi32>, vector<16xi32>, vector<16xi32>], vector<16xf32>,
      %mul3A_1635 = arith.mulf %gather3A_1632, %gather3A_1633 : vector<16xf32>
      %swap3A_1636 = arith.constant 14 : i32
      %swap3A_1637 = arith.index_cast %swap3A_1636 : i32 to index
      %swap3A_1638 = arith.index_cast %mul3A_12 : i32 to index
      %swap3A_1639 = tpu.vector_load %arg15[%swap3A_1637, %swap3A_1638] {strides = array<i32>} : memref<16x512xf32, #tpu.memory_space<vmem>>, vector<16xf32>,
      tpu.vector_store %arg15[%swap3A_1637, %swap3A_1638], %mul3A_1635 {strides = array<i32>} : memref<16x512xf32, #tpu.memory_space<vmem>>, vector<16xf32>,
      %mul3A_1640 = arith.mulf %gather3A_1632, %gather3A_1634 : vector<16xf32>
      %swap3A_1641 = arith.constant 14 : i32
      %swap3A_1642 = arith.index_cast %swap3A_1641 : i32 to index
      %swap3A_1643 = arith.index_cast %mul3A_12 : i32 to index
      %swap3A_1644 = tpu.vector_load %arg16[%swap3A_1642, %swap3A_1643] {strides = array<i32>} : memref<16x512xf32, #tpu.memory_space<vmem>>, vector<16xf32>,
      tpu.vector_store %arg16[%swap3A_1642, %swap3A_1643], %mul3A_1640 {strides = array<i32>} : memref<16x512xf32, #tpu.memory_space<vmem>>, vector<16xf32>,
      %broadcast_in_dim3A_1645 = arith.constant 15 : i32
      %broadcast_in_dim3A_1646 = vector.broadcast %broadcast_in_dim3A_1645 : i32 to vector<16xi32>
      %gather3A_1647 = tpu.vector_load_idx %arg12[%iota3A, %broadcast_in_dim3A_1646, %sub3A] : memref<16x16x128xf32, #tpu.memory_space<vmem>>[vector<16xi32>, vector<16xi32>, vector<16xi32>], vector<16xf32>,
      %gather3A_1648 = tpu.vector_load_idx %arg13[%iota3A, %broadcast_in_dim3A_1646, %sub3A_34] : memref<16x16x128xf32, #tpu.memory_space<vmem>>[vector<16xi32>, vector<16xi32>, vector<16xi32>], vector<16xf32>,
      %gather3A_1649 = tpu.vector_load_idx %arg14[%iota3A, %broadcast_in_dim3A_1646, %sub3A_35] : memref<16x16x128xf32, #tpu.memory_space<vmem>>[vector<16xi32>, vector<16xi32>, vector<16xi32>], vector<16xf32>,
      %mul3A_1650 = arith.mulf %gather3A_1647, %gather3A_1648 : vector<16xf32>
      %swap3A_1651 = arith.constant 15 : i32
      %swap3A_1652 = arith.index_cast %swap3A_1651 : i32 to index
      %swap3A_1653 = arith.index_cast %mul3A_12 : i32 to index
      %swap3A_1654 = tpu.vector_load %arg15[%swap3A_1652, %swap3A_1653] {strides = array<i32>} : memref<16x512xf32, #tpu.memory_space<vmem>>, vector<16xf32>,
      tpu.vector_store %arg15[%swap3A_1652, %swap3A_1653], %mul3A_1650 {strides = array<i32>} : memref<16x512xf32, #tpu.memory_space<vmem>>, vector<16xf32>,
      %mul3A_1655 = arith.mulf %gather3A_1647, %gather3A_1649 : vector<16xf32>
      %swap3A_1656 = arith.constant 15 : i32
      %swap3A_1657 = arith.index_cast %swap3A_1656 : i32 to index
      %swap3A_1658 = arith.index_cast %mul3A_12 : i32 to index
      %swap3A_1659 = tpu.vector_load %arg16[%swap3A_1657, %swap3A_1658] {strides = array<i32>} : memref<16x512xf32, #tpu.memory_space<vmem>>, vector<16xf32>,
      tpu.vector_store %arg16[%swap3A_1657, %swap3A_1658], %mul3A_1655 {strides = array<i32>} : memref<16x512xf32, #tpu.memory_space<vmem>>, vector<16xf32>,
      %scan3A_1660 = arith.constant 0 : i32
      scf.yield %scan3A_1660 : i32
    }
    %scan3A_8 = arith.constant 32 : i32
    "tpu.region"() ({
      %run_scoped3A = tpu.sem_alloc : memref<!tpu.dma_semaphore, #tpu.memory_space<semaphore_mem>>
      %dma_start3A = arith.constant 0 : i32
      %dma_start3A_9 = tpu.memref_slice %arg7[%dma_start3A, %mul3A_2] : memref<16x16384xf32, #tpu.memory_space<hbm>> -> memref<16x512xf32, #tpu.memory_space<hbm>>
      %dma_start3A_10 = arith.constant 0 : i32
      %dma_start3A_11 = tpu.memref_slice %arg7[%dma_start3A_10, %mul3A_2] : memref<16x16384xf32, #tpu.memory_space<hbm>> -> memref<16x512xf32, #tpu.memory_space<hbm>>
      tpu.enqueue_dma source(%arg15 : memref<16x512xf32, #tpu.memory_space<vmem>>) target(%dma_start3A_11 : memref<16x512xf32, #tpu.memory_space<hbm>>) target_semaphore(%run_scoped3A : memref<!tpu.dma_semaphore, #tpu.memory_space<semaphore_mem>>)
      %dma_wait3A = arith.constant 0 : i32
      %dma_wait3A_12 = tpu.memref_slice %arg7[%dma_wait3A, %mul3A_2] : memref<16x16384xf32, #tpu.memory_space<hbm>> -> memref<16x512xf32, #tpu.memory_space<hbm>>
      %dma_wait3A_13 = arith.constant 0 : i32
      %dma_wait3A_14 = tpu.memref_slice %arg7[%dma_wait3A_13, %mul3A_2] : memref<16x16384xf32, #tpu.memory_space<hbm>> -> memref<16x512xf32, #tpu.memory_space<hbm>>
      tpu.wait_dma2 semaphore(%run_scoped3A : memref<!tpu.dma_semaphore, #tpu.memory_space<semaphore_mem>>) src(%arg15 : memref<16x512xf32, #tpu.memory_space<vmem>>) dst(%dma_wait3A_14 : memref<16x512xf32, #tpu.memory_space<hbm>>)
      tpu.yield
    }) : () -> ()
    "tpu.region"() ({
      %run_scoped3A = tpu.sem_alloc : memref<!tpu.dma_semaphore, #tpu.memory_space<semaphore_mem>>
      %dma_start3A = arith.constant 0 : i32
      %dma_start3A_9 = tpu.memref_slice %arg8[%dma_start3A, %mul3A_2] : memref<16x16384xf32, #tpu.memory_space<hbm>> -> memref<16x512xf32, #tpu.memory_space<hbm>>
      %dma_start3A_10 = arith.constant 0 : i32
      %dma_start3A_11 = tpu.memref_slice %arg8[%dma_start3A_10, %mul3A_2] : memref<16x16384xf32, #tpu.memory_space<hbm>> -> memref<16x512xf32, #tpu.memory_space<hbm>>
      tpu.enqueue_dma source(%arg16 : memref<16x512xf32, #tpu.memory_space<vmem>>) target(%dma_start3A_11 : memref<16x512xf32, #tpu.memory_space<hbm>>) target_semaphore(%run_scoped3A : memref<!tpu.dma_semaphore, #tpu.memory_space<semaphore_mem>>)
      %dma_wait3A = arith.constant 0 : i32
      %dma_wait3A_12 = tpu.memref_slice %arg8[%dma_wait3A, %mul3A_2] : memref<16x16384xf32, #tpu.memory_space<hbm>> -> memref<16x512xf32, #tpu.memory_space<hbm>>
      %dma_wait3A_13 = arith.constant 0 : i32
      %dma_wait3A_14 = tpu.memref_slice %arg8[%dma_wait3A_13, %mul3A_2] : memref<16x16384xf32, #tpu.memory_space<hbm>> -> memref<16x512xf32, #tpu.memory_space<hbm>>
      tpu.wait_dma2 semaphore(%run_scoped3A : memref<!tpu.dma_semaphore, #tpu.memory_space<semaphore_mem>>) src(%arg16 : memref<16x512xf32, #tpu.memory_space<vmem>>) dst(%dma_wait3A_14 : memref<16x512xf32, #tpu.memory_space<hbm>>)
      tpu.yield
    }) : () -> ()
    return
  }
}

</mosaic_0001>

<sc_bundles>
// kernel: kernel.3.cloned.1.call-start
scs
__scs_entry_jumppad:
0x0: {  	(pc) =	sbr.rel $0x88, $3  }
0x1: {  	(tag) =	ssettag $0x0;
	lr =	simm.s32 $0x1  }
0x2: {  	[smem:$0x3F9C] =	sst lr;
	_ =	strace $0xD0000000  }
0x3: {  	_ = 	snop  }
0x4: {  	_ = 	snop  }
0x5: {  	_ = 	snop  }
0x6: {  	_ = 	snop  }
0x7: {  	_ = 	snop  }
__scs_overlays_trampoline_lowered:
0x8: {  	[smem:$0x3FAB] =	sst s0  }
0x9: {  	[smem:$0x3FAC] =	sst s1  }
0xa: {  	[smem:$0x3FAD] =	sst s2  }
0xb: {  	[smem:$0x3FAE] =	sst s3  }
0xc: {  	[smem:$0x3FAF] =	sst s4  }
0xd: {  	[smem:$0x3FB0] =	sst s5  }
0xe: {  	[smem:$0x3FB1] =	sst s6  }
0xf: {  	[smem:$0x3FB2] =	sst s7  }
0x10: {  	[smem:$0x3FB3] =	sst s8  }
0x11: {  	[smem:$0x3FB4] =	sst s9;
	s0 =	simm.s32 @!p0 $0x0  }
0x12: {  	s1 =	sld [smem:$0x3F9A];
	s0 =	simm.s32 @p0 $0x1  }
0x13: {  	[smem:$0x3FB5] =	sst s0;
	s0 =	simm.s32 @!p1 $0x0  }
0x14: {  	s2 =	sld [smem:$0x3F99];
	s0 =	simm.s32 @p1 $0x1  }
0x15: {  	[smem:$0x3FB6] =	sst s0;
	s0 =	simm.s32 @!p2 $0x0  }
0x16: {  	s3 =	sld [smem:$0x3FDB];
	s0 =	simm.s32 @p2 $0x1  }
0x17: {  	s4 =	simm.s32 $0x1BF5;
	[smem:$0x3FB8] =	sst s0  }
0x18: {  	s0 =	sld [smem:$0x3F9B];
	_ =	swait.ge [sflag:s4], $0x0  }
0x19: {  	s7 =	sld [smem:$0x3F9C]  }
0x1a: {  	s8 =	sadd.s32 $0xFFFFE003, lr  }
0x1b: {  	s9 =	sadd.s32 $0xFFFFFEF7, lr;
	s5 =	simm.s32 $0xFFFFFFFF;
	p2 =	slt.u32 s8, $0xFFFFF086  }
0x1c: {  	p1 =	slt.u32 s9, $0xF7A;
	s5 =	simm.s32 @!p2 $0x0  }
0x1d: {  	s5 =	simm.s32 @p1 $0x1;
	p0 =	seq.s32 s7, s2  }
0x1e: {  	s7 =	smul.u32 @!p0 $0xF7A, s2;
	p2 =	seq.s32 @!p0 s5, $0x0  }
0x1f: {  	s9 =	smul.u32 $0xF7A, s1;
	s8 =	simm.s32 @!p0 $0x1BF5;
	p2 =	por !p2, p0  }
0x20: {  	[sflag:s8] =	ssyncset.s32 @!p0 $0xFFFFF086;
	s6 =	sadd.s32 @!p0 s3, s7;
	s7 =	simm.s32 @!p0 $0x108  }
0x21: {  	s3 =	sadd.s32 s3, s9;
	s6 =	sadd.s32 @!p0 $0x88, s6;
	s7 =	simm.s32 @p2 $0x1082  }
0x22: {  	[simem:s7], [sflag:s8] =	dma.local @!p0 [hbm:s6], $0xF7A  }
0x23: {  	s9 =	sor.u32 $0xD0000000, s2;
	s6 =	simm.s32 $0x108;
	_ =	swait.ge @!p0 [sflag:s8], $0x0  }
0x24: {  	s3 =	sadd.s32 $0x88, s3;
	s6 =	simm.s32 @!p1 $0x1082;
	[sflag:s4] =	ssyncset.s32 $0xFFFFF086  }
0x25: {  	[simem:s6], [sflag:s4] =	dma.local [hbm:s3], $0xF7A  }
0x26: {  	[smem:$0x3F9C] =	sst s1;
	(tag) =	ssettag s2;
	_ =	strace s9  }
0x27: {  	s1 =	sld [smem:$0x3FAC]  }
0x28: {  	s2 =	sld [smem:$0x3FAD]  }
0x29: {  	s4 =	sld [smem:$0x3FAF]  }
0x2a: {  	p0 =	seq.s32 s5, $0x0;
	s5 =	sld [smem:$0x3FB0]  }
0x2b: {  	s6 =	sld [smem:$0x3FB1]  }
0x2c: {  	s7 =	sld [smem:$0x3FB2]  }
0x2d: {  	s3 =	simm.s32 $0x108;
	s8 =	sld [smem:$0x3FB3]  }
0x2e: {  	s3 =	simm.s32 @!p0 $0x1082;
	s9 =	sld [smem:$0x3FB4]  }
0x2f: {  	lr =	sadd.s32 s0, s3;
	s0 =	sld [smem:$0x3FAB]  }
0x30: {  	s3 =	sld [smem:$0x3FAE]  }
0x31: {  	[smem:$0x3FB7] =	sst s10  }
0x32: {  	s10 =	sld [smem:$0x3FB5];
	_ =	sdelay $0x3  }
0x33: {  	p0 =	seq.s32 s10, $0x1;
	s10 =	sld [smem:$0x3FB7];
	_ =	sdelay $0x3  }
0x34: {  	[smem:$0x3FB7] =	sst s10  }
0x35: {  	s10 =	sld [smem:$0x3FB6];
	_ =	sdelay $0x3  }
0x36: {  	p1 =	seq.s32 s10, $0x1;
	s10 =	sld [smem:$0x3FB7];
	_ =	sdelay $0x3  }
0x37: {  	[smem:$0x3FB7] =	sst s10  }
0x38: {  	s10 =	sld [smem:$0x3FB8]  }
0x39: {  	_ = 	snop;
	(pc) =	sbr.ind lr, $3  }
0x3a: {  	_ = 	snop  }
0x3b: {  	_ = 	snop  }
0x3c: {  	p2 =	seq.s32 s10, $0x1;
	s10 =	sld [smem:$0x3FB7]  }
0x3d: {  	_ =	shalt  }
0x3e: {  	_ =	shalt  }
0x3f: {  	_ =	shalt  }
0x40: {  	_ =	shalt  }
0x41: {  	_ =	shalt  }
0x42: {  	_ =	shalt  }
0x43: {  	_ =	shalt  }
0x44: {  	_ =	shalt  }
0x45: {  	_ =	shalt  }
0x46: {  	_ =	shalt  }
0x47: {  	_ =	shalt  }
0x48: {  	_ =	shalt  }
0x49: {  	_ =	shalt  }
0x4a: {  	_ =	shalt  }
0x4b: {  	_ =	shalt  }
0x4c: {  	_ =	shalt  }
0x4d: {  	_ =	shalt  }
0x4e: {  	_ =	shalt  }
0x4f: {  	_ =	shalt  }
0x50: {  	_ =	shalt  }
0x51: {  	_ =	shalt  }
0x52: {  	_ =	shalt  }
0x53: {  	_ =	shalt  }
0x54: {  	_ =	shalt  }
0x55: {  	_ =	shalt  }
0x56: {  	_ =	shalt  }
0x57: {  	_ =	shalt  }
0x58: {  	_ =	shalt  }
0x59: {  	_ =	shalt  }
0x5a: {  	_ =	shalt  }
0x5b: {  	_ =	shalt  }
0x5c: {  	_ =	shalt  }
0x5d: {  	_ =	shalt  }
0x5e: {  	_ =	shalt  }
0x5f: {  	_ =	shalt  }
0x60: {  	_ =	shalt  }
0x61: {  	_ =	shalt  }
0x62: {  	_ =	shalt  }
0x63: {  	_ =	shalt  }
0x64: {  	_ =	shalt  }
0x65: {  	_ =	shalt  }
0x66: {  	_ =	shalt  }
0x67: {  	_ =	shalt  }
0x68: {  	_ =	shalt  }
0x69: {  	_ =	shalt  }
0x6a: {  	_ =	shalt  }
0x6b: {  	_ =	shalt  }
0x6c: {  	_ =	shalt  }
0x6d: {  	_ =	shalt  }
0x6e: {  	_ =	shalt  }
0x6f: {  	_ =	shalt  }
0x70: {  	_ =	shalt  }
0x71: {  	_ =	shalt  }
0x72: {  	_ =	shalt  }
0x73: {  	_ =	shalt  }
0x74: {  	_ =	shalt  }
0x75: {  	_ =	shalt  }
0x76: {  	_ =	shalt  }
0x77: {  	_ =	shalt  }
0x78: {  	_ =	shalt  }
0x79: {  	_ =	shalt  }
0x7a: {  	_ =	shalt  }
0x7b: {  	_ =	shalt  }
0x7c: {  	_ =	shalt  }
0x7d: {  	_ =	shalt  }
0x7e: {  	_ =	shalt  }
0x7f: {  	_ =	shalt  }
0x80: {  	_ =	shalt  }
0x81: {  	_ =	shalt  }
0x82: {  	_ =	shalt  }
0x83: {  	_ =	shalt  }
0x84: {  	_ =	shalt  }
0x85: {  	_ =	shalt  }
0x86: {  	_ =	shalt  }
0x87: {  	_ =	shalt  }
.Lfunc_end0:
.L_simem_size_0:
called_computation_lowered:
.L_overlay_start_0:
0x88: {  	s2 =	sld [smem:$0x3FD9]  }
0x89: {  	s3 =	sld [smem:$0x3FFE];
	_ =	sdelay $0x1  }
0x8a: {  	s1 =	srdreg.scid  }
0x8b: {  	s0 =	sand.u32 $0x1, s1  }
0x8c: {  	s15 =	sshll.u32 s0, $0xA;
	s2 =	sadd.s32 s3, s2  }
0x8d: {  	s2 =	sadd.s32 s2, s15  }
0x8e: {  	[smem:$0x3FC3] =	sst s2  }
0x8f: {  	_ = 	snop  }
0x90: {  	s2 =	sld [smem:$0x3FC9]  }
0x91: {  	s16 =	sld [smem:$0x3FC8]  }
0x92: {  	s4 =	sld [smem:$0x3FD0]  }
0x93: {  	s5 =	sld [smem:$0x3FC7]  }
0x94: {  	s6 =	sld [smem:$0x3FC6]  }
0x95: {  	s8 =	simm.s32 $0xA;
	s9 =	simm.s32 $0x10;
	s7 =	sld [smem:$0x3FC5]  }
0x96: {  	[smem:s9], [sflag:s8] =	dma.local [hbm:s4], $0x1  }
0x97: {  	_ =	swait.eq [sflag:s8], $0x1  }
0x98: {  	[sflag:s8] =	ssyncset.done $0x0  }
0x99: {  	s17 =	sld [smem:$0x10];
	[sflag:s8] =	ssyncadd.s32 $0xFFFFFFFF  }
0x9a: {  	s18 =	sld [smem:$0x11];
	(tm) =	ssettm $0x1  }
0x9b: {  	s19 =	sld [smem:$0x3FFB];
	_ =	sdelay $0x3  }
0x9c: {  	_ =	strace s19  }
0x9d: {  	s9 =	sld [smem:$0x3FFC];
	_ =	sdelay $0x3  }
0x9e: {  	_ =	strace s9  }
0x9f: {  	s9 =	sld [smem:$0x3FFD];
	_ =	sdelay $0x3  }
0xa0: {  	_ =	strace s9  }
0xa1: {  	_ =	strace $0x8FFFFFFF  }
0xa2: {  	s20 =	sld [smem:$0x3FDB];
	_ =	sdelay $0x1  }
0xa3: {  	s10 =	simm.s32 $_scs_section_size  }
0xa4: {  	s11 =	simm.s32 $_size__tile_overlayer_lowered;
	s12 =	simm.s32 $_tile_overlayer_lowered  }
0xa5: {  	s23 =	simm.s32 $0x1BFF;
	s22 =	sshll.u32 s12, $0x1;
	s9 =	sadd.s32 s10, s20  }
0xa6: {  	s13 =	simm.s32 $0x0;
	s21 =	sshll.u32 s11, $0x1;
	s11 =	sadd.s32 s22, s9  }
0xa7: {  	[timem:s13], [sflag:s23] =	dma.local [hbm:s11], s21  }
0xa8: {  	_ =	swait.ge [sflag:s23], s21  }
0xa9: {  	s10 =	ssub.s32 $0x0, s21;
	[sflag:s23] =	ssyncset.done $0x0  }
0xaa: {  	[sflag:s23] =	ssyncadd.s32 s10;
	_ =	sdelay $0x1  }
0xab: {  	s24 =	simm.s32 $0x1B8B  }
0xac: {  	_ =	swait.ge [sflag:s24], $0x1  }
0xad: {  	[sflag:s24] =	ssyncset.done $0x0  }
0xae: {  	s25 =	simm.s32 $0x1B8E;
	[sflag:s24] =	ssyncadd.s32 $0xFFFFFFFF  }
0xaf: {  	s26 =	simm.s32 $execute0_lowered;
	[smem:$0x3FD2] =	sst s25  }
0xb0: {  	s10 =	sshll.u32 s26, $0x1;
	_ =	strace $0x80000046;
	[dreg:$0x1] =	wrdreg $0xFFFFFFFF  }
0xb1: {  	s28 =	simm.s32 $_size_execute0_lowered;
	s9 =	sadd.s32 s9, s10;
	[dreg:$0x0] =	wrdreg $0x0  }
0xb2: {  	s10 =	sshll.u32 s28, $0x1;
	[dreg:$0x2] =	wrdreg s9  }
0xb3: {  	[dreg:$0x3] =	wrdreg s10  }
0xb4: {  	[dreg:$0x4] =	wrdreg $0xC0  }
0xb5: {  	_ =	task [dreg:s13], $0x5FFFF  }
0xb6: {  	[dreg:$0x1] =	wrdreg $0xFFFFFFFF  }
0xb7: {  	[dreg:$0x0] =	wrdreg $0x60  }
0xb8: {  	[dreg:$0x2] =	wrdreg s2  }
0xb9: {  	[dreg:$0x3] =	wrdreg s16  }
0xba: {  	[dreg:$0x4] =	wrdreg s5  }
0xbb: {  	[dreg:$0x5] =	wrdreg s6  }
0xbc: {  	[dreg:$0x6] =	wrdreg s7  }
0xbd: {  	[dreg:$0x7] =	wrdreg s17  }
0xbe: {  	[dreg:$0x8] =	wrdreg s18  }
0xbf: {  	[dreg:$0x9] =	wrdreg $0x9  }
0xc0: {  	_ =	task.clear_ibuf [dreg:s13], $0xAFFFF;
	_ =	strace $0x90000046  }
0xc1: {  	s29 =	simm.s32 $0x9;
	_ =	strace $0x80000048  }
0xc2: {  	_ =	swait.ge [sflag:s29], $0x1  }
0xc3: {  	[sflag:s29] =	ssyncadd.s32 $0xFFFFFFFF  }
0xc4: {  	_ =	strace $0x90000048  }
0xc5: {  	_ =	sfence  }
0xc6: {  	s30 =	sld [smem:$0x0];
	_ =	sdelay $0x2  }
0xc7: {  	s31 =	sshll.u32 s1, $0xD;
	s1 =	sshrl.u32 s1, $0x2  }
0xc8: {  	s3 =	sand.u32 $0x4000, s31;
	s1 =	sadd.s32 s1, s30  }
0xc9: {  	s0 =	sor.u32 s3, s0;
	s1 =	sshll.u32 s1, $0x11  }
0xca: {  	s0 =	sor.u32 s1, s0  }
0xcb: {  	s0 =	sadd.s32 $0x8F2B, s0  }
0xcc: {  	[sflag:s0] =	ssyncadd.remote.s32 $0x1  }
0xcd: {  	_ =	sfence.sel $0xFFFF  }
0xce: {  	[dreg:$0x0] =	wrdreg $0xFFFFFFFF;
	(pc) =	sbr.abs _section_cstart, $3  }
0xcf: {  	[dreg:$0x1] =	wrdreg $0xFFFFFFFF  }
0xd0: {  	_ =	task.clear_ibuf [dreg:s13], $0x2FFFF;
	_ =	strace $0x9FFFFFFF  }
0xd1: {  	(tm) =	ssettm $0x7FFFFFFF  }
tec
execute0_lowered:
.L_overlay_start_1:
0x0: {  	(tag) =	ssettag $0x1  }
0x1: {  	s4 =	rddreg [dreg:$0x0]  }
0x2: {  	s5 =	rddreg [dreg:$0x1]  }
0x3: {  	s6 =	rddreg [dreg:$0x2]  }
0x4: {  	s0 =	rddreg [dreg:$0x3]  }
0x5: {  	s1 =	rddreg [dreg:$0x4]  }
0x6: {  	s7 =	rddreg [dreg:$0x5]  }
0x7: {  	s8 =	rddreg [dreg:$0x6]  }
0x8: {  	[dreg:$0x8] =	wrdreg s0  }
0x9: {  	s2 =	simm.s32 $0x0;
	s0 =	rddreg [dreg:$0x7]  }
0xa: {  	s3 =	simm.s32 $0xE00;
	[smem:$0x7FF] =	sst s2  }
0xb: {  	s12 =	simm.s32 $0x1600;
	_ =	strace $0x80000047;
	[dreg:$0x9] =	wrdreg s3  }
0xc: {  	s13 =	simm.s32 $0x1E00;
	[dreg:$0xa] =	wrdreg s12  }
0xd: {  	s14 =	simm.s32 $0x2600;
	[dreg:$0xb] =	wrdreg s13  }
0xe: {  	s15 =	simm.s32 $0x2E00;
	[dreg:$0xc] =	wrdreg s14  }
0xf: {  	s16 =	simm.s32 $0x3600;
	[dreg:$0xd] =	wrdreg s15  }
0x10: {  	s17 =	simm.s32 $0x3E00;
	[dreg:$0xe] =	wrdreg s16  }
0x11: {  	s18 =	simm.s32 $0x4600;
	[dreg:$0xf] =	wrdreg s17  }
0x12: {  	s19 =	simm.s32 $0x4E00;
	[dreg:$0x10] =	wrdreg s18  }
0x13: {  	s20 =	simm.s32 $0x5600;
	[dreg:$0x11] =	wrdreg s19  }
0x14: {  	s21 =	simm.s32 $0x5E00;
	[dreg:$0x12] =	wrdreg s20  }
0x15: {  	s22 =	simm.s32 $0x6600;
	[dreg:$0x13] =	wrdreg s21  }
0x16: {  	s23 =	simm.s32 $0x6E00;
	[dreg:$0x14] =	wrdreg s22  }
0x17: {  	s24 =	simm.s32 $0x7600;
	[dreg:$0x15] =	wrdreg s23  }
0x18: {  	s25 =	simm.s32 $0x7E00;
	[dreg:$0x16] =	wrdreg s24  }
0x19: {  	s26 =	simm.s32 $0x8E00;
	[dreg:$0x17] =	wrdreg s25  }
0x1a: {  	s28 =	simm.s32 $0x9600;
	[dreg:$0x18] =	wrdreg s26  }
0x1b: {  	s29 =	simm.s32 $0x9E00;
	[dreg:$0x19] =	wrdreg s28  }
0x1c: {  	s30 =	simm.s32 $0xA600;
	[dreg:$0x1a] =	wrdreg s29  }
0x1d: {  	s31 =	simm.s32 $0xAE00;
	[dreg:$0x1b] =	wrdreg s30  }
0x1e: {  	s9 =	simm.s32 $0xB600;
	[dreg:$0x1c] =	wrdreg s31  }
0x1f: {  	s10 =	simm.s32 $0xBE00;
	[dreg:$0x1d] =	wrdreg s9  }
0x20: {  	s11 =	simm.s32 $0xC600;
	[dreg:$0x1e] =	wrdreg s10  }
0x21: {  	[dreg:$0x1f] =	wrdreg s11;
	s12 =	simm.s32 $0xCE00  }
0x22: {  	s13 =	simm.s32 $0xD600;
	[smem:$0x7E8] =	sst s12  }
0x23: {  	s10 =	simm.s32 $0xDE00;
	[smem:$0x7E9] =	sst s13  }
0x24: {  	s14 =	simm.s32 $0xE600;
	[smem:$0x7EA] =	sst s10  }
0x25: {  	s15 =	simm.s32 $0xEE00;
	[smem:$0x7EB] =	sst s14  }
0x26: {  	s16 =	simm.s32 $0xF600;
	[smem:$0x7EC] =	sst s15  }
0x27: {  	s17 =	simm.s32 $0xFE00;
	[smem:$0x7ED] =	sst s16  }
0x28: {  	s18 =	simm.s32 $0x10E00;
	[smem:$0x7EE] =	sst s17  }
0x29: {  	s20 =	simm.s32 $0x11600;
	[smem:$0x7EF] =	sst s18  }
0x2a: {  	s21 =	simm.s32 $0x11E00;
	[smem:$0x7F0] =	sst s20  }
0x2b: {  	s22 =	simm.s32 $0x12600;
	[smem:$0x7F1] =	sst s21  }
0x2c: {  	s23 =	simm.s32 $0x12E00;
	[smem:$0x7F2] =	sst s22  }
0x2d: {  	s24 =	simm.s32 $0x13600;
	[smem:$0x7F3] =	sst s23  }
0x2e: {  	s25 =	simm.s32 $0x13E00;
	[smem:$0x7F4] =	sst s24  }
0x2f: {  	s9 =	srdreg.scid;
	s26 =	simm.s32 $0x14600;
	[smem:$0x7F5] =	sst s25  }
0x30: {  	s3 =	stileid.u32;
	s28 =	simm.s32 $0x14E00;
	[smem:$0x7F6] =	sst s26  }
0x31: {  	s29 =	simm.s32 $0x15600;
	s30 =	simm.s32 $0x15E00;
	[smem:$0x7F7] =	sst s28  }
0x32: {  	s31 =	simm.s32 $0x16600;
	s9 =	sand.u32 $0x1, s9;
	[smem:$0x7F8] =	sst s29  }
0x33: {  	s19 =	sshll.u32 s3, $0xA;
	s10 =	simm.s32 $0x2;
	[smem:$0x7F9] =	sst s30  }
0x34: {  	[smem:$0x7FA] =	sst s31;
	s13 =	simm.s32 $0x16E00;
	s14 =	simm.s32 $0x17600  }
0x35: {  	s16 =	simm.s32 $0x17E00;
	s15 =	simm.s32 $0x10600;
	s17 =	simm.s32 $0x1000  }
0x36: {  	v0 =	vlaneseq.u32;
	s18 =	simm.s32 $0x20000;
	s20 =	simm.s32 $0x1A600;
	s21 =	simm.s32 $0x0  }
0x37: {  	v0 =	vmul.u32 $0x800, v0;
	s11 =	ssub.s32 $0x2, s9;
	s9 =	sshll.u32 s9, $0x9;
	[smem:$0x7FB] =	sst s13  }
0x38: {  	s13 =	simm.s32 $0x600;
	[smem:$0x7FC] =	sst s14;
	s14 =	simm.s32 $0x8600  }
0x39: {  	v1 =	vor.u32 $0x80, v0;
	v2 =	vor.u32 $0x100, v0;
	v3 =	vor.u32 $0x180, v0;
	[smem:$0x7FD] =	sst s16;
	s16 =	simm.s32 $0x1;
	s12 =	sshrl.u32 s11, $0x1  }
0x3a: {  	v4 =	vor.u32 $0x200, v0;
	v5 =	vor.u32 $0x280, v0;
	v6 =	vor.u32 $0x300, v0;
	s9 =	sor.u32 s9, s19;
	s19 =	simm.s32 $0x18600;
	s11 =	ssub.s32 s11, s12  }
0x3b: {  	v7 =	vor.u32 $0x380, v0;
	v8 =	vor.u32 $0x400, v0;
	v9 =	vor.u32 $0x480, v0;
	s12 =	sshrl.u32 s9, $0x3;
	s7 =	sadd.s32 s7, s9;
	s8 =	sadd.s32 s8, s9  }
0x3c: {  	v10 =	vor.u32 $0x500, v0;
	v11 =	vor.u32 $0x580, v0;
	v12 =	vor.u32 $0x600, v0;
	s4 =	sadd.s32 s4, s12;
	s5 =	sadd.s32 s5, s12;
	s6 =	sadd.s32 s6, s12  }
0x3d: {  	v13 =	vor.u32 $0x680, v0;
	v14 =	vor.u32 $0x700, v0;
	v15 =	vor.u32 $0x780, v0;
	s9 =	smax.u32 s11, $0x1;
	s11 =	simm.s32 $0x400;
	s12 =	simm.s32 $0x7A1400  }
.LBB2_1:
0x3e: {  	[tilespmem:s2], [sflag:$0x2] =	stream.linear.gather [hbm4b:s4+s2], $0x200, $0x38;
	[tilespmem:$0x1C600] =	vst v63  }
0x3f: {  	_ =	swait.ge [sflag:s10], $0x200  }
0x40: {  	[sflag:s10] =	ssyncset.done $0x0  }
0x41: {  	s22 =	simm.s32 $0x200;
	[sflag:s10] =	ssyncadd.s32 $0xFFFFFE00  }
0x42: {  	[tilespmem:s22], [sflag:$0x2] =	stream.linear.gather [hbm4b:s5+s2], $0x200, $0x38;
	[tilespmem:$0x1C600] =	vst v63  }
0x43: {  	_ =	swait.ge [sflag:s10], $0x200  }
0x44: {  	[sflag:s10] =	ssyncset.done $0x0  }
0x45: {  	[sflag:s10] =	ssyncadd.s32 $0xFFFFFE00  }
0x46: {  	[tilespmem:s11], [sflag:$0x2] =	stream.linear.gather [hbm4b:s6+s2], $0x200, $0x38;
	[tilespmem:$0x1C600] =	vst v63  }
0x47: {  	_ =	swait.ge [sflag:s10], $0x200  }
0x48: {  	s23 =	simm.s32 $0x400;
	s24 =	simm.s32 $0x0;
	[sflag:s10] =	ssyncset.done $0x0  }
0x49: {  	s25 =	simm.s32 $0x0;
	s26 =	simm.s32 $0x0;
	[sflag:s10] =	ssyncadd.s32 $0xFFFFFE00  }
.LBB2_2:
0x4a: {  	v16 =	vld [tilespmem:s24+$0x0];
	_ =	sdelay $0x4  }
0x4b: {  	s28 =	rddreg [dreg:$0x8];
	v17 =	vand.u32 $0xFFFFFF80, v16  }
0x4c: {  	v19 =	vadd.s32 s28, v17  }
0x4d: {  	(v2sf) =	vpush v19, $0x0;
	_ =	sdelay $0x1  }
0x4e: {  	(v2sf) =	vpush v19, $0x1;
	_ =	sdelay $0x1  }
0x4f: {  	(v2sf) =	vpush v19, $0x2;
	_ =	sdelay $0x1  }
0x50: {  	(v2sf) =	vpush v19, $0x3;
	_ =	sdelay $0x1  }
0x51: {  	(v2sf) =	vpush v19, $0x4;
	_ =	sdelay $0x1  }
0x52: {  	(v2sf) =	vpush v19, $0x5;
	_ =	sdelay $0x1  }
0x53: {  	(v2sf) =	vpush v19, $0x6;
	_ =	sdelay $0x1  }
0x54: {  	(v2sf) =	vpush v19, $0x7  }
0x55: {  	v18 =	vld [tilespmem:s22+$0x0];
	s30 =	spop (v2sf)  }
0x56: {  	v17 =	vld [tilespmem:s23+$0x0];
	(v2sf) =	vpush v19, $0x8;
	[tilespmem:s13], [sflag:$0x1] =	stream.strided.gather [hbm4b:s30+s11], $0x800, s12, s11, $0x38  }
0x57: {  	s29 =	rddreg [dreg:$0x9];
	s31 =	spop (v2sf)  }
0x58: {  	(v2sf) =	vpush v19, $0x9;
	[tilespmem:s29], [sflag:$0x1] =	stream.strided.gather [hbm4b:s31+s11], $0x800, s12, s11, $0x38;
	[tilespmem:$0x1C600] =	vst v63  }
0x59: {  	s30 =	rddreg [dreg:$0xa];
	s31 =	spop (v2sf)  }
0x5a: {  	(v2sf) =	vpush v19, $0xA;
	[tilespmem:s30], [sflag:$0x1] =	stream.strided.gather [hbm4b:s31+s11], $0x800, s12, s11, $0x38;
	[tilespmem:$0x1C600] =	vst v63  }
0x5b: {  	s29 =	rddreg [dreg:$0xb];
	s31 =	spop (v2sf)  }
0x5c: {  	(v2sf) =	vpush v19, $0xB;
	[tilespmem:s29], [sflag:$0x1] =	stream.strided.gather [hbm4b:s31+s11], $0x800, s12, s11, $0x38;
	[tilespmem:$0x1C600] =	vst v63  }
0x5d: {  	s30 =	rddreg [dreg:$0xc];
	s31 =	spop (v2sf)  }
0x5e: {  	(v2sf) =	vpush v19, $0xC;
	[tilespmem:s30], [sflag:$0x1] =	stream.strided.gather [hbm4b:s31+s11], $0x800, s12, s11, $0x38;
	[tilespmem:$0x1C600] =	vst v63  }
0x5f: {  	s29 =	rddreg [dreg:$0xd];
	s31 =	spop (v2sf)  }
0x60: {  	(v2sf) =	vpush v19, $0xD;
	[tilespmem:s29], [sflag:$0x1] =	stream.strided.gather [hbm4b:s31+s11], $0x800, s12, s11, $0x38;
	[tilespmem:$0x1C600] =	vst v63  }
0x61: {  	s30 =	rddreg [dreg:$0xe];
	s31 =	spop (v2sf)  }
0x62: {  	(v2sf) =	vpush v19, $0xE;
	[tilespmem:s30], [sflag:$0x1] =	stream.strided.gather [hbm4b:s31+s11], $0x800, s12, s11, $0x38;
	[tilespmem:$0x1C600] =	vst v63  }
0x63: {  	s29 =	rddreg [dreg:$0xf];
	s31 =	spop (v2sf)  }
0x64: {  	v20 =	vand.u32 $0xFFFFFF80, v18;
	(v2sf) =	vpush v19, $0xF;
	[tilespmem:s29], [sflag:$0x1] =	stream.strided.gather [hbm4b:s31+s11], $0x800, s12, s11, $0x38;
	[tilespmem:$0x1C600] =	vst v63  }
0x65: {  	v59 =	vadd.s32 s1, v20;
	s30 =	rddreg [dreg:$0x10];
	s31 =	spop (v2sf)  }
0x66: {  	(v2sf) =	vpush v59, $0x0;
	[tilespmem:s30], [sflag:$0x1] =	stream.strided.gather [hbm4b:s31+s11], $0x800, s12, s11, $0x38;
	[tilespmem:$0x1C600] =	vst v63  }
0x67: {  	s29 =	rddreg [dreg:$0x11];
	s31 =	spop (v2sf)  }
0x68: {  	(v2sf) =	vpush v59, $0x1;
	[tilespmem:s29], [sflag:$0x1] =	stream.strided.gather [hbm4b:s31+s11], $0x800, s12, s11, $0x38;
	[tilespmem:$0x1C600] =	vst v63  }
0x69: {  	s30 =	rddreg [dreg:$0x12];
	s31 =	spop (v2sf)  }
0x6a: {  	(v2sf) =	vpush v59, $0x2;
	[tilespmem:s30], [sflag:$0x1] =	stream.strided.gather [hbm4b:s31+s11], $0x800, s12, s11, $0x38;
	[tilespmem:$0x1C600] =	vst v63  }
0x6b: {  	s29 =	rddreg [dreg:$0x13];
	s31 =	spop (v2sf)  }
0x6c: {  	(v2sf) =	vpush v59, $0x3;
	[tilespmem:s29], [sflag:$0x1] =	stream.strided.gather [hbm4b:s31+s11], $0x800, s12, s11, $0x38;
	[tilespmem:$0x1C600] =	vst v63  }
0x6d: {  	s30 =	rddreg [dreg:$0x14];
	s31 =	spop (v2sf)  }
0x6e: {  	(v2sf) =	vpush v59, $0x4;
	[tilespmem:s30], [sflag:$0x1] =	stream.strided.gather [hbm4b:s31+s11], $0x800, s12, s11, $0x38;
	[tilespmem:$0x1C600] =	vst v63  }
0x6f: {  	s29 =	rddreg [dreg:$0x15];
	s31 =	spop (v2sf)  }
0x70: {  	(v2sf) =	vpush v59, $0x5;
	[tilespmem:s29], [sflag:$0x1] =	stream.strided.gather [hbm4b:s31+s11], $0x800, s12, s11, $0x38;
	[tilespmem:$0x1C600] =	vst v63  }
0x71: {  	s30 =	rddreg [dreg:$0x16];
	s31 =	spop (v2sf)  }
0x72: {  	(v2sf) =	vpush v59, $0x6;
	[tilespmem:s30], [sflag:$0x1] =	stream.strided.gather [hbm4b:s31+s11], $0x800, s12, s11, $0x38;
	[tilespmem:$0x1C600] =	vst v63  }
0x73: {  	s29 =	rddreg [dreg:$0x17];
	s31 =	spop (v2sf)  }
0x74: {  	(v2sf) =	vpush v59, $0x7;
	[tilespmem:s29], [sflag:$0x1] =	stream.strided.gather [hbm4b:s31+s11], $0x800, s12, s11, $0x38;
	[tilespmem:$0x1C600] =	vst v63  }
0x75: {  	s30 =	spop (v2sf);
	s29 =	rddreg [dreg:$0x18]  }
0x76: {  	(v2sf) =	vpush v59, $0x8;
	[tilespmem:s14], [sflag:$0x1] =	stream.strided.gather [hbm4b:s30+s11], $0x800, s12, s11, $0x38;
	[tilespmem:$0x1C600] =	vst v63  }
0x77: {  	s31 =	spop (v2sf);
	s30 =	rddreg [dreg:$0x19]  }
0x78: {  	(v2sf) =	vpush v59, $0x9;
	[tilespmem:s29], [sflag:$0x1] =	stream.strided.gather [hbm4b:s31+s11], $0x800, s12, s11, $0x38;
	[tilespmem:$0x1C600] =	vst v63  }
0x79: {  	s31 =	spop (v2sf);
	s29 =	rddreg [dreg:$0x1a]  }
0x7a: {  	(v2sf) =	vpush v59, $0xA;
	[tilespmem:s30], [sflag:$0x1] =	stream.strided.gather [hbm4b:s31+s11], $0x800, s12, s11, $0x38;
	[tilespmem:$0x1C600] =	vst v63  }
0x7b: {  	s31 =	spop (v2sf);
	s30 =	rddreg [dreg:$0x1b]  }
0x7c: {  	(v2sf) =	vpush v59, $0xB;
	[tilespmem:s29], [sflag:$0x1] =	stream.strided.gather [hbm4b:s31+s11], $0x800, s12, s11, $0x38;
	[tilespmem:$0x1C600] =	vst v63  }
0x7d: {  	s31 =	spop (v2sf);
	s29 =	rddreg [dreg:$0x1c]  }
0x7e: {  	(v2sf) =	vpush v59, $0xC;
	[tilespmem:s30], [sflag:$0x1] =	stream.strided.gather [hbm4b:s31+s11], $0x800, s12, s11, $0x38;
	[tilespmem:$0x1C600] =	vst v63  }
0x7f: {  	s31 =	spop (v2sf);
	s30 =	rddreg [dreg:$0x1d]  }
0x80: {  	(v2sf) =	vpush v59, $0xD;
	[tilespmem:s29], [sflag:$0x1] =	stream.strided.gather [hbm4b:s31+s11], $0x800, s12, s11, $0x38;
	[tilespmem:$0x1C600] =	vst v63  }
0x81: {  	s31 =	spop (v2sf);
	s29 =	rddreg [dreg:$0x1e]  }
0x82: {  	(v2sf) =	vpush v59, $0xE;
	[tilespmem:s30], [sflag:$0x1] =	stream.strided.gather [hbm4b:s31+s11], $0x800, s12, s11, $0x38;
	[tilespmem:$0x1C600] =	vst v63  }
0x83: {  	s31 =	spop (v2sf);
	s30 =	rddreg [dreg:$0x1f]  }
0x84: {  	v60 =	vand.u32 $0xFFFFFF80, v17;
	(v2sf) =	vpush v59, $0xF;
	[tilespmem:s29], [sflag:$0x1] =	stream.strided.gather [hbm4b:s31+s11], $0x800, s12, s11, $0x38;
	[tilespmem:$0x1C600] =	vst v63  }
0x85: {  	v61 =	vadd.s32 s1, v60;
	s31 =	spop (v2sf);
	s29 =	sld [smem:$0x7E8]  }
0x86: {  	(v2sf) =	vpush v61, $0x0;
	[tilespmem:s30], [sflag:$0x1] =	stream.strided.gather [hbm4b:s31+s11], $0x800, s12, s11, $0x38;
	[tilespmem:$0x1C600] =	vst v63  }
0x87: {  	s31 =	spop (v2sf);
	s30 =	sld [smem:$0x7E9]  }
0x88: {  	(v2sf) =	vpush v61, $0x1;
	[tilespmem:s29], [sflag:$0x1] =	stream.strided.gather [hbm4b:s31+s11], $0x800, s12, s11, $0x38;
	[tilespmem:$0x1C600] =	vst v63  }
0x89: {  	s31 =	spop (v2sf);
	s29 =	sld [smem:$0x7EA]  }
0x8a: {  	(v2sf) =	vpush v61, $0x2;
	[tilespmem:s30], [sflag:$0x1] =	stream.strided.gather [hbm4b:s31+s11], $0x800, s12, s11, $0x38;
	[tilespmem:$0x1C600] =	vst v63  }
0x8b: {  	s31 =	spop (v2sf);
	s30 =	sld [smem:$0x7EB]  }
0x8c: {  	(v2sf) =	vpush v61, $0x3;
	[tilespmem:s29], [sflag:$0x1] =	stream.strided.gather [hbm4b:s31+s11], $0x800, s12, s11, $0x38;
	[tilespmem:$0x1C600] =	vst v63  }
0x8d: {  	s31 =	spop (v2sf);
	s29 =	sld [smem:$0x7EC]  }
0x8e: {  	(v2sf) =	vpush v61, $0x4;
	[tilespmem:s30], [sflag:$0x1] =	stream.strided.gather [hbm4b:s31+s11], $0x800, s12, s11, $0x38;
	[tilespmem:$0x1C600] =	vst v63  }
0x8f: {  	s31 =	spop (v2sf);
	s30 =	sld [smem:$0x7ED]  }
0x90: {  	(v2sf) =	vpush v61, $0x5;
	[tilespmem:s29], [sflag:$0x1] =	stream.strided.gather [hbm4b:s31+s11], $0x800, s12, s11, $0x38;
	[tilespmem:$0x1C600] =	vst v63  }
0x91: {  	s31 =	spop (v2sf);
	s29 =	sld [smem:$0x7EE]  }
0x92: {  	(v2sf) =	vpush v61, $0x6;
	[tilespmem:s30], [sflag:$0x1] =	stream.strided.gather [hbm4b:s31+s11], $0x800, s12, s11, $0x38;
	[tilespmem:$0x1C600] =	vst v63  }
0x93: {  	s31 =	spop (v2sf)  }
0x94: {  	(v2sf) =	vpush v61, $0x7;
	[tilespmem:s29], [sflag:$0x1] =	stream.strided.gather [hbm4b:s31+s11], $0x800, s12, s11, $0x38;
	[tilespmem:$0x1C600] =	vst v63  }
0x95: {  	s30 =	spop (v2sf);
	s29 =	sld [smem:$0x7EF]  }
0x96: {  	(v2sf) =	vpush v61, $0x8;
	[tilespmem:s15], [sflag:$0x1] =	stream.strided.gather [hbm4b:s30+s11], $0x800, s12, s11, $0x38;
	[tilespmem:$0x1C600] =	vst v63  }
0x97: {  	s31 =	spop (v2sf);
	s30 =	sld [smem:$0x7F0]  }
0x98: {  	(v2sf) =	vpush v61, $0x9;
	[tilespmem:s29], [sflag:$0x1] =	stream.strided.gather [hbm4b:s31+s11], $0x800, s12, s11, $0x38;
	[tilespmem:$0x1C600] =	vst v63  }
0x99: {  	s31 =	spop (v2sf);
	s29 =	sld [smem:$0x7F1]  }
0x9a: {  	(v2sf) =	vpush v61, $0xA;
	[tilespmem:s30], [sflag:$0x1] =	stream.strided.gather [hbm4b:s31+s11], $0x800, s12, s11, $0x38;
	[tilespmem:$0x1C600] =	vst v63  }
0x9b: {  	s31 =	spop (v2sf);
	s30 =	sld [smem:$0x7F2]  }
0x9c: {  	(v2sf) =	vpush v61, $0xB;
	[tilespmem:s29], [sflag:$0x1] =	stream.strided.gather [hbm4b:s31+s11], $0x800, s12, s11, $0x38;
	[tilespmem:$0x1C600] =	vst v63  }
0x9d: {  	s31 =	spop (v2sf);
	s29 =	sld [smem:$0x7F3]  }
0x9e: {  	(v2sf) =	vpush v61, $0xC;
	[tilespmem:s30], [sflag:$0x1] =	stream.strided.gather [hbm4b:s31+s11], $0x800, s12, s11, $0x38;
	[tilespmem:$0x1C600] =	vst v63  }
0x9f: {  	s31 =	spop (v2sf);
	s30 =	sld [smem:$0x7F4]  }
0xa0: {  	(v2sf) =	vpush v61, $0xD;
	[tilespmem:s29], [sflag:$0x1] =	stream.strided.gather [hbm4b:s31+s11], $0x800, s12, s11, $0x38;
	[tilespmem:$0x1C600] =	vst v63  }
0xa1: {  	s31 =	spop (v2sf);
	s29 =	sld [smem:$0x7F5]  }
0xa2: {  	(v2sf) =	vpush v61, $0xE;
	[tilespmem:s30], [sflag:$0x1] =	stream.strided.gather [hbm4b:s31+s11], $0x800, s12, s11, $0x38;
	[tilespmem:$0x1C600] =	vst v63  }
0xa3: {  	s31 =	spop (v2sf);
	s30 =	sld [smem:$0x7F6]  }
0xa4: {  	(v2sf) =	vpush v61, $0xF;
	[tilespmem:s29], [sflag:$0x1] =	stream.strided.gather [hbm4b:s31+s11], $0x800, s12, s11, $0x38;
	[tilespmem:$0x1C600] =	vst v63  }
0xa5: {  	s31 =	spop (v2sf);
	s29 =	sld [smem:$0x7F7]  }
0xa6: {  	[tilespmem:s30], [sflag:$0x1] =	stream.strided.gather [hbm4b:s31+s11], $0x800, s12, s11, $0x38;
	[tilespmem:$0x1C600] =	vst v63  }
0xa7: {  	s31 =	spop (v2sf);
	s30 =	sld [smem:$0x7F8]  }
0xa8: {  	[tilespmem:s29], [sflag:$0x1] =	stream.strided.gather [hbm4b:s31+s11], $0x800, s12, s11, $0x38;
	[tilespmem:$0x1C600] =	vst v63  }
0xa9: {  	s31 =	spop (v2sf);
	s29 =	sld [smem:$0x7F9]  }
0xaa: {  	[tilespmem:s30], [sflag:$0x1] =	stream.strided.gather [hbm4b:s31+s11], $0x800, s12, s11, $0x38;
	[tilespmem:$0x1C600] =	vst v63  }
0xab: {  	s31 =	spop (v2sf);
	s30 =	sld [smem:$0x7FA]  }
0xac: {  	[tilespmem:s29], [sflag:$0x1] =	stream.strided.gather [hbm4b:s31+s11], $0x800, s12, s11, $0x38;
	[tilespmem:$0x1C600] =	vst v63  }
0xad: {  	s31 =	spop (v2sf);
	s29 =	sld [smem:$0x7FB]  }
0xae: {  	[tilespmem:s30], [sflag:$0x1] =	stream.strided.gather [hbm4b:s31+s11], $0x800, s12, s11, $0x38;
	[tilespmem:$0x1C600] =	vst v63  }
0xaf: {  	s31 =	spop (v2sf);
	s30 =	sld [smem:$0x7FC]  }
0xb0: {  	[tilespmem:s29], [sflag:$0x1] =	stream.strided.gather [hbm4b:s31+s11], $0x800, s12, s11, $0x38;
	[tilespmem:$0x1C600] =	vst v63  }
0xb1: {  	s31 =	spop (v2sf);
	s29 =	sld [smem:$0x7FD]  }
0xb2: {  	[tilespmem:s30], [sflag:$0x1] =	stream.strided.gather [hbm4b:s31+s11], $0x800, s12, s11, $0x38;
	[tilespmem:$0x1C600] =	vst v63  }
0xb3: {  	s31 =	spop (v2sf)  }
0xb4: {  	[tilespmem:s29], [sflag:$0x1] =	stream.strided.gather [hbm4b:s31+s11], $0x800, s12, s11, $0x38;
	[tilespmem:$0x1C600] =	vst v63  }
0xb5: {  	_ =	swait.ge [sflag:s16], $0x800  }
0xb6: {  	[sflag:s16] =	ssyncset.done $0x0  }
0xb7: {  	[sflag:s16] =	ssyncadd.s32 $0xFFFFF800  }
0xb8: {  	_ =	swait.ge [sflag:s16], $0x800  }
0xb9: {  	[sflag:s16] =	ssyncset.done $0x0  }
0xba: {  	[sflag:s16] =	ssyncadd.s32 $0xFFFFF800  }
0xbb: {  	_ =	swait.ge [sflag:s16], $0x800  }
0xbc: {  	[sflag:s16] =	ssyncset.done $0x0  }
0xbd: {  	[sflag:s16] =	ssyncadd.s32 $0xFFFFF800  }
0xbe: {  	_ =	swait.ge [sflag:s16], $0x800  }
0xbf: {  	[sflag:s16] =	ssyncset.done $0x0  }
0xc0: {  	[sflag:s16] =	ssyncadd.s32 $0xFFFFF800  }
0xc1: {  	_ =	swait.ge [sflag:s16], $0x800  }
0xc2: {  	[sflag:s16] =	ssyncset.done $0x0  }
0xc3: {  	[sflag:s16] =	ssyncadd.s32 $0xFFFFF800  }
0xc4: {  	_ =	swait.ge [sflag:s16], $0x800  }
0xc5: {  	[sflag:s16] =	ssyncset.done $0x0  }
0xc6: {  	[sflag:s16] =	ssyncadd.s32 $0xFFFFF800  }
0xc7: {  	_ =	swait.ge [sflag:s16], $0x800  }
0xc8: {  	[sflag:s16] =	ssyncset.done $0x0  }
0xc9: {  	[sflag:s16] =	ssyncadd.s32 $0xFFFFF800  }
0xca: {  	_ =	swait.ge [sflag:s16], $0x800  }
0xcb: {  	[sflag:s16] =	ssyncset.done $0x0  }
0xcc: {  	[sflag:s16] =	ssyncadd.s32 $0xFFFFF800  }
0xcd: {  	_ =	swait.ge [sflag:s16], $0x800  }
0xce: {  	[sflag:s16] =	ssyncset.done $0x0  }
0xcf: {  	[sflag:s16] =	ssyncadd.s32 $0xFFFFF800  }
0xd0: {  	_ =	swait.ge [sflag:s16], $0x800  }
0xd1: {  	[sflag:s16] =	ssyncset.done $0x0  }
0xd2: {  	[sflag:s16] =	ssyncadd.s32 $0xFFFFF800  }
0xd3: {  	_ =	swait.ge [sflag:s16], $0x800  }
0xd4: {  	[sflag:s16] =	ssyncset.done $0x0  }
0xd5: {  	[sflag:s16] =	ssyncadd.s32 $0xFFFFF800  }
0xd6: {  	_ =	swait.ge [sflag:s16], $0x800  }
0xd7: {  	[sflag:s16] =	ssyncset.done $0x0  }
0xd8: {  	[sflag:s16] =	ssyncadd.s32 $0xFFFFF800  }
0xd9: {  	_ =	swait.ge [sflag:s16], $0x800  }
0xda: {  	[sflag:s16] =	ssyncset.done $0x0  }
0xdb: {  	[sflag:s16] =	ssyncadd.s32 $0xFFFFF800  }
0xdc: {  	_ =	swait.ge [sflag:s16], $0x800  }
0xdd: {  	[sflag:s16] =	ssyncset.done $0x0  }
0xde: {  	[sflag:s16] =	ssyncadd.s32 $0xFFFFF800  }
0xdf: {  	_ =	swait.ge [sflag:s16], $0x800  }
0xe0: {  	[sflag:s16] =	ssyncset.done $0x0  }
0xe1: {  	[sflag:s16] =	ssyncadd.s32 $0xFFFFF800  }
0xe2: {  	_ =	swait.ge [sflag:s16], $0x800  }
0xe3: {  	[sflag:s16] =	ssyncset.done $0x0  }
0xe4: {  	[sflag:s16] =	ssyncadd.s32 $0xFFFFF800  }
0xe5: {  	_ =	swait.ge [sflag:s16], $0x800  }
0xe6: {  	[sflag:s16] =	ssyncset.done $0x0  }
0xe7: {  	[sflag:s16] =	ssyncadd.s32 $0xFFFFF800  }
0xe8: {  	_ =	swait.ge [sflag:s16], $0x800  }
0xe9: {  	[sflag:s16] =	ssyncset.done $0x0  }
0xea: {  	[sflag:s16] =	ssyncadd.s32 $0xFFFFF800  }
0xeb: {  	_ =	swait.ge [sflag:s16], $0x800  }
0xec: {  	[sflag:s16] =	ssyncset.done $0x0  }
0xed: {  	[sflag:s16] =	ssyncadd.s32 $0xFFFFF800  }
0xee: {  	_ =	swait.ge [sflag:s16], $0x800  }
0xef: {  	[sflag:s16] =	ssyncset.done $0x0  }
0xf0: {  	[sflag:s16] =	ssyncadd.s32 $0xFFFFF800  }
0xf1: {  	_ =	swait.ge [sflag:s16], $0x800  }
0xf2: {  	[sflag:s16] =	ssyncset.done $0x0  }
0xf3: {  	[sflag:s16] =	ssyncadd.s32 $0xFFFFF800  }
0xf4: {  	_ =	swait.ge [sflag:s16], $0x800  }
0xf5: {  	[sflag:s16] =	ssyncset.done $0x0  }
0xf6: {  	[sflag:s16] =	ssyncadd.s32 $0xFFFFF800  }
0xf7: {  	_ =	swait.ge [sflag:s16], $0x800  }
0xf8: {  	[sflag:s16] =	ssyncset.done $0x0  }
0xf9: {  	[sflag:s16] =	ssyncadd.s32 $0xFFFFF800  }
0xfa: {  	_ =	swait.ge [sflag:s16], $0x800  }
0xfb: {  	[sflag:s16] =	ssyncset.done $0x0  }
0xfc: {  	[sflag:s16] =	ssyncadd.s32 $0xFFFFF800  }
0xfd: {  	_ =	swait.ge [sflag:s16], $0x800  }
0xfe: {  	[sflag:s16] =	ssyncset.done $0x0  }
0xff: {  	[sflag:s16] =	ssyncadd.s32 $0xFFFFF800  }
0x100: {  	_ =	swait.ge [sflag:s16], $0x800  }
0x101: {  	[sflag:s16] =	ssyncset.done $0x0  }
0x102: {  	[sflag:s16] =	ssyncadd.s32 $0xFFFFF800  }
0x103: {  	_ =	swait.ge [sflag:s16], $0x800  }
0x104: {  	[sflag:s16] =	ssyncset.done $0x0  }
0x105: {  	[sflag:s16] =	ssyncadd.s32 $0xFFFFF800  }
0x106: {  	_ =	swait.ge [sflag:s16], $0x800  }
0x107: {  	[sflag:s16] =	ssyncset.done $0x0  }
0x108: {  	[sflag:s16] =	ssyncadd.s32 $0xFFFFF800  }
0x109: {  	_ =	swait.ge [sflag:s16], $0x800  }
0x10a: {  	[sflag:s16] =	ssyncset.done $0x0  }
0x10b: {  	[sflag:s16] =	ssyncadd.s32 $0xFFFFF800  }
0x10c: {  	_ =	swait.ge [sflag:s16], $0x800  }
0x10d: {  	[sflag:s16] =	ssyncset.done $0x0  }
0x10e: {  	[sflag:s16] =	ssyncadd.s32 $0xFFFFF800  }
0x10f: {  	_ =	swait.ge [sflag:s16], $0x800  }
0x110: {  	[sflag:s16] =	ssyncset.done $0x0  }
0x111: {  	[sflag:s16] =	ssyncadd.s32 $0xFFFFF800  }
0x112: {  	_ =	swait.ge [sflag:s16], $0x800  }
0x113: {  	[sflag:s16] =	ssyncset.done $0x0  }
0x114: {  	[sflag:s16] =	ssyncadd.s32 $0xFFFFF800  }
0x115: {  	_ =	swait.ge [sflag:s16], $0x800  }
0x116: {  	[sflag:s16] =	ssyncset.done $0x0  }
0x117: {  	[sflag:s16] =	ssyncadd.s32 $0xFFFFF800  }
0x118: {  	_ =	swait.ge [sflag:s16], $0x800  }
0x119: {  	[sflag:s16] =	ssyncset.done $0x0  }
0x11a: {  	[sflag:s16] =	ssyncadd.s32 $0xFFFFF800  }
0x11b: {  	_ =	swait.ge [sflag:s16], $0x800  }
0x11c: {  	[sflag:s16] =	ssyncset.done $0x0  }
0x11d: {  	[sflag:s16] =	ssyncadd.s32 $0xFFFFF800  }
0x11e: {  	_ =	swait.ge [sflag:s16], $0x800  }
0x11f: {  	[sflag:s16] =	ssyncset.done $0x0  }
0x120: {  	[sflag:s16] =	ssyncadd.s32 $0xFFFFF800  }
0x121: {  	_ =	swait.ge [sflag:s16], $0x800  }
0x122: {  	[sflag:s16] =	ssyncset.done $0x0  }
0x123: {  	[sflag:s16] =	ssyncadd.s32 $0xFFFFF800  }
0x124: {  	_ =	swait.ge [sflag:s16], $0x800  }
0x125: {  	[sflag:s16] =	ssyncset.done $0x0  }
0x126: {  	[sflag:s16] =	ssyncadd.s32 $0xFFFFF800  }
0x127: {  	_ =	swait.ge [sflag:s16], $0x800  }
0x128: {  	[sflag:s16] =	ssyncset.done $0x0  }
0x129: {  	[sflag:s16] =	ssyncadd.s32 $0xFFFFF800  }
0x12a: {  	_ =	swait.ge [sflag:s16], $0x800  }
0x12b: {  	[sflag:s16] =	ssyncset.done $0x0  }
0x12c: {  	[sflag:s16] =	ssyncadd.s32 $0xFFFFF800  }
0x12d: {  	_ =	swait.ge [sflag:s16], $0x800  }
0x12e: {  	[sflag:s16] =	ssyncset.done $0x0  }
0x12f: {  	[sflag:s16] =	ssyncadd.s32 $0xFFFFF800  }
0x130: {  	_ =	swait.ge [sflag:s16], $0x800  }
0x131: {  	[sflag:s16] =	ssyncset.done $0x0  }
0x132: {  	[sflag:s16] =	ssyncadd.s32 $0xFFFFF800  }
0x133: {  	_ =	swait.ge [sflag:s16], $0x800  }
0x134: {  	[sflag:s16] =	ssyncset.done $0x0  }
0x135: {  	[sflag:s16] =	ssyncadd.s32 $0xFFFFF800  }
0x136: {  	_ =	swait.ge [sflag:s16], $0x800  }
0x137: {  	[sflag:s16] =	ssyncset.done $0x0  }
0x138: {  	[sflag:s16] =	ssyncadd.s32 $0xFFFFF800  }
0x139: {  	_ =	swait.ge [sflag:s16], $0x800  }
0x13a: {  	[sflag:s16] =	ssyncset.done $0x0  }
0x13b: {  	[sflag:s16] =	ssyncadd.s32 $0xFFFFF800  }
0x13c: {  	_ =	swait.ge [sflag:s16], $0x800  }
0x13d: {  	[sflag:s16] =	ssyncset.done $0x0  }
0x13e: {  	[sflag:s16] =	ssyncadd.s32 $0xFFFFF800  }
0x13f: {  	v16 =	vand.u32 $0x7F, v16;
	_ =	swait.ge [sflag:s16], $0x800  }
0x140: {  	v18 =	vand.u32 $0x7F, v18;
	v62 =	vor.u32 v0, v16;
	[sflag:s16] =	ssyncset.done $0x0  }
0x141: {  	v63 =	vor.u32 v0, v18;
	v17 =	vand.u32 $0x7F, v17;
	[sflag:s16] =	ssyncadd.s32 $0xFFFFF800  }
0x142: {  	v21 =	vor.u32 v0, v17;
	_ =	swait.ge [sflag:s16], $0x800  }
0x143: {  	[sflag:s16] =	ssyncset.done $0x0  }
0x144: {  	[sflag:s16] =	ssyncadd.s32 $0xFFFFF800  }
0x145: {  	v19 =	vld.idx.msk [tilespmem:v62+s13+$0x0], $0xffff  }
0x146: {  	v20 =	vld.idx.msk [tilespmem:v63+s14+$0x0], $0xffff  }
0x147: {  	v21 =	vld.idx.msk [tilespmem:v21+s15+$0x0], $0xffff;
	_ =	sdelay $0x2  }
0x148: {  	v22 =	vor.u32 v1, v16  }
0x149: {  	v23 =	vor.u32 v1, v18;
	s30 =	sand.u32 $0x70, s26;
	s31 =	sand.u32 $0xC00, s25;
	v20 =	vmul.f32 v20, v19  }
0x14a: {  	v24 =	vor.u32 v1, v17;
	s28 =	sor.u32 s30, s31;
	v19 =	vmul.f32 v21, v19  }
0x14b: {  	[tilespmem:s28+$0x18600] =	vst v20  }
0x14c: {  	[tilespmem:s28+$0x1A600] =	vst v19  }
0x14d: {  	v19 =	vld.idx.msk [tilespmem:v22+s13+$0x0], $0xffff  }
0x14e: {  	v20 =	vld.idx.msk [tilespmem:v23+s14+$0x0], $0xffff  }
0x14f: {  	v21 =	vld.idx.msk [tilespmem:v24+s15+$0x0], $0xffff;
	_ =	sdelay $0x2  }
0x150: {  	v25 =	vor.u32 v2, v16  }
0x151: {  	v26 =	vor.u32 v2, v18;
	v20 =	vmul.f32 v20, v19  }
0x152: {  	v27 =	vor.u32 v2, v17;
	v19 =	vmul.f32 v21, v19  }
0x153: {  	[tilespmem:s28+$0x18680] =	vst v20  }
0x154: {  	[tilespmem:s28+$0x1A680] =	vst v19  }
0x155: {  	v19 =	vld.idx.msk [tilespmem:v25+s13+$0x0], $0xffff  }
0x156: {  	v20 =	vld.idx.msk [tilespmem:v26+s14+$0x0], $0xffff  }
0x157: {  	v21 =	vld.idx.msk [tilespmem:v27+s15+$0x0], $0xffff;
	_ =	sdelay $0x2  }
0x158: {  	v28 =	vor.u32 v3, v16  }
0x159: {  	v29 =	vor.u32 v3, v18;
	v20 =	vmul.f32 v20, v19  }
0x15a: {  	v30 =	vor.u32 v3, v17;
	v19 =	vmul.f32 v21, v19  }
0x15b: {  	[tilespmem:s28+$0x18700] =	vst v20  }
0x15c: {  	[tilespmem:s28+$0x1A700] =	vst v19  }
0x15d: {  	v19 =	vld.idx.msk [tilespmem:v28+s13+$0x0], $0xffff  }
0x15e: {  	v20 =	vld.idx.msk [tilespmem:v29+s14+$0x0], $0xffff  }
0x15f: {  	v21 =	vld.idx.msk [tilespmem:v30+s15+$0x0], $0xffff;
	_ =	sdelay $0x2  }
0x160: {  	v31 =	vor.u32 v4, v16;
	s30 =	sand.u32 $0xFFFFFC00, s25  }
0x161: {  	v32 =	vor.u32 v4, v18;
	s29 =	sadd.s32 s30, s26;
	v20 =	vmul.f32 v20, v19  }
0x162: {  	v33 =	vor.u32 v4, v17;
	s31 =	sor.u32 $0x180, s29;
	v19 =	vmul.f32 v21, v19  }
0x163: {  	[tilespmem:s31+$0x18600] =	vst v20  }
0x164: {  	[tilespmem:s31+$0x1A600] =	vst v19  }
0x165: {  	v19 =	vld.idx.msk [tilespmem:v31+s13+$0x0], $0xffff  }
0x166: {  	v20 =	vld.idx.msk [tilespmem:v32+s14+$0x0], $0xffff  }
0x167: {  	v21 =	vld.idx.msk [tilespmem:v33+s15+$0x0], $0xffff;
	_ =	sdelay $0x2  }
0x168: {  	v34 =	vor.u32 v5, v16  }
0x169: {  	v35 =	vor.u32 v5, v18;
	v20 =	vmul.f32 v20, v19  }
0x16a: {  	v36 =	vor.u32 v5, v17;
	v19 =	vmul.f32 v21, v19  }
0x16b: {  	[tilespmem:s28+$0x18800] =	vst v20  }
0x16c: {  	[tilespmem:s28+$0x1A800] =	vst v19  }
0x16d: {  	v19 =	vld.idx.msk [tilespmem:v34+s13+$0x0], $0xffff  }
0x16e: {  	v20 =	vld.idx.msk [tilespmem:v35+s14+$0x0], $0xffff  }
0x16f: {  	v21 =	vld.idx.msk [tilespmem:v36+s15+$0x0], $0xffff;
	_ =	sdelay $0x2  }
0x170: {  	v37 =	vor.u32 v6, v16  }
0x171: {  	v38 =	vor.u32 v6, v18;
	v20 =	vmul.f32 v20, v19  }
0x172: {  	v39 =	vor.u32 v6, v17;
	v19 =	vmul.f32 v21, v19  }
0x173: {  	[tilespmem:s28+$0x18880] =	vst v20  }
0x174: {  	[tilespmem:s28+$0x1A880] =	vst v19  }
0x175: {  	v19 =	vld.idx.msk [tilespmem:v37+s13+$0x0], $0xffff  }
0x176: {  	v20 =	vld.idx.msk [tilespmem:v38+s14+$0x0], $0xffff  }
0x177: {  	v21 =	vld.idx.msk [tilespmem:v39+s15+$0x0], $0xffff;
	_ =	sdelay $0x2  }
0x178: {  	v40 =	vor.u32 v7, v16  }
0x179: {  	v41 =	vor.u32 v7, v18;
	v20 =	vmul.f32 v20, v19  }
0x17a: {  	v42 =	vor.u32 v7, v17;
	v19 =	vmul.f32 v21, v19  }
0x17b: {  	[tilespmem:s28+$0x18900] =	vst v20  }
0x17c: {  	[tilespmem:s28+$0x1A900] =	vst v19  }
0x17d: {  	v19 =	vld.idx.msk [tilespmem:v40+s13+$0x0], $0xffff  }
0x17e: {  	v20 =	vld.idx.msk [tilespmem:v41+s14+$0x0], $0xffff  }
0x17f: {  	v21 =	vld.idx.msk [tilespmem:v42+s15+$0x0], $0xffff;
	_ =	sdelay $0x2  }
0x180: {  	v43 =	vor.u32 v8, v16  }
0x181: {  	v44 =	vor.u32 v8, v18;
	s30 =	sor.u32 s26, s25;
	v20 =	vmul.f32 v20, v19  }
0x182: {  	v45 =	vor.u32 v8, v17;
	s31 =	sor.u32 $0x380, s30;
	v19 =	vmul.f32 v21, v19  }
0x183: {  	[tilespmem:s31+$0x18600] =	vst v20  }
0x184: {  	[tilespmem:s31+$0x1A600] =	vst v19  }
0x185: {  	v19 =	vld.idx.msk [tilespmem:v43+s13+$0x0], $0xffff  }
0x186: {  	v20 =	vld.idx.msk [tilespmem:v44+s14+$0x0], $0xffff  }
0x187: {  	v21 =	vld.idx.msk [tilespmem:v45+s15+$0x0], $0xffff;
	_ =	sdelay $0x2  }
0x188: {  	v46 =	vor.u32 v9, v16  }
0x189: {  	v47 =	vor.u32 v9, v18;
	v20 =	vmul.f32 v20, v19  }
0x18a: {  	v48 =	vor.u32 v9, v17;
	v19 =	vmul.f32 v21, v19  }
0x18b: {  	[tilespmem:s28+$0x19600] =	vst v20  }
0x18c: {  	[tilespmem:s28+$0x1B600] =	vst v19  }
0x18d: {  	v19 =	vld.idx.msk [tilespmem:v46+s13+$0x0], $0xffff  }
0x18e: {  	v20 =	vld.idx.msk [tilespmem:v47+s14+$0x0], $0xffff  }
0x18f: {  	v21 =	vld.idx.msk [tilespmem:v48+s15+$0x0], $0xffff;
	_ =	sdelay $0x2  }
0x190: {  	v49 =	vor.u32 v10, v16  }
0x191: {  	v50 =	vor.u32 v10, v18;
	v20 =	vmul.f32 v20, v19  }
0x192: {  	v51 =	vor.u32 v10, v17;
	v19 =	vmul.f32 v21, v19  }
0x193: {  	[tilespmem:s28+$0x19680] =	vst v20  }
0x194: {  	[tilespmem:s28+$0x1B680] =	vst v19  }
0x195: {  	v19 =	vld.idx.msk [tilespmem:v49+s13+$0x0], $0xffff  }
0x196: {  	v20 =	vld.idx.msk [tilespmem:v50+s14+$0x0], $0xffff  }
0x197: {  	v21 =	vld.idx.msk [tilespmem:v51+s15+$0x0], $0xffff;
	_ =	sdelay $0x2  }
0x198: {  	v52 =	vor.u32 v11, v16  }
0x199: {  	v53 =	vor.u32 v11, v18;
	v20 =	vmul.f32 v20, v19  }
0x19a: {  	v54 =	vor.u32 v11, v17;
	v19 =	vmul.f32 v21, v19  }
0x19b: {  	[tilespmem:s28+$0x19700] =	vst v20  }
0x19c: {  	[tilespmem:s28+$0x1B700] =	vst v19  }
0x19d: {  	v19 =	vld.idx.msk [tilespmem:v52+s13+$0x0], $0xffff  }
0x19e: {  	v20 =	vld.idx.msk [tilespmem:v53+s14+$0x0], $0xffff  }
0x19f: {  	v21 =	vld.idx.msk [tilespmem:v54+s15+$0x0], $0xffff;
	_ =	sdelay $0x2  }
0x1a0: {  	v55 =	vor.u32 v12, v16  }
0x1a1: {  	v56 =	vor.u32 v12, v18;
	v20 =	vmul.f32 v20, v19  }
0x1a2: {  	v57 =	vor.u32 v12, v17;
	s29 =	sor.u32 $0x1180, s29;
	v19 =	vmul.f32 v21, v19  }
0x1a3: {  	[tilespmem:s29+$0x18600] =	vst v20  }
0x1a4: {  	[tilespmem:s29+$0x1A600] =	vst v19  }
0x1a5: {  	v19 =	vld.idx.msk [tilespmem:v55+s13+$0x0], $0xffff  }
0x1a6: {  	v20 =	vld.idx.msk [tilespmem:v56+s14+$0x0], $0xffff  }
0x1a7: {  	v21 =	vld.idx.msk [tilespmem:v57+s15+$0x0], $0xffff;
	_ =	sdelay $0x2  }
0x1a8: {  	v58 =	vor.u32 v13, v16  }
0x1a9: {  	v59 =	vor.u32 v13, v18;
	v20 =	vmul.f32 v20, v19  }
0x1aa: {  	v60 =	vor.u32 v13, v17;
	v19 =	vmul.f32 v21, v19  }
0x1ab: {  	[tilespmem:s28+$0x19800] =	vst v20  }
0x1ac: {  	[tilespmem:s28+$0x1B800] =	vst v19  }
0x1ad: {  	v19 =	vld.idx.msk [tilespmem:v58+s13+$0x0], $0xffff  }
0x1ae: {  	v20 =	vld.idx.msk [tilespmem:v59+s14+$0x0], $0xffff  }
0x1af: {  	v21 =	vld.idx.msk [tilespmem:v60+s15+$0x0], $0xffff;
	_ =	sdelay $0x2  }
0x1b0: {  	v61 =	vor.u32 v14, v16  }
0x1b1: {  	v62 =	vor.u32 v14, v18;
	v20 =	vmul.f32 v20, v19  }
0x1b2: {  	v63 =	vor.u32 v14, v17;
	v19 =	vmul.f32 v21, v19  }
0x1b3: {  	[tilespmem:s28+$0x19880] =	vst v20  }
0x1b4: {  	[tilespmem:s28+$0x1B880] =	vst v19  }
0x1b5: {  	v19 =	vld.idx.msk [tilespmem:v61+s13+$0x0], $0xffff  }
0x1b6: {  	v20 =	vld.idx.msk [tilespmem:v62+s14+$0x0], $0xffff  }
0x1b7: {  	v21 =	vld.idx.msk [tilespmem:v63+s15+$0x0], $0xffff;
	_ =	sdelay $0x2  }
0x1b8: {  	v16 =	vor.u32 v15, v16  }
0x1b9: {  	v18 =	vor.u32 v15, v18;
	v20 =	vmul.f32 v20, v19  }
0x1ba: {  	v17 =	vor.u32 v15, v17;
	v19 =	vmul.f32 v21, v19  }
0x1bb: {  	[tilespmem:s28+$0x19900] =	vst v20  }
0x1bc: {  	[tilespmem:s28+$0x1B900] =	vst v19  }
0x1bd: {  	v16 =	vld.idx.msk [tilespmem:v16+s13+$0x0], $0xffff  }
0x1be: {  	v18 =	vld.idx.msk [tilespmem:v18+s14+$0x0], $0xffff  }
0x1bf: {  	v17 =	vld.idx.msk [tilespmem:v17+s15+$0x0], $0xffff;
	_ =	sdelay $0x1  }
0x1c0: {  	p0 =	sne.s32 s26, $0x1F0  }
.Ltmp0:
0x1c1: {  	_ = 	snop;
	(pc) =	sbr.rel @p0 .LBB2_2-.Ltmp0, $4  }
0x1c2: {  	v18 =	vmul.f32 v18, v16  }
0x1c3: {  	s31 =	sor.u32 $0x1380, s30;
	v16 =	vmul.f32 v17, v16  }
0x1c4: {  	s24 =	sadd.s32 $0x10, s24;
	s22 =	sadd.s32 $0x10, s22;
	[tilespmem:s31+$0x18600] =	vst v18  }
0x1c5: {  	s23 =	sadd.s32 $0x10, s23;
	s25 =	sadd.s32 $0x80, s25;
	s26 =	sadd.s32 $0x10, s26;
	[tilespmem:s31+$0x1A600] =	vst v16  }
0x1c6: {  	[hbm4b:s7+s17] =	stream.strided.scatter [tilespmem:s19], [sflag:$0x2], $0x2000, s18, s17, $0x38;
	[tilespmem:$0x1C600] =	vst v63  }
0x1c7: {  	s21 =	sadd.s32 $0x1, s21;
	_ =	swait.ge [sflag:s10], $0x2000  }
0x1c8: {  	p0 =	sne.s32 s21, s9;
	[sflag:s10] =	ssyncset.done $0x0  }
.Ltmp1:
0x1c9: {  	[sflag:s10] =	ssyncadd.s32 $0xFFFFE000;
	(pc) =	sbr.rel @p0 .LBB2_1-.Ltmp1, $4  }
0x1ca: {  	[hbm4b:s8+s17] =	stream.strided.scatter [tilespmem:s20], [sflag:$0x2], $0x2000, s18, s17, $0x38;
	[tilespmem:$0x1C600] =	vst v63  }
0x1cb: {  	_ =	swait.ge [sflag:s10], $0x2000  }
0x1cc: {  	[sflag:s10] =	ssyncset.done $0x0  }
0x1cd: {  	[sflag:s10] =	ssyncadd.s32 $0xFFFFE000  }
0x1ce: {  	_ =	sfence.sel $0x180000  }
0x1cf: {  	[bflag:$0x0] =	sbarrier.arrive $0xFFFF  }
0x1d0: {  	p0 =	sne.s32 s3, $0x0;
	_ =	strace $0x90000047  }
0x1d1: {  	s0 =	sadd.s32 @!p0 $0x100000, s0;
	[bflag:$0x2] =	sbarrier.arrive $0xFFFF  }
0x1d2: {  	[sflag:s0] =	ssyncadd.tile.s32 @!p0 $0x1;
	_ =	shalt  }
.Lfunc_end2:
_tile_overlayer_lowered:
.L_overlay_start_2:
0x1d3: {  	(tag) =	ssettag $0x2  }
0x1d4: {  	s0 =	rddreg [dreg:$0x0];
	s2 =	stileid.u32  }
0x1d5: {  	s1 =	rddreg [dreg:$0x1];
	p0 =	sne.s32 s2, $0x0  }
0x1d6: {  	s3 =	rddreg [dreg:$0x2];
	[bflag:$0x3] =	sbarrier.arrive $0xFFFF;
	s2 =	simm.s32 @!p0 $0x1C02  }
0x1d7: {  	[timem:s3], [sflag:s2] =	dma.local @!p0 [hbm:s0], s1  }
0x1d8: {  	s0 =	simm.s32 @!p0 $0x2  }
0x1d9: {  	_ =	swait.ge @!p0 [sflag:s0], s1  }
0x1da: {  	s1 =	ssub.s32 @!p0 $0x0, s1;
	[sflag:s0] =	ssyncset.done @!p0 $0x0  }
0x1db: {  	[sflag:s0] =	ssyncadd.s32 @!p0 s1  }
0x1dc: {  	[bflag:$0x3] =	sbarrier.arrive $0xFFFF  }
0x1dd: {  	_ =	shalt  }

</sc_bundles>
